<compile_context>
chip_gen: v7x
topology: tpu7x:2x2x1
jax: 0.10.2.dev20260603
libtpu: 0.0.44.dev20260713+nightly
codegen_flags: <defaults>
</compile_context>

<pallas_src>
import functools

import jax
import jax.numpy as jnp
from jax import lax
from jax.experimental import pallas as pl
from jax.experimental.pallas import tpu as pltpu
from jax.experimental.pallas import tpu_sc as plsc

N = 4096
D_FEAT = 256
OUT_FEAT = 64
HID = 512
GCN_HID = 512
GCN_OUT = 256
N_NEIGHBORS = 30
SCALE_K = 15
K = 10

F32 = jnp.float32
BM = 256
BMS = 512


def _dot(a, b):
    return jnp.dot(a.astype(jnp.bfloat16), b.astype(jnp.bfloat16),
                   preferred_element_type=F32)


def _dg(a, b, dims):
    return lax.dot_general(a.astype(jnp.bfloat16), b.astype(jnp.bfloat16),
                           (dims, ((), ())), preferred_element_type=F32)


def _dg_hi(a, b, dims):
    return lax.dot_general(a, b, (dims, ((), ())), preferred_element_type=F32,
                           precision=lax.Precision.HIGHEST)


def _gram_body(xo_ref, w1_ref, b1_ref, w2_ref, b2_ref, g_ref):
    i = pl.program_id(0)
    h = jnp.maximum(_dot(xo_ref[...], w1_ref[...]) + b1_ref[...], 0.0)
    yb = _dot(h, w2_ref[...]) + b2_ref[...]
    g = _dg(yb, yb, ((0,), (0,)))

    @pl.when(i == 0)
    def _():
        g_ref[...] = jnp.zeros_like(g_ref)

    g_ref[...] += g


def _gram(x_orth, W1, b1, W2, b2):
    return pl.pallas_call(
        _gram_body,
        grid=(N // BM,),
        in_specs=[
            pl.BlockSpec((BM, D_FEAT), lambda i: (i, 0)),
            pl.BlockSpec((D_FEAT, HID), lambda i: (0, 0)),
            pl.BlockSpec((1, HID), lambda i: (0, 0)),
            pl.BlockSpec((HID, OUT_FEAT), lambda i: (0, 0)),
            pl.BlockSpec((1, OUT_FEAT), lambda i: (0, 0)),
        ],
        out_specs=pl.BlockSpec((OUT_FEAT, OUT_FEAT), lambda i: (0, 0)),
        out_shape=jax.ShapeDtypeStruct((OUT_FEAT, OUT_FEAT), F32),
    )(x_orth, W1, b1, W2, b2)


def _chol_body(g_ref, li_ref):
    f = OUT_FEAT
    rows = lax.broadcasted_iota(jnp.int32, (f, f), 0)
    cols = lax.broadcasted_iota(jnp.int32, (f, f), 1)
    eye = (rows == cols).astype(F32)
    m = g_ref[...] / jnp.float32(N) + 1e-6 * eye

    def chol_step(j, L):
        r = m - _dg_hi(L, L, ((1,), (1,)))
        vcol = jnp.sum(jnp.where(cols == j, r, 0.0), axis=1, keepdims=True)
        dj = jnp.sum(jnp.where((rows == j) & (cols == j), r, 0.0))
        newcol = vcol / jnp.sqrt(dj)
        return jnp.where((cols == j) & (rows >= j), newcol, L)

    L = lax.fori_loop(0, f, chol_step, jnp.zeros((f, f), F32))

    colid = lax.broadcasted_iota(jnp.int32, (1, f), 1)

    def inv_step(j, Li):
        lrow = jnp.sum(jnp.where(rows == j, L, 0.0), axis=0, keepdims=True)
        prod = _dg_hi(lrow, Li, ((1,), (0,)))
        ljj = jnp.sum(jnp.where((rows == j) & (cols == j), L, 0.0))
        ej = (colid == j).astype(F32)
        newrow = (ej - prod) / ljj
        return jnp.where(rows == j, newrow, Li)

    li_ref[...] = lax.fori_loop(0, f, inv_step, jnp.zeros((f, f), F32))


def _chol_inv(G):
    return pl.pallas_call(
        _chol_body,
        out_shape=jax.ShapeDtypeStruct((OUT_FEAT, OUT_FEAT), F32),
    )(G)


def _mlp_body(x_ref, w1_ref, b1_ref, w2_ref, b2_ref, li_ref, wg1_ref,
              os_ref, y_ref, xg_ref):
    xb = x_ref[...]
    h = jnp.maximum(_dot(xb, w1_ref[...]) + b1_ref[...], 0.0)
    s = _dot(h, w2_ref[...]) + b2_ref[...]
    o = _dg(s, li_ref[...], ((1,), (1,)))
    os_ref[...] = jnp.concatenate([o, s], axis=1)
    y_ref[...] = 64.0 * o
    xg_ref[...] = _dot(xb, wg1_ref[...])


def _mlp_all(x, W1, b1, W2, b2, Linv, Wg1):
    return pl.pallas_call(
        _mlp_body,
        grid=(N // BM,),
        in_specs=[
            pl.BlockSpec((BM, D_FEAT), lambda i: (i, 0)),
            pl.BlockSpec((D_FEAT, HID), lambda i: (0, 0)),
            pl.BlockSpec((1, HID), lambda i: (0, 0)),
            pl.BlockSpec((HID, OUT_FEAT), lambda i: (0, 0)),
            pl.BlockSpec((1, OUT_FEAT), lambda i: (0, 0)),
            pl.BlockSpec((OUT_FEAT, OUT_FEAT), lambda i: (0, 0)),
            pl.BlockSpec((D_FEAT, GCN_HID), lambda i: (0, 0)),
        ],
        out_specs=[
            pl.BlockSpec((BM, 2 * OUT_FEAT), lambda i: (i, 0)),
            pl.BlockSpec((BM, OUT_FEAT), lambda i: (i, 0)),
            pl.BlockSpec((BM, GCN_HID), lambda i: (i, 0)),
        ],
        out_shape=[
            jax.ShapeDtypeStruct((N, 2 * OUT_FEAT), F32),
            jax.ShapeDtypeStruct((N, OUT_FEAT), F32),
            jax.ShapeDtypeStruct((N, GCN_HID), F32),
        ],
    )(x, W1, b1, W2, b2, Linv, Wg1)


def _kth_extract(mat, k, kind):
    rows = mat.shape[0]
    bits = lax.bitcast_convert_type(mat, jnp.int32)
    kf = jnp.float32(k)
    if kind == "min":
        lo = jnp.full((rows, 1), -1, jnp.int32)
        hi = jnp.full((rows, 1), 0x7F7FFFFF, jnp.int32)

        def step(_, carry):
            lo, hi = carry
            mid = lo + ((hi - lo) >> 1)
            cnt = jnp.sum((bits <= mid).astype(F32), axis=1, keepdims=True)
            pred = cnt >= kf
            return jnp.where(pred, lo, mid), jnp.where(pred, mid, hi)

        lo, hi = lax.fori_loop(0, 31, step, (lo, hi))
        ans = hi
    else:
        lo = jnp.zeros((rows, 1), jnp.int32)
        hi = jnp.full((rows, 1), 0x7F800000, jnp.int32)

        def step(_, carry):
            lo, hi = carry
            mid = lo + ((hi - lo) >> 1)
            cnt = jnp.sum((bits >= mid).astype(F32), axis=1, keepdims=True)
            pred = cnt >= kf
            return jnp.where(pred, mid, lo), jnp.where(pred, hi, mid)

        lo, hi = lax.fori_loop(0, 31, step, (lo, hi))
        ans = lo
    return lax.bitcast_convert_type(ans, F32)


def _d2_panel(xb, xf):
    sqb = jnp.sum(xb * xb, axis=1, keepdims=True)
    sqf = jnp.sum(xf * xf, axis=1)
    panel = _dg(xb, xf, ((1,), (1,)))
    return jnp.maximum(sqb + sqf[None, :] - 2.0 * panel, 0.0)


def _col_to_row(col):
    n = col.shape[0]
    r = lax.broadcasted_iota(jnp.int32, (n, n), 0)
    c = lax.broadcasted_iota(jnp.int32, (n, n), 1)
    eye = (r == c).astype(F32)
    return _dg_hi(col, eye, ((0,), (0,)))


def _row_to_col(row):
    n = row.shape[1]
    r = lax.broadcasted_iota(jnp.int32, (n, n), 0)
    c = lax.broadcasted_iota(jnp.int32, (n, n), 1)
    eye = (r == c).astype(F32)
    return _dg_hi(eye, row, ((0,), (1,)))


def _scale_body(x_ref, xf_ref, sc_ref, sr_ref):
    d2 = _d2_panel(x_ref[...], xf_ref[...])
    t = _kth_extract(d2, SCALE_K + 1, "min")
    s = jnp.sqrt(t + 1e-12)
    sc_ref[...] = s
    sr_ref[...] = _col_to_row(s)


def _scale_kernel(x):
    return pl.pallas_call(
        _scale_body,
        grid=(N // BMS,),
        in_specs=[
            pl.BlockSpec((BMS, D_FEAT), lambda i: (i, 0)),
            pl.BlockSpec((N, D_FEAT), lambda i: (0, 0)),
        ],
        out_specs=[
            pl.BlockSpec((BMS, 1), lambda i: (i, 0)),
            pl.BlockSpec((1, BMS), lambda i: (0, i)),
        ],
        out_shape=[
            jax.ShapeDtypeStruct((N, 1), F32),
            jax.ShapeDtypeStruct((1, N), F32),
        ],
    )(x, x)


def _wm_body(x_ref, xf_ref, sc_ref, sr_ref, wm_ref, rs_ref, cs_ref):
    i = pl.program_id(0)
    d2 = _d2_panel(x_ref[...], xf_ref[...])
    wm = jnp.exp(-d2 / (sc_ref[...] * sr_ref[...] + 1e-8))
    thr = _kth_extract(wm, N_NEIGHBORS + 1, "max")
    wmm = wm * (wm >= thr).astype(F32)
    wm_ref[...] = wmm.astype(jnp.bfloat16)
    rs = jnp.sum(wmm, axis=1, keepdims=True)
    rs_ref[...] = _col_to_row(rs)

    @pl.when(i == 0)
    def _():
        cs_ref[...] = jnp.zeros_like(cs_ref)

    cs_ref[...] += jnp.sum(wmm, axis=0, keepdims=True)


def _wm_kernel(x, scale_col, scale_row):
    return pl.pallas_call(
        _wm_body,
        grid=(N // BMS,),
        in_specs=[
            pl.BlockSpec((BMS, D_FEAT), lambda i: (i, 0)),
            pl.BlockSpec((N, D_FEAT), lambda i: (0, 0)),
            pl.BlockSpec((BMS, 1), lambda i: (i, 0)),
            pl.BlockSpec((1, N), lambda i: (0, 0)),
        ],
        out_specs=[
            pl.BlockSpec((BMS, N), lambda i: (i, 0)),
            pl.BlockSpec((1, BMS), lambda i: (0, i)),
            pl.BlockSpec((1, N), lambda i: (0, 0)),
        ],
        out_shape=[
            jax.ShapeDtypeStruct((N, N), jnp.bfloat16),
            jax.ShapeDtypeStruct((1, N), F32),
            jax.ShapeDtypeStruct((1, N), F32),
        ],
    )(x, x, scale_col, scale_row)


def _prep_body(rs_ref, cs_ref, xg_ref, dinv_ref, c_ref):
    i = pl.program_id(0)
    drow = 0.5 * (rs_ref[...] + cs_ref[...])
    dinv = 1.0 / jnp.sqrt(drow + 1e-8)
    dinv_ref[...] = dinv
    c_ref[...] = xg_ref[...] * _row_to_col(dinv)


def _prep_kernel(rowsum_row, colsum_row, Xg1):
    return pl.pallas_call(
        _prep_body,
        grid=(N // BM,),
        in_specs=[
            pl.BlockSpec((1, BM), lambda i: (0, i)),
            pl.BlockSpec((1, BM), lambda i: (0, i)),
            pl.BlockSpec((BM, GCN_HID), lambda i: (i, 0)),
        ],
        out_specs=[
            pl.BlockSpec((1, BM), lambda i: (0, i)),
            pl.BlockSpec((BM, GCN_HID), lambda i: (i, 0)),
        ],
        out_shape=[
            jax.ShapeDtypeStruct((1, N), F32),
            jax.ShapeDtypeStruct((N, GCN_HID), F32),
        ],
    )(rowsum_row, colsum_row, Xg1)


def _gcn1_body(wr_ref, wc_ref, c_ref, dv_ref, wg2_ref, c2_ref):
    dcol = _row_to_col(dv_ref[...])
    t1 = _dot(wr_ref[...], c_ref[...])
    t2 = _dg(wc_ref[...], c_ref[...], ((0,), (0,)))
    h = jnp.maximum(0.5 * dcol * (t1 + t2), 0.0)
    c2_ref[...] = dcol * _dot(h, wg2_ref[...])


def _gcn1_kernel(Wmm, C, dinv_row, Wg2):
    return pl.pallas_call(
        _gcn1_body,
        grid=(N // BM,),
        in_specs=[
            pl.BlockSpec((BM, N), lambda i: (i, 0)),
            pl.BlockSpec((N, BM), lambda i: (0, i)),
            pl.BlockSpec((N, GCN_HID), lambda i: (0, 0)),
            pl.BlockSpec((1, BM), lambda i: (0, i)),
            pl.BlockSpec((GCN_HID, GCN_OUT), lambda i: (0, 0)),
        ],
        out_specs=pl.BlockSpec((BM, GCN_OUT), lambda i: (i, 0)),
        out_shape=jax.ShapeDtypeStruct((N, GCN_OUT), F32),
    )(Wmm, Wmm, C, dinv_row, Wg2)


def _gcn2_body(wr_ref, wc_ref, c2_ref, dv_ref, out_ref):
    dcol = _row_to_col(dv_ref[...])
    t1 = _dot(wr_ref[...], c2_ref[...])
    t2 = _dg(wc_ref[...], c2_ref[...], ((0,), (0,)))
    out_ref[...] = 0.5 * dcol * (t1 + t2)


def _gcn2_kernel(Wmm, C2, dinv_row):
    return pl.pallas_call(
        _gcn2_body,
        grid=(N // BM,),
        in_specs=[
            pl.BlockSpec((BM, N), lambda i: (i, 0)),
            pl.BlockSpec((N, BM), lambda i: (0, i)),
            pl.BlockSpec((N, GCN_OUT), lambda i: (0, 0)),
            pl.BlockSpec((1, BM), lambda i: (0, i)),
        ],
        out_specs=pl.BlockSpec((BM, GCN_OUT), lambda i: (i, 0)),
        out_shape=jax.ShapeDtypeStruct((N, GCN_OUT), F32),
    )(Wmm, Wmm, C2, dinv_row)


ROWS_PW = N // 32
CH = 8
NCHUNK = ROWS_PW // CH


def _sc_sqrt(x):
    i = plsc.bitcast(x, jnp.int32)
    r = plsc.bitcast(jnp.int32(0x5F3759DF) - (i >> 1), F32)
    for _ in range(3):
        r = r * (1.5 - 0.5 * x * r * r)
    s = x * r
    return 0.5 * (s + x / s)


def _sc_knn_body(os_hbm, idx_hbm, idxf_hbm, bet_hbm, alp_hbm,
                 a_hbm, eh_hbm,
                 idx_v, idx_f, selfo, g_os, stripe, ebuf, ib,
                 scal, sem_g, sem_s):
    wid = lax.axis_index("s") * 2 + lax.axis_index("c")
    base = wid * ROWS_PW

    pltpu.sync_copy(idx_hbm.at[pl.ds(base, ROWS_PW)], idx_v)
    pltpu.sync_copy(idxf_hbm.at[pl.ds(base * (K + 6), ROWS_PW * (K + 6))],
                    idx_f)
    pltpu.sync_copy(bet_hbm, scal)
    betav = scal[...]
    pltpu.sync_copy(alp_hbm, scal)
    alpav = scal[...]

    ii = lax.broadcasted_iota(jnp.int32, (16,), 0)
    valid = (ii >= 1) & (ii <= K)
    zeros16 = jnp.zeros((16,), F32)
    jf = (ii + 1).astype(F32)

    def zstep(t, _):
        stripe[t // (N // 16), pl.ds((t % (N // 16)) * 16, 16)] = zeros16
        return 0
    lax.fori_loop(0, CH * (N // 16), zstep, 0)

    def chunk_step(c, _):
        row0 = base + c * CH
        gcp = pltpu.async_copy(os_hbm.at[idx_f.at[pl.ds(c * CH * 16, CH * 16)]],
                               g_os, sem_g)
        pltpu.sync_copy(os_hbm.at[pl.ds(row0, CH)], selfo)
        gcp.wait()

        def row_step(r, _):
            i0 = c * CH + r
            idxvec = idx_v[i0]
            d2 = zeros16
            for j in range(1, K + 1):
                acc = zeros16
                for q in range(4):
                    t = g_os[r * 16 + j, pl.ds(q * 16, 16)] - selfo[r, pl.ds(q * 16, 16)]
                    acc = acc + t * t
                d2 = jnp.where(ii == j, jnp.sum(acc), d2)
            dxi = _sc_sqrt(d2 + 1e-8)
            dfi = _sc_sqrt(4096.0 * d2 + 1e-12)
            ad = -(dxi + betav * dfi) / (2.0 * alpav)
            adm = jnp.where(valid, ad, -3.0e38)
            u, _unused = plsc.sort_key_val(adm, adm, descending=True)
            css = plsc.cumsum(u)
            cond = ((u + (1.0 - css) / jf) > 0) & (ii < K)
            rho = plsc.all_reduce_population_count(cond)
            rhof = rho.astype(F32)
            cssrho = jnp.sum(jnp.where(ii == rho - 1, css, 0.0))
            theta = (cssrho - 1.0) / rhof
            vals = jnp.where(valid, jnp.maximum(ad - theta, 0.0), 0.0)
            ib[...] = idxvec
            dup = ii < 0
            for s in range(1, K):
                sh = plsc.load_gather(ib, [jnp.minimum(ii + s, 15)])
                dup = dup | ((idxvec == sh) & (ii >= 1) & (ii + s <= K))
            wvals = jnp.where(valid & (~dup), vals, 0.0)
            rsplat = jnp.broadcast_to(r, (16,)).astype(jnp.int32)
            plsc.store_scatter(stripe, [rsplat, idxvec], vals, mask=valid)
            ib[...] = plsc.bitcast(wvals, jnp.int32)
            accs = [zeros16] * 4
            for j in range(1, K + 1):
                wj = plsc.bitcast(
                    plsc.load_gather(ib, [jnp.full((16,), j, jnp.int32)]), F32)
                for q in range(4):
                    accs[q] = accs[q] + wj * g_os[r * 16 + j, pl.ds(64 + q * 16, 16)]
            for q in range(4):
                ebuf[i0, pl.ds(q * 16, 16)] = accs[q]
            return 0

        lax.fori_loop(0, CH, row_step, 0)
        pltpu.sync_copy(stripe, a_hbm.at[pl.ds(row0, CH)])

        def rz_step(r, _):
            idxvec = idx_v[c * CH + r]
            rsplat = jnp.broadcast_to(r, (16,)).astype(jnp.int32)
            plsc.store_scatter(stripe, [rsplat, idxvec], zeros16, mask=valid)
            return 0
        lax.fori_loop(0, CH, rz_step, 0)
        return 0

    lax.fori_loop(0, NCHUNK, chunk_step, 0)
    pltpu.sync_copy(ebuf, eh_hbm.at[pl.ds(base, ROWS_PW)])


def _sc_knn(OS, idx, beta16, alpha16):
    mesh = plsc.VectorSubcoreMesh(core_axis_name="c", subcore_axis_name="s")
    f = functools.partial(
        pl.kernel,
        out_type=[
            jax.ShapeDtypeStruct((N, N), F32),
            jax.ShapeDtypeStruct((N, OUT_FEAT), F32),
        ],
        mesh=mesh,
        compiler_params=pltpu.CompilerParams(needs_layout_passes=False),
        scratch_types=[
            pltpu.VMEM((ROWS_PW, K + 6), jnp.int32),
            pltpu.VMEM((ROWS_PW * (K + 6),), jnp.int32),
            pltpu.VMEM((CH, 2 * OUT_FEAT), F32),
            pltpu.VMEM((CH * 16, 2 * OUT_FEAT), F32),
            pltpu.VMEM((CH, N), F32),
            pltpu.VMEM((ROWS_PW, OUT_FEAT), F32),
            pltpu.VMEM((16,), jnp.int32),
            pltpu.VMEM((16,), F32),
            pltpu.SemaphoreType.DMA,
            pltpu.SemaphoreType.DMA,
        ],
    )(_sc_knn_body)
    idx_flat = idx.reshape(N * (K + 6))
    return f(OS, idx, idx_flat, beta16, alpha16)


def kernel(x, x_orth, beta, alpha, idx, W1, b1, W2, b2, Wg1, Wg2):
    b1r = b1.reshape(1, HID)
    b2r = b2.reshape(1, OUT_FEAT)
    idx = idx.astype(jnp.int32)
    beta16 = jnp.full((16,), beta, F32)
    alpha16 = jnp.full((16,), alpha, F32)

    G = _gram(x_orth, W1, b1r, W2, b2r)
    Linv = _chol_inv(G)
    OS, Y, Xg1 = _mlp_all(x, W1, b1r, W2, b2r, Linv, Wg1)

    scale_col, scale_row = _scale_kernel(x)
    Wmm, rowsum_row, colsum_row = _wm_kernel(x, scale_col, scale_row)
    dinv_row, C = _prep_kernel(rowsum_row, colsum_row, Xg1)
    C2 = _gcn1_kernel(Wmm, C, dinv_row, Wg2)
    embs_graph = _gcn2_kernel(Wmm, C2, dinv_row)

    A, embs_hom = _sc_knn(OS, idx, beta16, alpha16)
    return (embs_hom, embs_graph, A, Y)

# --- scband reference (transcript-rebuilt; emitter-appended) ---
"""Pipeline reference for scband-school-25013889532135 (READ-ONLY COPY).

The authoritative reference and input builder live on the scoring server;
editing this copy changes nothing except your own understanding.
"""

import jax, jax.numpy as jnp
import numpy as np

N = 4096
D_FEAT = 256
OUT_FEAT = 64
HID = 512
GCN_HID = 512
GCN_OUT = 256
N_NEIGHBORS = 30
SCALE_K = 15
K = 10


def setup_inputs(seed: int = 0):
    key = jax.random.key(seed)
    ks = jax.random.split(key, 8)
    x = jax.random.normal(ks[0], (N, D_FEAT), dtype=jnp.float32)
    x_orth = jax.random.normal(ks[1], (N, D_FEAT), dtype=jnp.float32)
    idx = jax.random.randint(ks[2], (N, K + 6), 0, N)
    W1 = jax.random.normal(ks[3], (D_FEAT, HID), dtype=jnp.float32) * 0.05
    b1 = jnp.zeros((HID,), jnp.float32)
    W2 = jax.random.normal(ks[4], (HID, OUT_FEAT), dtype=jnp.float32) * 0.05
    b2 = jnp.zeros((OUT_FEAT,), jnp.float32)
    Wg1 = jax.random.normal(ks[5], (D_FEAT, GCN_HID), dtype=jnp.float32) * 0.05
    Wg2 = jax.random.normal(ks[6], (GCN_HID, GCN_OUT), dtype=jnp.float32) * 0.05
    return {"x": x, "x_orth": x_orth, "beta": 1.0, "alpha": 1.0, "idx": idx,
            "W1": W1, "b1": b1, "W2": W2, "b2": b2, "Wg1": Wg1, "Wg2": Wg2}


def _mlp(x, W1, b1, W2, b2):
    h = jax.nn.relu(x @ W1 + b1)
    return h @ W2 + b2


def _orth_weights(Y):
    n = Y.shape[0]
    m = (Y.T @ Y) / n + 1e-6 * jnp.eye(Y.shape[1], dtype=Y.dtype)
    L = jnp.linalg.cholesky(m)
    return jnp.linalg.inv(L).T


def _affinity(X, n_neighbors, scale_k):
    sq = jnp.sum(X * X, axis=1)
    D2 = jnp.maximum(sq[:, None] + sq[None, :] - 2.0 * (X @ X.T), 0.0)
    Dist = jnp.sqrt(D2 + 1e-12)
    neg_small, _ = jax.lax.top_k(-Dist, scale_k + 1)
    scale = -neg_small[:, scale_k]
    Wm = jnp.exp(-D2 / (scale[:, None] * scale[None, :] + 1e-8))
    topv, _ = jax.lax.top_k(Wm, n_neighbors + 1)
    thr = topv[:, n_neighbors]
    Wm = Wm * (Wm >= thr[:, None]).astype(Wm.dtype)
    return 0.5 * (Wm + Wm.T)


def _adjacency(Wm):
    d = jnp.sum(Wm, axis=1)
    dinv = 1.0 / jnp.sqrt(d + 1e-8)
    return Wm * dinv[:, None] * dinv[None, :]


def _proj_simplex_rows(v):
    # EProjSimplex_new_matrix: project each row of v onto the probability simplex
    k = v.shape[1]
    u = jnp.sort(v, axis=1)[:, ::-1]
    css = jnp.cumsum(u, axis=1)
    j = jnp.arange(1, k + 1, dtype=v.dtype)
    cond = (u + (1.0 - css) / j) > 0
    rho = jnp.sum(cond.astype(jnp.int32), axis=1)
    css_rho = jnp.take_along_axis(css, (rho - 1)[:, None], axis=1)[:, 0]
    theta = (css_rho - 1.0) / rho.astype(v.dtype)
    return jnp.maximum(v - theta[:, None], 0.0)


def reference(x, x_orth, beta, alpha, idx, W1, b1, W2, b2, Wg1, Wg2):
    # pass 1: update orthonorm weights on x_orth
    Yo = _mlp(x_orth, W1, b1, W2, b2)
    orth_w = _orth_weights(Yo)
    # affinity graph over x
    aff = _affinity(x, N_NEIGHBORS, SCALE_K)
    adj = _adjacency(aff)
    # pass 2: spectral embedding of x
    semantic_H = _mlp(x, W1, b1, W2, b2)
    ortho_H = semantic_H @ orth_w
    Y = jnp.sqrt(jnp.asarray(x.shape[0], x.dtype)) * ortho_H
    # self-adjusting graph A over k nearest neighbors
    idxa0 = idx[:, 1:K + 1]
    dfi = jnp.sqrt(jnp.sum((Y[:, None, :] - Y[idxa0]) ** 2, axis=2) + 1e-12)
    dxi = jnp.sqrt(jnp.sum((ortho_H[:, None, :] - ortho_H[idxa0]) ** 2, axis=2) + 1e-8)
    ad = -(dxi + beta * dfi) / (2.0 * alpha)
    vals = _proj_simplex_rows(ad)
    rows = jnp.arange(x.shape[0])[:, None]
    A = jnp.zeros((x.shape[0], x.shape[0]), dtype=x.dtype).at[rows, idxa0].set(vals)
    embs_hom = A @ semantic_H
    # GCN on initial graph
    h = jax.nn.relu(adj @ (x @ Wg1))
    embs_graph = adj @ (h @ Wg2)
    return (embs_hom, embs_graph, A, Y)

if __name__ == "__main__":
    import jax
    _d = setup_inputs()
    print(jax.jit(kernel)(*tuple(_d.values())))

</pallas_src>

<mosaic_0001>
#map = affine_map<(d0, d1) -> (0, 0)>
#map1 = affine_map<(d0, d1) -> (0)>
module attributes {stable_mosaic.version = 14 : i64} {
  func.func @_sc_knn_body(%arg0: i32, %arg1: i32, %arg2: memref<4096x128xf32, #tpu.memory_space<hbm>>, %arg3: memref<4096x16xi32, #tpu.memory_space<hbm>>, %arg4: memref<65536xi32, #tpu.memory_space<hbm>>, %arg5: memref<16xf32, #tpu.memory_space<hbm>>, %arg6: memref<16xf32, #tpu.memory_space<hbm>>, %arg7: memref<4096x4096xf32, #tpu.memory_space<hbm>>, %arg8: memref<4096x64xf32, #tpu.memory_space<hbm>>, %arg9: memref<128x16xi32, #tpu.memory_space<vmem>>, %arg10: memref<2048xi32, #tpu.memory_space<vmem>>, %arg11: memref<8x128xf32, #tpu.memory_space<vmem>>, %arg12: memref<128x128xf32, #tpu.memory_space<vmem>>, %arg13: memref<8x4096xf32, #tpu.memory_space<vmem>>, %arg14: memref<128x64xf32, #tpu.memory_space<vmem>>, %arg15: memref<16xi32, #tpu.memory_space<vmem>>, %arg16: memref<16xf32, #tpu.memory_space<vmem>>, %arg17: memref<!tpu.dma_semaphore, #tpu.memory_space<semaphore_mem>>, %arg18: memref<!tpu.dma_semaphore, #tpu.memory_space<semaphore_mem>>) attributes {dimension_semantics = [#tpu.dimension_semantics<core_parallel>, #tpu.dimension_semantics<subcore_parallel>], iteration_bounds = array<i64: 2, 16>, scalar_prefetch = 0 : i64, scratch_operands = 10 : i64, tpu.core_type = #tpu.core_type<sc_vector_subcore>, window_params = [{transform_indices = #map}, {transform_indices = #map}, {transform_indices = #map1}, {transform_indices = #map1}, {transform_indices = #map1}, {transform_indices = #map}, {transform_indices = #map}]} {
    %mul3A = arith.constant 2 : i32
    %mul3A_0 = arith.muli %arg1, %mul3A : i32
    %add3A = arith.addi %mul3A_0, %arg0 : i32
    %mul3A_1 = arith.constant 128 : i32
    %mul3A_2 = arith.muli %add3A, %mul3A_1 : i32
    "tpu.region"() ({
      %run_scoped3A = tpu.sem_alloc : memref<!tpu.dma_semaphore, #tpu.memory_space<semaphore_mem>>
      %dma_start3A = arith.constant 0 : i32
      %dma_start3A_29 = tpu.memref_slice %arg3[%mul3A_2, %dma_start3A] : memref<4096x16xi32, #tpu.memory_space<hbm>> -> memref<128x16xi32, #tpu.memory_space<hbm>>
      %dma_start3A_30 = arith.constant 0 : i32
      %dma_start3A_31 = tpu.memref_slice %arg3[%mul3A_2, %dma_start3A_30] : memref<4096x16xi32, #tpu.memory_space<hbm>> -> memref<128x16xi32, #tpu.memory_space<hbm>>
      tpu.enqueue_dma source(%dma_start3A_31 : memref<128x16xi32, #tpu.memory_space<hbm>>) target(%arg9 : memref<128x16xi32, #tpu.memory_space<vmem>>) target_semaphore(%run_scoped3A : memref<!tpu.dma_semaphore, #tpu.memory_space<semaphore_mem>>)
      %dma_wait3A = arith.constant 0 : i32
      %dma_wait3A_32 = tpu.memref_slice %arg3[%mul3A_2, %dma_wait3A] : memref<4096x16xi32, #tpu.memory_space<hbm>> -> memref<128x16xi32, #tpu.memory_space<hbm>>
      %dma_wait3A_33 = arith.constant 0 : i32
      %dma_wait3A_34 = tpu.memref_slice %arg3[%mul3A_2, %dma_wait3A_33] : memref<4096x16xi32, #tpu.memory_space<hbm>> -> memref<128x16xi32, #tpu.memory_space<hbm>>
      tpu.wait_dma2 semaphore(%run_scoped3A : memref<!tpu.dma_semaphore, #tpu.memory_space<semaphore_mem>>) src(%dma_wait3A_34 : memref<128x16xi32, #tpu.memory_space<hbm>>) dst(%arg9 : memref<128x16xi32, #tpu.memory_space<vmem>>)
      tpu.yield
    }) : () -> ()
    %mul3A_3 = arith.constant 16 : i32
    %mul3A_4 = arith.muli %mul3A_2, %mul3A_3 : i32
    "tpu.region"() ({
      %run_scoped3A = tpu.sem_alloc : memref<!tpu.dma_semaphore, #tpu.memory_space<semaphore_mem>>
      %dma_start3A = tpu.memref_slice %arg4[%mul3A_4] : memref<65536xi32, #tpu.memory_space<hbm>> -> memref<2048xi32, #tpu.memory_space<hbm>>
      %dma_start3A_29 = tpu.memref_slice %arg4[%mul3A_4] : memref<65536xi32, #tpu.memory_space<hbm>> -> memref<2048xi32, #tpu.memory_space<hbm>>
      tpu.enqueue_dma source(%dma_start3A_29 : memref<2048xi32, #tpu.memory_space<hbm>>) target(%arg10 : memref<2048xi32, #tpu.memory_space<vmem>>) target_semaphore(%run_scoped3A : memref<!tpu.dma_semaphore, #tpu.memory_space<semaphore_mem>>)
      %dma_wait3A = tpu.memref_slice %arg4[%mul3A_4] : memref<65536xi32, #tpu.memory_space<hbm>> -> memref<2048xi32, #tpu.memory_space<hbm>>
      %dma_wait3A_30 = tpu.memref_slice %arg4[%mul3A_4] : memref<65536xi32, #tpu.memory_space<hbm>> -> memref<2048xi32, #tpu.memory_space<hbm>>
      tpu.wait_dma2 semaphore(%run_scoped3A : memref<!tpu.dma_semaphore, #tpu.memory_space<semaphore_mem>>) src(%dma_wait3A_30 : memref<2048xi32, #tpu.memory_space<hbm>>) dst(%arg10 : memref<2048xi32, #tpu.memory_space<vmem>>)
      tpu.yield
    }) : () -> ()
    "tpu.region"() ({
      %run_scoped3A = tpu.sem_alloc : memref<!tpu.dma_semaphore, #tpu.memory_space<semaphore_mem>>
      tpu.enqueue_dma source(%arg5 : memref<16xf32, #tpu.memory_space<hbm>>) target(%arg16 : memref<16xf32, #tpu.memory_space<vmem>>) target_semaphore(%run_scoped3A : memref<!tpu.dma_semaphore, #tpu.memory_space<semaphore_mem>>)
      tpu.wait_dma2 semaphore(%run_scoped3A : memref<!tpu.dma_semaphore, #tpu.memory_space<semaphore_mem>>) src(%arg5 : memref<16xf32, #tpu.memory_space<hbm>>) dst(%arg16 : memref<16xf32, #tpu.memory_space<vmem>>)
      tpu.yield
    }) : () -> ()
    %get3A = arith.constant 0 : index
    %get3A_5 = tpu.vector_load %arg16[%get3A] {strides = array<i32>} : memref<16xf32, #tpu.memory_space<vmem>>, vector<16xf32>,
    "tpu.region"() ({
      %run_scoped3A = tpu.sem_alloc : memref<!tpu.dma_semaphore, #tpu.memory_space<semaphore_mem>>
      tpu.enqueue_dma source(%arg6 : memref<16xf32, #tpu.memory_space<hbm>>) target(%arg16 : memref<16xf32, #tpu.memory_space<vmem>>) target_semaphore(%run_scoped3A : memref<!tpu.dma_semaphore, #tpu.memory_space<semaphore_mem>>)
      tpu.wait_dma2 semaphore(%run_scoped3A : memref<!tpu.dma_semaphore, #tpu.memory_space<semaphore_mem>>) src(%arg6 : memref<16xf32, #tpu.memory_space<hbm>>) dst(%arg16 : memref<16xf32, #tpu.memory_space<vmem>>)
      tpu.yield
    }) : () -> ()
    %get3A_6 = arith.constant 0 : index
    %get3A_7 = tpu.vector_load %arg16[%get3A_6] {strides = array<i32>} : memref<16xf32, #tpu.memory_space<vmem>>, vector<16xf32>,
    %iota3A = tpu.iota {dimensions = array<i32: 0>} : vector<16xi32>
    %ge3A = arith.constant 1 : i32
    %ge3A_8 = vector.broadcast %ge3A : i32 to vector<16xi32>
    %ge3A_9 = arith.cmpi sge, %iota3A, %ge3A_8 : vector<16xi32>
    %le3A = arith.constant 10 : i32
    %le3A_10 = vector.broadcast %le3A : i32 to vector<16xi32>
    %le3A_11 = arith.cmpi sle, %iota3A, %le3A_10 : vector<16xi32>
    %and3A = arith.andi %ge3A_9, %le3A_11 : vector<16xi1>
    %broadcast_in_dim3A = arith.constant 0.000000e+00 : f32
    %broadcast_in_dim3A_12 = vector.broadcast %broadcast_in_dim3A : f32 to vector<16xf32>
    %add3A_13 = arith.constant 1 : i32
    %add3A_14 = vector.broadcast %add3A_13 : i32 to vector<16xi32>
    %add3A_15 = arith.addi %iota3A, %add3A_14 : vector<16xi32>
    %convert_element_type3A = arith.sitofp %add3A_15 : vector<16xi32> to vector<16xf32>
    %scan3A = arith.constant 0 : i32
    %scan3A_16 = arith.constant 0 : i32
    %scan3A_17 = arith.constant 2048 : i32
    %scan3A_18 = arith.addi %scan3A_16, %scan3A_17 : i32
    %scan3A_19 = arith.constant 1 : i32
    %scan3A_20 = scf.for %scan3A_29 = %scan3A_16 to %scan3A_18 step %scan3A_19 iter_args(%scan3A_30 = %scan3A) -> (i32)  : i32 {
      %jit3A = arith.constant 256 : i32
      %div3A = arith.divsi %scan3A_29, %jit3A : i32
      %sign3A = arith.constant 0 : i32
      %sign3A_31 = arith.cmpi sgt, %scan3A_29, %sign3A : i32
      %sign3A_32 = arith.extui %sign3A_31 : i1 to i32
      %sign3A_33 = arith.constant 0 : i32
      %sign3A_34 = arith.cmpi slt, %scan3A_29, %sign3A_33 : i32
      %sign3A_35 = arith.extui %sign3A_34 : i1 to i32
      %sign3A_36 = arith.subi %sign3A_32, %sign3A_35 : i32
      %sign3A_37 = arith.constant 0 : i32
      %sign3A_38 = arith.cmpi sgt, %jit3A, %sign3A_37 : i32
      %sign3A_39 = arith.extui %sign3A_38 : i1 to i32
      %sign3A_40 = arith.constant 0 : i32
      %sign3A_41 = arith.cmpi slt, %jit3A, %sign3A_40 : i32
      %sign3A_42 = arith.extui %sign3A_41 : i1 to i32
      %sign3A_43 = arith.subi %sign3A_39, %sign3A_42 : i32
      %ne3A = arith.cmpi ne, %sign3A_36, %sign3A_43 : i32
      %rem3A = arith.remsi %scan3A_29, %jit3A : i32
      %ne3A_44 = arith.constant 0 : i32
      %ne3A_45 = arith.cmpi ne, %rem3A, %ne3A_44 : i32
      %and3A_46 = arith.andi %ne3A, %ne3A_45 : i1
      %sub3A = arith.constant 1 : i32
      %sub3A_47 = arith.subi %div3A, %sub3A : i32
      %select_n3A = arith.select %and3A_46, %sub3A_47, %div3A : i32
      %jit3A_48 = arith.constant 256 : i32
      %eq3A = arith.constant 0 : i32
      %eq3A_49 = arith.cmpi eq, %jit3A_48, %eq3A : i32
      %jit3A_50 = arith.constant 1 : i32
      %select_n3A_51 = arith.select %eq3A_49, %jit3A_50, %jit3A_48 : i32
      %rem3A_52 = arith.remsi %scan3A_29, %select_n3A_51 : i32
      %ne3A_53 = arith.constant 0 : i32
      %ne3A_54 = arith.cmpi ne, %rem3A_52, %ne3A_53 : i32
      %lt3A = arith.constant 0 : i32
      %lt3A_55 = arith.cmpi slt, %rem3A_52, %lt3A : i32
      %lt3A_56 = arith.constant 0 : i32
      %lt3A_57 = arith.cmpi slt, %select_n3A_51, %lt3A_56 : i32
      %ne3A_58 = arith.xori %lt3A_55, %lt3A_57 : i1
      %and3A_59 = arith.andi %ne3A_58, %ne3A_54 : i1
      %add3A_60 = arith.addi %rem3A_52, %select_n3A_51 : i32
      %select_n3A_61 = arith.select %and3A_59, %add3A_60, %rem3A_52 : i32
      %mul3A_62 = arith.constant 16 : i32
      %mul3A_63 = arith.muli %select_n3A_61, %mul3A_62 : i32
      %swap3A = arith.index_cast %select_n3A : i32 to index
      %swap3A_64 = arith.index_cast %mul3A_63 : i32 to index
      %swap3A_65 = tpu.vector_load %arg13[%swap3A, %swap3A_64] {strides = array<i32>} : memref<8x4096xf32, #tpu.memory_space<vmem>>, vector<16xf32>,
      tpu.vector_store %arg13[%swap3A, %swap3A_64], %broadcast_in_dim3A_12 {strides = array<i32>} : memref<8x4096xf32, #tpu.memory_space<vmem>>, vector<16xf32>,
      %scan3A_66 = arith.constant 0 : i32
      scf.yield %scan3A_66 : i32
    }
    %scan3A_21 = arith.constant 2048 : i32
    %scan3A_22 = arith.constant 0 : i32
    %scan3A_23 = arith.constant 0 : i32
    %scan3A_24 = arith.constant 16 : i32
    %scan3A_25 = arith.addi %scan3A_23, %scan3A_24 : i32
    %scan3A_26 = arith.constant 1 : i32
    %scan3A_27 = scf.for %scan3A_29 = %scan3A_23 to %scan3A_25 step %scan3A_26 iter_args(%scan3A_30 = %scan3A_22) -> (i32)  : i32 {
      %mul3A_31 = arith.constant 8 : i32
      %mul3A_32 = arith.muli %scan3A_29, %mul3A_31 : i32
      %add3A_33 = arith.addi %mul3A_2, %mul3A_32 : i32
      %mul3A_34 = arith.constant 8 : i32
      %mul3A_35 = arith.muli %scan3A_29, %mul3A_34 : i32
      %mul3A_36 = arith.constant 16 : i32
      %mul3A_37 = arith.muli %mul3A_35, %mul3A_36 : i32
      %dma_start3A = tpu.memref_slice %arg10[%mul3A_37] : memref<2048xi32, #tpu.memory_space<vmem>> -> memref<128xi32, #tpu.memory_space<vmem>>
      %dma_start3A_38 = arith.constant 0 : i32
      %dma_start3A_39 = arith.constant 0 : i32
      %dma_start3A_40 = tpu.memref_slice %arg2[%dma_start3A_38, %dma_start3A_39] : memref<4096x128xf32, #tpu.memory_space<hbm>> -> memref<4096x128xf32, #tpu.memory_space<hbm>>
      tpu.enqueue_indirect_dma source(%dma_start3A_40 : memref<4096x128xf32, #tpu.memory_space<hbm>>) target(%arg12 : memref<128x128xf32, #tpu.memory_space<vmem>>) offsets(%dma_start3A : memref<128xi32, #tpu.memory_space<vmem>>) semaphore(%arg17 : memref<!tpu.dma_semaphore, #tpu.memory_space<semaphore_mem>>)
      "tpu.region"() ({
        %run_scoped3A = tpu.sem_alloc : memref<!tpu.dma_semaphore, #tpu.memory_space<semaphore_mem>>
        %dma_start3A_59 = arith.constant 0 : i32
        %dma_start3A_60 = tpu.memref_slice %arg2[%add3A_33, %dma_start3A_59] : memref<4096x128xf32, #tpu.memory_space<hbm>> -> memref<8x128xf32, #tpu.memory_space<hbm>>
        %dma_start3A_61 = arith.constant 0 : i32
        %dma_start3A_62 = tpu.memref_slice %arg2[%add3A_33, %dma_start3A_61] : memref<4096x128xf32, #tpu.memory_space<hbm>> -> memref<8x128xf32, #tpu.memory_space<hbm>>
        tpu.enqueue_dma source(%dma_start3A_62 : memref<8x128xf32, #tpu.memory_space<hbm>>) target(%arg11 : memref<8x128xf32, #tpu.memory_space<vmem>>) target_semaphore(%run_scoped3A : memref<!tpu.dma_semaphore, #tpu.memory_space<semaphore_mem>>)
        %dma_wait3A_63 = arith.constant 0 : i32
        %dma_wait3A_64 = tpu.memref_slice %arg2[%add3A_33, %dma_wait3A_63] : memref<4096x128xf32, #tpu.memory_space<hbm>> -> memref<8x128xf32, #tpu.memory_space<hbm>>
        %dma_wait3A_65 = arith.constant 0 : i32
        %dma_wait3A_66 = tpu.memref_slice %arg2[%add3A_33, %dma_wait3A_65] : memref<4096x128xf32, #tpu.memory_space<hbm>> -> memref<8x128xf32, #tpu.memory_space<hbm>>
        tpu.wait_dma2 semaphore(%run_scoped3A : memref<!tpu.dma_semaphore, #tpu.memory_space<semaphore_mem>>) src(%dma_wait3A_66 : memref<8x128xf32, #tpu.memory_space<hbm>>) dst(%arg11 : memref<8x128xf32, #tpu.memory_space<vmem>>)
        tpu.yield
      }) : () -> ()
      %dma_wait3A = tpu.memref_slice %arg10[%mul3A_37] : memref<2048xi32, #tpu.memory_space<vmem>> -> memref<128xi32, #tpu.memory_space<vmem>>
      %dma_wait3A_41 = arith.constant 0 : i32
      %dma_wait3A_42 = arith.constant 0 : i32
      %dma_wait3A_43 = tpu.memref_slice %arg2[%dma_wait3A_41, %dma_wait3A_42] : memref<4096x128xf32, #tpu.memory_space<hbm>> -> memref<4096x128xf32, #tpu.memory_space<hbm>>
      tpu.wait_indirect_dma semaphore(%arg17 : memref<!tpu.dma_semaphore, #tpu.memory_space<semaphore_mem>>) src(%dma_wait3A_43 : memref<4096x128xf32, #tpu.memory_space<hbm>>) dst(%arg12 : memref<128x128xf32, #tpu.memory_space<vmem>>)
      %scan3A_44 = arith.constant 0 : i32
      %scan3A_45 = arith.constant 0 : i32
      %scan3A_46 = arith.constant 8 : i32
      %scan3A_47 = arith.addi %scan3A_45, %scan3A_46 : i32
      %scan3A_48 = arith.constant 1 : i32
      %scan3A_49 = scf.for %scan3A_59 = %scan3A_45 to %scan3A_47 step %scan3A_48 iter_args(%scan3A_60 = %scan3A_44) -> (i32)  : i32 {
        %mul3A_61 = arith.constant 8 : i32
        %mul3A_62 = arith.muli %scan3A_29, %mul3A_61 : i32
        %add3A_63 = arith.addi %mul3A_62, %scan3A_59 : i32
        %get3A_64 = arith.index_cast %add3A_63 : i32 to index
        %get3A_65 = arith.constant 0 : index
        %get3A_66 = tpu.vector_load %arg9[%get3A_64, %get3A_65] {strides = array<i32>} : memref<128x16xi32, #tpu.memory_space<vmem>>, vector<16xi32>,
        %mul3A_67 = arith.constant 16 : i32
        %mul3A_68 = arith.muli %scan3A_59, %mul3A_67 : i32
        %add3A_69 = arith.constant 1 : i32
        %add3A_70 = arith.addi %mul3A_68, %add3A_69 : i32
        %get3A_71 = arith.index_cast %add3A_70 : i32 to index
        %get3A_72 = arith.constant 0 : index
        %get3A_73 = tpu.vector_load %arg12[%get3A_71, %get3A_72] {strides = array<i32>} : memref<128x128xf32, #tpu.memory_space<vmem>>, vector<16xf32>,
        %get3A_74 = arith.index_cast %scan3A_59 : i32 to index
        %get3A_75 = arith.constant 0 : index
        %get3A_76 = tpu.vector_load %arg11[%get3A_74, %get3A_75] {strides = array<i32>} : memref<8x128xf32, #tpu.memory_space<vmem>>, vector<16xf32>,
        %sub3A = arith.subf %get3A_73, %get3A_76 : vector<16xf32>
        %mul3A_77 = arith.mulf %sub3A, %sub3A : vector<16xf32>
        %add3A_78 = arith.addf %broadcast_in_dim3A_12, %mul3A_77 : vector<16xf32>
        %mul3A_79 = arith.constant 16 : i32
        %mul3A_80 = arith.muli %scan3A_59, %mul3A_79 : i32
        %add3A_81 = arith.constant 1 : i32
        %add3A_82 = arith.addi %mul3A_80, %add3A_81 : i32
        %get3A_83 = arith.index_cast %add3A_82 : i32 to index
        %get3A_84 = arith.constant 16 : index
        %get3A_85 = tpu.vector_load %arg12[%get3A_83, %get3A_84] {strides = array<i32>} : memref<128x128xf32, #tpu.memory_space<vmem>>, vector<16xf32>,
        %get3A_86 = arith.index_cast %scan3A_59 : i32 to index
        %get3A_87 = arith.constant 16 : index
        %get3A_88 = tpu.vector_load %arg11[%get3A_86, %get3A_87] {strides = array<i32>} : memref<8x128xf32, #tpu.memory_space<vmem>>, vector<16xf32>,
        %sub3A_89 = arith.subf %get3A_85, %get3A_88 : vector<16xf32>
        %mul3A_90 = arith.mulf %sub3A_89, %sub3A_89 : vector<16xf32>
        %add3A_91 = arith.addf %add3A_78, %mul3A_90 : vector<16xf32>
        %mul3A_92 = arith.constant 16 : i32
        %mul3A_93 = arith.muli %scan3A_59, %mul3A_92 : i32
        %add3A_94 = arith.constant 1 : i32
        %add3A_95 = arith.addi %mul3A_93, %add3A_94 : i32
        %get3A_96 = arith.index_cast %add3A_95 : i32 to index
        %get3A_97 = arith.constant 32 : index
        %get3A_98 = tpu.vector_load %arg12[%get3A_96, %get3A_97] {strides = array<i32>} : memref<128x128xf32, #tpu.memory_space<vmem>>, vector<16xf32>,
        %get3A_99 = arith.index_cast %scan3A_59 : i32 to index
        %get3A_100 = arith.constant 32 : index
        %get3A_101 = tpu.vector_load %arg11[%get3A_99, %get3A_100] {strides = array<i32>} : memref<8x128xf32, #tpu.memory_space<vmem>>, vector<16xf32>,
        %sub3A_102 = arith.subf %get3A_98, %get3A_101 : vector<16xf32>
        %mul3A_103 = arith.mulf %sub3A_102, %sub3A_102 : vector<16xf32>
        %add3A_104 = arith.addf %add3A_91, %mul3A_103 : vector<16xf32>
        %mul3A_105 = arith.constant 16 : i32
        %mul3A_106 = arith.muli %scan3A_59, %mul3A_105 : i32
        %add3A_107 = arith.constant 1 : i32
        %add3A_108 = arith.addi %mul3A_106, %add3A_107 : i32
        %get3A_109 = arith.index_cast %add3A_108 : i32 to index
        %get3A_110 = arith.constant 48 : index
        %get3A_111 = tpu.vector_load %arg12[%get3A_109, %get3A_110] {strides = array<i32>} : memref<128x128xf32, #tpu.memory_space<vmem>>, vector<16xf32>,
        %get3A_112 = arith.index_cast %scan3A_59 : i32 to index
        %get3A_113 = arith.constant 48 : index
        %get3A_114 = tpu.vector_load %arg11[%get3A_112, %get3A_113] {strides = array<i32>} : memref<8x128xf32, #tpu.memory_space<vmem>>, vector<16xf32>,
        %sub3A_115 = arith.subf %get3A_111, %get3A_114 : vector<16xf32>
        %mul3A_116 = arith.mulf %sub3A_115, %sub3A_115 : vector<16xf32>
        %add3A_117 = arith.addf %add3A_104, %mul3A_116 : vector<16xf32>
        %eq3A = arith.constant 1 : i32
        %eq3A_118 = vector.broadcast %eq3A : i32 to vector<16xi32>
        %eq3A_119 = arith.cmpi eq, %iota3A, %eq3A_118 : vector<16xi32>
        %reduce_sum3A = arith.constant true
        %reduce_sum3A_120 = vector.broadcast %reduce_sum3A : i1 to vector<16xi1>
        %reduce_sum3A_121 = tpu.scan <sum>, %add3A_117 masked %reduce_sum3A_120 : vector<16xf32>, vector<16xi1> -> vector<16xf32>
        %reduce_sum3A_122 = vector.extract %reduce_sum3A_121[15] : f32 from vector<16xf32>
        %broadcast_in_dim3A_123 = vector.broadcast %reduce_sum3A_122 : f32 to vector<16xf32>
        %select_n3A = arith.select %eq3A_119, %broadcast_in_dim3A_123, %broadcast_in_dim3A_12 : vector<16xi1>, vector<16xf32>
        %mul3A_124 = arith.constant 16 : i32
        %mul3A_125 = arith.muli %scan3A_59, %mul3A_124 : i32
        %add3A_126 = arith.constant 2 : i32
        %add3A_127 = arith.addi %mul3A_125, %add3A_126 : i32
        %get3A_128 = arith.index_cast %add3A_127 : i32 to index
        %get3A_129 = arith.constant 0 : index
        %get3A_130 = tpu.vector_load %arg12[%get3A_128, %get3A_129] {strides = array<i32>} : memref<128x128xf32, #tpu.memory_space<vmem>>, vector<16xf32>,
        %get3A_131 = arith.index_cast %scan3A_59 : i32 to index
        %get3A_132 = arith.constant 0 : index
        %get3A_133 = tpu.vector_load %arg11[%get3A_131, %get3A_132] {strides = array<i32>} : memref<8x128xf32, #tpu.memory_space<vmem>>, vector<16xf32>,
        %sub3A_134 = arith.subf %get3A_130, %get3A_133 : vector<16xf32>
        %mul3A_135 = arith.mulf %sub3A_134, %sub3A_134 : vector<16xf32>
        %add3A_136 = arith.addf %broadcast_in_dim3A_12, %mul3A_135 : vector<16xf32>
        %mul3A_137 = arith.constant 16 : i32
        %mul3A_138 = arith.muli %scan3A_59, %mul3A_137 : i32
        %add3A_139 = arith.constant 2 : i32
        %add3A_140 = arith.addi %mul3A_138, %add3A_139 : i32
        %get3A_141 = arith.index_cast %add3A_140 : i32 to index
        %get3A_142 = arith.constant 16 : index
        %get3A_143 = tpu.vector_load %arg12[%get3A_141, %get3A_142] {strides = array<i32>} : memref<128x128xf32, #tpu.memory_space<vmem>>, vector<16xf32>,
        %get3A_144 = arith.index_cast %scan3A_59 : i32 to index
        %get3A_145 = arith.constant 16 : index
        %get3A_146 = tpu.vector_load %arg11[%get3A_144, %get3A_145] {strides = array<i32>} : memref<8x128xf32, #tpu.memory_space<vmem>>, vector<16xf32>,
        %sub3A_147 = arith.subf %get3A_143, %get3A_146 : vector<16xf32>
        %mul3A_148 = arith.mulf %sub3A_147, %sub3A_147 : vector<16xf32>
        %add3A_149 = arith.addf %add3A_136, %mul3A_148 : vector<16xf32>
        %mul3A_150 = arith.constant 16 : i32
        %mul3A_151 = arith.muli %scan3A_59, %mul3A_150 : i32
        %add3A_152 = arith.constant 2 : i32
        %add3A_153 = arith.addi %mul3A_151, %add3A_152 : i32
        %get3A_154 = arith.index_cast %add3A_153 : i32 to index
        %get3A_155 = arith.constant 32 : index
        %get3A_156 = tpu.vector_load %arg12[%get3A_154, %get3A_155] {strides = array<i32>} : memref<128x128xf32, #tpu.memory_space<vmem>>, vector<16xf32>,
        %get3A_157 = arith.index_cast %scan3A_59 : i32 to index
        %get3A_158 = arith.constant 32 : index
        %get3A_159 = tpu.vector_load %arg11[%get3A_157, %get3A_158] {strides = array<i32>} : memref<8x128xf32, #tpu.memory_space<vmem>>, vector<16xf32>,
        %sub3A_160 = arith.subf %get3A_156, %get3A_159 : vector<16xf32>
        %mul3A_161 = arith.mulf %sub3A_160, %sub3A_160 : vector<16xf32>
        %add3A_162 = arith.addf %add3A_149, %mul3A_161 : vector<16xf32>
        %mul3A_163 = arith.constant 16 : i32
        %mul3A_164 = arith.muli %scan3A_59, %mul3A_163 : i32
        %add3A_165 = arith.constant 2 : i32
        %add3A_166 = arith.addi %mul3A_164, %add3A_165 : i32
        %get3A_167 = arith.index_cast %add3A_166 : i32 to index
        %get3A_168 = arith.constant 48 : index
        %get3A_169 = tpu.vector_load %arg12[%get3A_167, %get3A_168] {strides = array<i32>} : memref<128x128xf32, #tpu.memory_space<vmem>>, vector<16xf32>,
        %get3A_170 = arith.index_cast %scan3A_59 : i32 to index
        %get3A_171 = arith.constant 48 : index
        %get3A_172 = tpu.vector_load %arg11[%get3A_170, %get3A_171] {strides = array<i32>} : memref<8x128xf32, #tpu.memory_space<vmem>>, vector<16xf32>,
        %sub3A_173 = arith.subf %get3A_169, %get3A_172 : vector<16xf32>
        %mul3A_174 = arith.mulf %sub3A_173, %sub3A_173 : vector<16xf32>
        %add3A_175 = arith.addf %add3A_162, %mul3A_174 : vector<16xf32>
        %eq3A_176 = arith.constant 2 : i32
        %eq3A_177 = vector.broadcast %eq3A_176 : i32 to vector<16xi32>
        %eq3A_178 = arith.cmpi eq, %iota3A, %eq3A_177 : vector<16xi32>
        %reduce_sum3A_179 = arith.constant true
        %reduce_sum3A_180 = vector.broadcast %reduce_sum3A_179 : i1 to vector<16xi1>
        %reduce_sum3A_181 = tpu.scan <sum>, %add3A_175 masked %reduce_sum3A_180 : vector<16xf32>, vector<16xi1> -> vector<16xf32>
        %reduce_sum3A_182 = vector.extract %reduce_sum3A_181[15] : f32 from vector<16xf32>
        %broadcast_in_dim3A_183 = vector.broadcast %reduce_sum3A_182 : f32 to vector<16xf32>
        %select_n3A_184 = arith.select %eq3A_178, %broadcast_in_dim3A_183, %select_n3A : vector<16xi1>, vector<16xf32>
        %mul3A_185 = arith.constant 16 : i32
        %mul3A_186 = arith.muli %scan3A_59, %mul3A_185 : i32
        %add3A_187 = arith.constant 3 : i32
        %add3A_188 = arith.addi %mul3A_186, %add3A_187 : i32
        %get3A_189 = arith.index_cast %add3A_188 : i32 to index
        %get3A_190 = arith.constant 0 : index
        %get3A_191 = tpu.vector_load %arg12[%get3A_189, %get3A_190] {strides = array<i32>} : memref<128x128xf32, #tpu.memory_space<vmem>>, vector<16xf32>,
        %get3A_192 = arith.index_cast %scan3A_59 : i32 to index
        %get3A_193 = arith.constant 0 : index
        %get3A_194 = tpu.vector_load %arg11[%get3A_192, %get3A_193] {strides = array<i32>} : memref<8x128xf32, #tpu.memory_space<vmem>>, vector<16xf32>,
        %sub3A_195 = arith.subf %get3A_191, %get3A_194 : vector<16xf32>
        %mul3A_196 = arith.mulf %sub3A_195, %sub3A_195 : vector<16xf32>
        %add3A_197 = arith.addf %broadcast_in_dim3A_12, %mul3A_196 : vector<16xf32>
        %mul3A_198 = arith.constant 16 : i32
        %mul3A_199 = arith.muli %scan3A_59, %mul3A_198 : i32
        %add3A_200 = arith.constant 3 : i32
        %add3A_201 = arith.addi %mul3A_199, %add3A_200 : i32
        %get3A_202 = arith.index_cast %add3A_201 : i32 to index
        %get3A_203 = arith.constant 16 : index
        %get3A_204 = tpu.vector_load %arg12[%get3A_202, %get3A_203] {strides = array<i32>} : memref<128x128xf32, #tpu.memory_space<vmem>>, vector<16xf32>,
        %get3A_205 = arith.index_cast %scan3A_59 : i32 to index
        %get3A_206 = arith.constant 16 : index
        %get3A_207 = tpu.vector_load %arg11[%get3A_205, %get3A_206] {strides = array<i32>} : memref<8x128xf32, #tpu.memory_space<vmem>>, vector<16xf32>,
        %sub3A_208 = arith.subf %get3A_204, %get3A_207 : vector<16xf32>
        %mul3A_209 = arith.mulf %sub3A_208, %sub3A_208 : vector<16xf32>
        %add3A_210 = arith.addf %add3A_197, %mul3A_209 : vector<16xf32>
        %mul3A_211 = arith.constant 16 : i32
        %mul3A_212 = arith.muli %scan3A_59, %mul3A_211 : i32
        %add3A_213 = arith.constant 3 : i32
        %add3A_214 = arith.addi %mul3A_212, %add3A_213 : i32
        %get3A_215 = arith.index_cast %add3A_214 : i32 to index
        %get3A_216 = arith.constant 32 : index
        %get3A_217 = tpu.vector_load %arg12[%get3A_215, %get3A_216] {strides = array<i32>} : memref<128x128xf32, #tpu.memory_space<vmem>>, vector<16xf32>,
        %get3A_218 = arith.index_cast %scan3A_59 : i32 to index
        %get3A_219 = arith.constant 32 : index
        %get3A_220 = tpu.vector_load %arg11[%get3A_218, %get3A_219] {strides = array<i32>} : memref<8x128xf32, #tpu.memory_space<vmem>>, vector<16xf32>,
        %sub3A_221 = arith.subf %get3A_217, %get3A_220 : vector<16xf32>
        %mul3A_222 = arith.mulf %sub3A_221, %sub3A_221 : vector<16xf32>
        %add3A_223 = arith.addf %add3A_210, %mul3A_222 : vector<16xf32>
        %mul3A_224 = arith.constant 16 : i32
        %mul3A_225 = arith.muli %scan3A_59, %mul3A_224 : i32
        %add3A_226 = arith.constant 3 : i32
        %add3A_227 = arith.addi %mul3A_225, %add3A_226 : i32
        %get3A_228 = arith.index_cast %add3A_227 : i32 to index
        %get3A_229 = arith.constant 48 : index
        %get3A_230 = tpu.vector_load %arg12[%get3A_228, %get3A_229] {strides = array<i32>} : memref<128x128xf32, #tpu.memory_space<vmem>>, vector<16xf32>,
        %get3A_231 = arith.index_cast %scan3A_59 : i32 to index
        %get3A_232 = arith.constant 48 : index
        %get3A_233 = tpu.vector_load %arg11[%get3A_231, %get3A_232] {strides = array<i32>} : memref<8x128xf32, #tpu.memory_space<vmem>>, vector<16xf32>,
        %sub3A_234 = arith.subf %get3A_230, %get3A_233 : vector<16xf32>
        %mul3A_235 = arith.mulf %sub3A_234, %sub3A_234 : vector<16xf32>
        %add3A_236 = arith.addf %add3A_223, %mul3A_235 : vector<16xf32>
        %eq3A_237 = arith.constant 3 : i32
        %eq3A_238 = vector.broadcast %eq3A_237 : i32 to vector<16xi32>
        %eq3A_239 = arith.cmpi eq, %iota3A, %eq3A_238 : vector<16xi32>
        %reduce_sum3A_240 = arith.constant true
        %reduce_sum3A_241 = vector.broadcast %reduce_sum3A_240 : i1 to vector<16xi1>
        %reduce_sum3A_242 = tpu.scan <sum>, %add3A_236 masked %reduce_sum3A_241 : vector<16xf32>, vector<16xi1> -> vector<16xf32>
        %reduce_sum3A_243 = vector.extract %reduce_sum3A_242[15] : f32 from vector<16xf32>
        %broadcast_in_dim3A_244 = vector.broadcast %reduce_sum3A_243 : f32 to vector<16xf32>
        %select_n3A_245 = arith.select %eq3A_239, %broadcast_in_dim3A_244, %select_n3A_184 : vector<16xi1>, vector<16xf32>
        %mul3A_246 = arith.constant 16 : i32
        %mul3A_247 = arith.muli %scan3A_59, %mul3A_246 : i32
        %add3A_248 = arith.constant 4 : i32
        %add3A_249 = arith.addi %mul3A_247, %add3A_248 : i32
        %get3A_250 = arith.index_cast %add3A_249 : i32 to index
        %get3A_251 = arith.constant 0 : index
        %get3A_252 = tpu.vector_load %arg12[%get3A_250, %get3A_251] {strides = array<i32>} : memref<128x128xf32, #tpu.memory_space<vmem>>, vector<16xf32>,
        %get3A_253 = arith.index_cast %scan3A_59 : i32 to index
        %get3A_254 = arith.constant 0 : index
        %get3A_255 = tpu.vector_load %arg11[%get3A_253, %get3A_254] {strides = array<i32>} : memref<8x128xf32, #tpu.memory_space<vmem>>, vector<16xf32>,
        %sub3A_256 = arith.subf %get3A_252, %get3A_255 : vector<16xf32>
        %mul3A_257 = arith.mulf %sub3A_256, %sub3A_256 : vector<16xf32>
        %add3A_258 = arith.addf %broadcast_in_dim3A_12, %mul3A_257 : vector<16xf32>
        %mul3A_259 = arith.constant 16 : i32
        %mul3A_260 = arith.muli %scan3A_59, %mul3A_259 : i32
        %add3A_261 = arith.constant 4 : i32
        %add3A_262 = arith.addi %mul3A_260, %add3A_261 : i32
        %get3A_263 = arith.index_cast %add3A_262 : i32 to index
        %get3A_264 = arith.constant 16 : index
        %get3A_265 = tpu.vector_load %arg12[%get3A_263, %get3A_264] {strides = array<i32>} : memref<128x128xf32, #tpu.memory_space<vmem>>, vector<16xf32>,
        %get3A_266 = arith.index_cast %scan3A_59 : i32 to index
        %get3A_267 = arith.constant 16 : index
        %get3A_268 = tpu.vector_load %arg11[%get3A_266, %get3A_267] {strides = array<i32>} : memref<8x128xf32, #tpu.memory_space<vmem>>, vector<16xf32>,
        %sub3A_269 = arith.subf %get3A_265, %get3A_268 : vector<16xf32>
        %mul3A_270 = arith.mulf %sub3A_269, %sub3A_269 : vector<16xf32>
        %add3A_271 = arith.addf %add3A_258, %mul3A_270 : vector<16xf32>
        %mul3A_272 = arith.constant 16 : i32
        %mul3A_273 = arith.muli %scan3A_59, %mul3A_272 : i32
        %add3A_274 = arith.constant 4 : i32
        %add3A_275 = arith.addi %mul3A_273, %add3A_274 : i32
        %get3A_276 = arith.index_cast %add3A_275 : i32 to index
        %get3A_277 = arith.constant 32 : index
        %get3A_278 = tpu.vector_load %arg12[%get3A_276, %get3A_277] {strides = array<i32>} : memref<128x128xf32, #tpu.memory_space<vmem>>, vector<16xf32>,
        %get3A_279 = arith.index_cast %scan3A_59 : i32 to index
        %get3A_280 = arith.constant 32 : index
        %get3A_281 = tpu.vector_load %arg11[%get3A_279, %get3A_280] {strides = array<i32>} : memref<8x128xf32, #tpu.memory_space<vmem>>, vector<16xf32>,
        %sub3A_282 = arith.subf %get3A_278, %get3A_281 : vector<16xf32>
        %mul3A_283 = arith.mulf %sub3A_282, %sub3A_282 : vector<16xf32>
        %add3A_284 = arith.addf %add3A_271, %mul3A_283 : vector<16xf32>
        %mul3A_285 = arith.constant 16 : i32
        %mul3A_286 = arith.muli %scan3A_59, %mul3A_285 : i32
        %add3A_287 = arith.constant 4 : i32
        %add3A_288 = arith.addi %mul3A_286, %add3A_287 : i32
        %get3A_289 = arith.index_cast %add3A_288 : i32 to index
        %get3A_290 = arith.constant 48 : index
        %get3A_291 = tpu.vector_load %arg12[%get3A_289, %get3A_290] {strides = array<i32>} : memref<128x128xf32, #tpu.memory_space<vmem>>, vector<16xf32>,
        %get3A_292 = arith.index_cast %scan3A_59 : i32 to index
        %get3A_293 = arith.constant 48 : index
        %get3A_294 = tpu.vector_load %arg11[%get3A_292, %get3A_293] {strides = array<i32>} : memref<8x128xf32, #tpu.memory_space<vmem>>, vector<16xf32>,
        %sub3A_295 = arith.subf %get3A_291, %get3A_294 : vector<16xf32>
        %mul3A_296 = arith.mulf %sub3A_295, %sub3A_295 : vector<16xf32>
        %add3A_297 = arith.addf %add3A_284, %mul3A_296 : vector<16xf32>
        %eq3A_298 = arith.constant 4 : i32
        %eq3A_299 = vector.broadcast %eq3A_298 : i32 to vector<16xi32>
        %eq3A_300 = arith.cmpi eq, %iota3A, %eq3A_299 : vector<16xi32>
        %reduce_sum3A_301 = arith.constant true
        %reduce_sum3A_302 = vector.broadcast %reduce_sum3A_301 : i1 to vector<16xi1>
        %reduce_sum3A_303 = tpu.scan <sum>, %add3A_297 masked %reduce_sum3A_302 : vector<16xf32>, vector<16xi1> -> vector<16xf32>
        %reduce_sum3A_304 = vector.extract %reduce_sum3A_303[15] : f32 from vector<16xf32>
        %broadcast_in_dim3A_305 = vector.broadcast %reduce_sum3A_304 : f32 to vector<16xf32>
        %select_n3A_306 = arith.select %eq3A_300, %broadcast_in_dim3A_305, %select_n3A_245 : vector<16xi1>, vector<16xf32>
        %mul3A_307 = arith.constant 16 : i32
        %mul3A_308 = arith.muli %scan3A_59, %mul3A_307 : i32
        %add3A_309 = arith.constant 5 : i32
        %add3A_310 = arith.addi %mul3A_308, %add3A_309 : i32
        %get3A_311 = arith.index_cast %add3A_310 : i32 to index
        %get3A_312 = arith.constant 0 : index
        %get3A_313 = tpu.vector_load %arg12[%get3A_311, %get3A_312] {strides = array<i32>} : memref<128x128xf32, #tpu.memory_space<vmem>>, vector<16xf32>,
        %get3A_314 = arith.index_cast %scan3A_59 : i32 to index
        %get3A_315 = arith.constant 0 : index
        %get3A_316 = tpu.vector_load %arg11[%get3A_314, %get3A_315] {strides = array<i32>} : memref<8x128xf32, #tpu.memory_space<vmem>>, vector<16xf32>,
        %sub3A_317 = arith.subf %get3A_313, %get3A_316 : vector<16xf32>
        %mul3A_318 = arith.mulf %sub3A_317, %sub3A_317 : vector<16xf32>
        %add3A_319 = arith.addf %broadcast_in_dim3A_12, %mul3A_318 : vector<16xf32>
        %mul3A_320 = arith.constant 16 : i32
        %mul3A_321 = arith.muli %scan3A_59, %mul3A_320 : i32
        %add3A_322 = arith.constant 5 : i32
        %add3A_323 = arith.addi %mul3A_321, %add3A_322 : i32
        %get3A_324 = arith.index_cast %add3A_323 : i32 to index
        %get3A_325 = arith.constant 16 : index
        %get3A_326 = tpu.vector_load %arg12[%get3A_324, %get3A_325] {strides = array<i32>} : memref<128x128xf32, #tpu.memory_space<vmem>>, vector<16xf32>,
        %get3A_327 = arith.index_cast %scan3A_59 : i32 to index
        %get3A_328 = arith.constant 16 : index
        %get3A_329 = tpu.vector_load %arg11[%get3A_327, %get3A_328] {strides = array<i32>} : memref<8x128xf32, #tpu.memory_space<vmem>>, vector<16xf32>,
        %sub3A_330 = arith.subf %get3A_326, %get3A_329 : vector<16xf32>
        %mul3A_331 = arith.mulf %sub3A_330, %sub3A_330 : vector<16xf32>
        %add3A_332 = arith.addf %add3A_319, %mul3A_331 : vector<16xf32>
        %mul3A_333 = arith.constant 16 : i32
        %mul3A_334 = arith.muli %scan3A_59, %mul3A_333 : i32
        %add3A_335 = arith.constant 5 : i32
        %add3A_336 = arith.addi %mul3A_334, %add3A_335 : i32
        %get3A_337 = arith.index_cast %add3A_336 : i32 to index
        %get3A_338 = arith.constant 32 : index
        %get3A_339 = tpu.vector_load %arg12[%get3A_337, %get3A_338] {strides = array<i32>} : memref<128x128xf32, #tpu.memory_space<vmem>>, vector<16xf32>,
        %get3A_340 = arith.index_cast %scan3A_59 : i32 to index
        %get3A_341 = arith.constant 32 : index
        %get3A_342 = tpu.vector_load %arg11[%get3A_340, %get3A_341] {strides = array<i32>} : memref<8x128xf32, #tpu.memory_space<vmem>>, vector<16xf32>,
        %sub3A_343 = arith.subf %get3A_339, %get3A_342 : vector<16xf32>
        %mul3A_344 = arith.mulf %sub3A_343, %sub3A_343 : vector<16xf32>
        %add3A_345 = arith.addf %add3A_332, %mul3A_344 : vector<16xf32>
        %mul3A_346 = arith.constant 16 : i32
        %mul3A_347 = arith.muli %scan3A_59, %mul3A_346 : i32
        %add3A_348 = arith.constant 5 : i32
        %add3A_349 = arith.addi %mul3A_347, %add3A_348 : i32
        %get3A_350 = arith.index_cast %add3A_349 : i32 to index
        %get3A_351 = arith.constant 48 : index
        %get3A_352 = tpu.vector_load %arg12[%get3A_350, %get3A_351] {strides = array<i32>} : memref<128x128xf32, #tpu.memory_space<vmem>>, vector<16xf32>,
        %get3A_353 = arith.index_cast %scan3A_59 : i32 to index
        %get3A_354 = arith.constant 48 : index
        %get3A_355 = tpu.vector_load %arg11[%get3A_353, %get3A_354] {strides = array<i32>} : memref<8x128xf32, #tpu.memory_space<vmem>>, vector<16xf32>,
        %sub3A_356 = arith.subf %get3A_352, %get3A_355 : vector<16xf32>
        %mul3A_357 = arith.mulf %sub3A_356, %sub3A_356 : vector<16xf32>
        %add3A_358 = arith.addf %add3A_345, %mul3A_357 : vector<16xf32>
        %eq3A_359 = arith.constant 5 : i32
        %eq3A_360 = vector.broadcast %eq3A_359 : i32 to vector<16xi32>
        %eq3A_361 = arith.cmpi eq, %iota3A, %eq3A_360 : vector<16xi32>
        %reduce_sum3A_362 = arith.constant true
        %reduce_sum3A_363 = vector.broadcast %reduce_sum3A_362 : i1 to vector<16xi1>
        %reduce_sum3A_364 = tpu.scan <sum>, %add3A_358 masked %reduce_sum3A_363 : vector<16xf32>, vector<16xi1> -> vector<16xf32>
        %reduce_sum3A_365 = vector.extract %reduce_sum3A_364[15] : f32 from vector<16xf32>
        %broadcast_in_dim3A_366 = vector.broadcast %reduce_sum3A_365 : f32 to vector<16xf32>
        %select_n3A_367 = arith.select %eq3A_361, %broadcast_in_dim3A_366, %select_n3A_306 : vector<16xi1>, vector<16xf32>
        %mul3A_368 = arith.constant 16 : i32
        %mul3A_369 = arith.muli %scan3A_59, %mul3A_368 : i32
        %add3A_370 = arith.constant 6 : i32
        %add3A_371 = arith.addi %mul3A_369, %add3A_370 : i32
        %get3A_372 = arith.index_cast %add3A_371 : i32 to index
        %get3A_373 = arith.constant 0 : index
        %get3A_374 = tpu.vector_load %arg12[%get3A_372, %get3A_373] {strides = array<i32>} : memref<128x128xf32, #tpu.memory_space<vmem>>, vector<16xf32>,
        %get3A_375 = arith.index_cast %scan3A_59 : i32 to index
        %get3A_376 = arith.constant 0 : index
        %get3A_377 = tpu.vector_load %arg11[%get3A_375, %get3A_376] {strides = array<i32>} : memref<8x128xf32, #tpu.memory_space<vmem>>, vector<16xf32>,
        %sub3A_378 = arith.subf %get3A_374, %get3A_377 : vector<16xf32>
        %mul3A_379 = arith.mulf %sub3A_378, %sub3A_378 : vector<16xf32>
        %add3A_380 = arith.addf %broadcast_in_dim3A_12, %mul3A_379 : vector<16xf32>
        %mul3A_381 = arith.constant 16 : i32
        %mul3A_382 = arith.muli %scan3A_59, %mul3A_381 : i32
        %add3A_383 = arith.constant 6 : i32
        %add3A_384 = arith.addi %mul3A_382, %add3A_383 : i32
        %get3A_385 = arith.index_cast %add3A_384 : i32 to index
        %get3A_386 = arith.constant 16 : index
        %get3A_387 = tpu.vector_load %arg12[%get3A_385, %get3A_386] {strides = array<i32>} : memref<128x128xf32, #tpu.memory_space<vmem>>, vector<16xf32>,
        %get3A_388 = arith.index_cast %scan3A_59 : i32 to index
        %get3A_389 = arith.constant 16 : index
        %get3A_390 = tpu.vector_load %arg11[%get3A_388, %get3A_389] {strides = array<i32>} : memref<8x128xf32, #tpu.memory_space<vmem>>, vector<16xf32>,
        %sub3A_391 = arith.subf %get3A_387, %get3A_390 : vector<16xf32>
        %mul3A_392 = arith.mulf %sub3A_391, %sub3A_391 : vector<16xf32>
        %add3A_393 = arith.addf %add3A_380, %mul3A_392 : vector<16xf32>
        %mul3A_394 = arith.constant 16 : i32
        %mul3A_395 = arith.muli %scan3A_59, %mul3A_394 : i32
        %add3A_396 = arith.constant 6 : i32
        %add3A_397 = arith.addi %mul3A_395, %add3A_396 : i32
        %get3A_398 = arith.index_cast %add3A_397 : i32 to index
        %get3A_399 = arith.constant 32 : index
        %get3A_400 = tpu.vector_load %arg12[%get3A_398, %get3A_399] {strides = array<i32>} : memref<128x128xf32, #tpu.memory_space<vmem>>, vector<16xf32>,
        %get3A_401 = arith.index_cast %scan3A_59 : i32 to index
        %get3A_402 = arith.constant 32 : index
        %get3A_403 = tpu.vector_load %arg11[%get3A_401, %get3A_402] {strides = array<i32>} : memref<8x128xf32, #tpu.memory_space<vmem>>, vector<16xf32>,
        %sub3A_404 = arith.subf %get3A_400, %get3A_403 : vector<16xf32>
        %mul3A_405 = arith.mulf %sub3A_404, %sub3A_404 : vector<16xf32>
        %add3A_406 = arith.addf %add3A_393, %mul3A_405 : vector<16xf32>
        %mul3A_407 = arith.constant 16 : i32
        %mul3A_408 = arith.muli %scan3A_59, %mul3A_407 : i32
        %add3A_409 = arith.constant 6 : i32
        %add3A_410 = arith.addi %mul3A_408, %add3A_409 : i32
        %get3A_411 = arith.index_cast %add3A_410 : i32 to index
        %get3A_412 = arith.constant 48 : index
        %get3A_413 = tpu.vector_load %arg12[%get3A_411, %get3A_412] {strides = array<i32>} : memref<128x128xf32, #tpu.memory_space<vmem>>, vector<16xf32>,
        %get3A_414 = arith.index_cast %scan3A_59 : i32 to index
        %get3A_415 = arith.constant 48 : index
        %get3A_416 = tpu.vector_load %arg11[%get3A_414, %get3A_415] {strides = array<i32>} : memref<8x128xf32, #tpu.memory_space<vmem>>, vector<16xf32>,
        %sub3A_417 = arith.subf %get3A_413, %get3A_416 : vector<16xf32>
        %mul3A_418 = arith.mulf %sub3A_417, %sub3A_417 : vector<16xf32>
        %add3A_419 = arith.addf %add3A_406, %mul3A_418 : vector<16xf32>
        %eq3A_420 = arith.constant 6 : i32
        %eq3A_421 = vector.broadcast %eq3A_420 : i32 to vector<16xi32>
        %eq3A_422 = arith.cmpi eq, %iota3A, %eq3A_421 : vector<16xi32>
        %reduce_sum3A_423 = arith.constant true
        %reduce_sum3A_424 = vector.broadcast %reduce_sum3A_423 : i1 to vector<16xi1>
        %reduce_sum3A_425 = tpu.scan <sum>, %add3A_419 masked %reduce_sum3A_424 : vector<16xf32>, vector<16xi1> -> vector<16xf32>
        %reduce_sum3A_426 = vector.extract %reduce_sum3A_425[15] : f32 from vector<16xf32>
        %broadcast_in_dim3A_427 = vector.broadcast %reduce_sum3A_426 : f32 to vector<16xf32>
        %select_n3A_428 = arith.select %eq3A_422, %broadcast_in_dim3A_427, %select_n3A_367 : vector<16xi1>, vector<16xf32>
        %mul3A_429 = arith.constant 16 : i32
        %mul3A_430 = arith.muli %scan3A_59, %mul3A_429 : i32
        %add3A_431 = arith.constant 7 : i32
        %add3A_432 = arith.addi %mul3A_430, %add3A_431 : i32
        %get3A_433 = arith.index_cast %add3A_432 : i32 to index
        %get3A_434 = arith.constant 0 : index
        %get3A_435 = tpu.vector_load %arg12[%get3A_433, %get3A_434] {strides = array<i32>} : memref<128x128xf32, #tpu.memory_space<vmem>>, vector<16xf32>,
        %get3A_436 = arith.index_cast %scan3A_59 : i32 to index
        %get3A_437 = arith.constant 0 : index
        %get3A_438 = tpu.vector_load %arg11[%get3A_436, %get3A_437] {strides = array<i32>} : memref<8x128xf32, #tpu.memory_space<vmem>>, vector<16xf32>,
        %sub3A_439 = arith.subf %get3A_435, %get3A_438 : vector<16xf32>
        %mul3A_440 = arith.mulf %sub3A_439, %sub3A_439 : vector<16xf32>
        %add3A_441 = arith.addf %broadcast_in_dim3A_12, %mul3A_440 : vector<16xf32>
        %mul3A_442 = arith.constant 16 : i32
        %mul3A_443 = arith.muli %scan3A_59, %mul3A_442 : i32
        %add3A_444 = arith.constant 7 : i32
        %add3A_445 = arith.addi %mul3A_443, %add3A_444 : i32
        %get3A_446 = arith.index_cast %add3A_445 : i32 to index
        %get3A_447 = arith.constant 16 : index
        %get3A_448 = tpu.vector_load %arg12[%get3A_446, %get3A_447] {strides = array<i32>} : memref<128x128xf32, #tpu.memory_space<vmem>>, vector<16xf32>,
        %get3A_449 = arith.index_cast %scan3A_59 : i32 to index
        %get3A_450 = arith.constant 16 : index
        %get3A_451 = tpu.vector_load %arg11[%get3A_449, %get3A_450] {strides = array<i32>} : memref<8x128xf32, #tpu.memory_space<vmem>>, vector<16xf32>,
        %sub3A_452 = arith.subf %get3A_448, %get3A_451 : vector<16xf32>
        %mul3A_453 = arith.mulf %sub3A_452, %sub3A_452 : vector<16xf32>
        %add3A_454 = arith.addf %add3A_441, %mul3A_453 : vector<16xf32>
        %mul3A_455 = arith.constant 16 : i32
        %mul3A_456 = arith.muli %scan3A_59, %mul3A_455 : i32
        %add3A_457 = arith.constant 7 : i32
        %add3A_458 = arith.addi %mul3A_456, %add3A_457 : i32
        %get3A_459 = arith.index_cast %add3A_458 : i32 to index
        %get3A_460 = arith.constant 32 : index
        %get3A_461 = tpu.vector_load %arg12[%get3A_459, %get3A_460] {strides = array<i32>} : memref<128x128xf32, #tpu.memory_space<vmem>>, vector<16xf32>,
        %get3A_462 = arith.index_cast %scan3A_59 : i32 to index
        %get3A_463 = arith.constant 32 : index
        %get3A_464 = tpu.vector_load %arg11[%get3A_462, %get3A_463] {strides = array<i32>} : memref<8x128xf32, #tpu.memory_space<vmem>>, vector<16xf32>,
        %sub3A_465 = arith.subf %get3A_461, %get3A_464 : vector<16xf32>
        %mul3A_466 = arith.mulf %sub3A_465, %sub3A_465 : vector<16xf32>
        %add3A_467 = arith.addf %add3A_454, %mul3A_466 : vector<16xf32>
        %mul3A_468 = arith.constant 16 : i32
        %mul3A_469 = arith.muli %scan3A_59, %mul3A_468 : i32
        %add3A_470 = arith.constant 7 : i32
        %add3A_471 = arith.addi %mul3A_469, %add3A_470 : i32
        %get3A_472 = arith.index_cast %add3A_471 : i32 to index
        %get3A_473 = arith.constant 48 : index
        %get3A_474 = tpu.vector_load %arg12[%get3A_472, %get3A_473] {strides = array<i32>} : memref<128x128xf32, #tpu.memory_space<vmem>>, vector<16xf32>,
        %get3A_475 = arith.index_cast %scan3A_59 : i32 to index
        %get3A_476 = arith.constant 48 : index
        %get3A_477 = tpu.vector_load %arg11[%get3A_475, %get3A_476] {strides = array<i32>} : memref<8x128xf32, #tpu.memory_space<vmem>>, vector<16xf32>,
        %sub3A_478 = arith.subf %get3A_474, %get3A_477 : vector<16xf32>
        %mul3A_479 = arith.mulf %sub3A_478, %sub3A_478 : vector<16xf32>
        %add3A_480 = arith.addf %add3A_467, %mul3A_479 : vector<16xf32>
        %eq3A_481 = arith.constant 7 : i32
        %eq3A_482 = vector.broadcast %eq3A_481 : i32 to vector<16xi32>
        %eq3A_483 = arith.cmpi eq, %iota3A, %eq3A_482 : vector<16xi32>
        %reduce_sum3A_484 = arith.constant true
        %reduce_sum3A_485 = vector.broadcast %reduce_sum3A_484 : i1 to vector<16xi1>
        %reduce_sum3A_486 = tpu.scan <sum>, %add3A_480 masked %reduce_sum3A_485 : vector<16xf32>, vector<16xi1> -> vector<16xf32>
        %reduce_sum3A_487 = vector.extract %reduce_sum3A_486[15] : f32 from vector<16xf32>
        %broadcast_in_dim3A_488 = vector.broadcast %reduce_sum3A_487 : f32 to vector<16xf32>
        %select_n3A_489 = arith.select %eq3A_483, %broadcast_in_dim3A_488, %select_n3A_428 : vector<16xi1>, vector<16xf32>
        %mul3A_490 = arith.constant 16 : i32
        %mul3A_491 = arith.muli %scan3A_59, %mul3A_490 : i32
        %add3A_492 = arith.constant 8 : i32
        %add3A_493 = arith.addi %mul3A_491, %add3A_492 : i32
        %get3A_494 = arith.index_cast %add3A_493 : i32 to index
        %get3A_495 = arith.constant 0 : index
        %get3A_496 = tpu.vector_load %arg12[%get3A_494, %get3A_495] {strides = array<i32>} : memref<128x128xf32, #tpu.memory_space<vmem>>, vector<16xf32>,
        %get3A_497 = arith.index_cast %scan3A_59 : i32 to index
        %get3A_498 = arith.constant 0 : index
        %get3A_499 = tpu.vector_load %arg11[%get3A_497, %get3A_498] {strides = array<i32>} : memref<8x128xf32, #tpu.memory_space<vmem>>, vector<16xf32>,
        %sub3A_500 = arith.subf %get3A_496, %get3A_499 : vector<16xf32>
        %mul3A_501 = arith.mulf %sub3A_500, %sub3A_500 : vector<16xf32>
        %add3A_502 = arith.addf %broadcast_in_dim3A_12, %mul3A_501 : vector<16xf32>
        %mul3A_503 = arith.constant 16 : i32
        %mul3A_504 = arith.muli %scan3A_59, %mul3A_503 : i32
        %add3A_505 = arith.constant 8 : i32
        %add3A_506 = arith.addi %mul3A_504, %add3A_505 : i32
        %get3A_507 = arith.index_cast %add3A_506 : i32 to index
        %get3A_508 = arith.constant 16 : index
        %get3A_509 = tpu.vector_load %arg12[%get3A_507, %get3A_508] {strides = array<i32>} : memref<128x128xf32, #tpu.memory_space<vmem>>, vector<16xf32>,
        %get3A_510 = arith.index_cast %scan3A_59 : i32 to index
        %get3A_511 = arith.constant 16 : index
        %get3A_512 = tpu.vector_load %arg11[%get3A_510, %get3A_511] {strides = array<i32>} : memref<8x128xf32, #tpu.memory_space<vmem>>, vector<16xf32>,
        %sub3A_513 = arith.subf %get3A_509, %get3A_512 : vector<16xf32>
        %mul3A_514 = arith.mulf %sub3A_513, %sub3A_513 : vector<16xf32>
        %add3A_515 = arith.addf %add3A_502, %mul3A_514 : vector<16xf32>
        %mul3A_516 = arith.constant 16 : i32
        %mul3A_517 = arith.muli %scan3A_59, %mul3A_516 : i32
        %add3A_518 = arith.constant 8 : i32
        %add3A_519 = arith.addi %mul3A_517, %add3A_518 : i32
        %get3A_520 = arith.index_cast %add3A_519 : i32 to index
        %get3A_521 = arith.constant 32 : index
        %get3A_522 = tpu.vector_load %arg12[%get3A_520, %get3A_521] {strides = array<i32>} : memref<128x128xf32, #tpu.memory_space<vmem>>, vector<16xf32>,
        %get3A_523 = arith.index_cast %scan3A_59 : i32 to index
        %get3A_524 = arith.constant 32 : index
        %get3A_525 = tpu.vector_load %arg11[%get3A_523, %get3A_524] {strides = array<i32>} : memref<8x128xf32, #tpu.memory_space<vmem>>, vector<16xf32>,
        %sub3A_526 = arith.subf %get3A_522, %get3A_525 : vector<16xf32>
        %mul3A_527 = arith.mulf %sub3A_526, %sub3A_526 : vector<16xf32>
        %add3A_528 = arith.addf %add3A_515, %mul3A_527 : vector<16xf32>
        %mul3A_529 = arith.constant 16 : i32
        %mul3A_530 = arith.muli %scan3A_59, %mul3A_529 : i32
        %add3A_531 = arith.constant 8 : i32
        %add3A_532 = arith.addi %mul3A_530, %add3A_531 : i32
        %get3A_533 = arith.index_cast %add3A_532 : i32 to index
        %get3A_534 = arith.constant 48 : index
        %get3A_535 = tpu.vector_load %arg12[%get3A_533, %get3A_534] {strides = array<i32>} : memref<128x128xf32, #tpu.memory_space<vmem>>, vector<16xf32>,
        %get3A_536 = arith.index_cast %scan3A_59 : i32 to index
        %get3A_537 = arith.constant 48 : index
        %get3A_538 = tpu.vector_load %arg11[%get3A_536, %get3A_537] {strides = array<i32>} : memref<8x128xf32, #tpu.memory_space<vmem>>, vector<16xf32>,
        %sub3A_539 = arith.subf %get3A_535, %get3A_538 : vector<16xf32>
        %mul3A_540 = arith.mulf %sub3A_539, %sub3A_539 : vector<16xf32>
        %add3A_541 = arith.addf %add3A_528, %mul3A_540 : vector<16xf32>
        %eq3A_542 = arith.constant 8 : i32
        %eq3A_543 = vector.broadcast %eq3A_542 : i32 to vector<16xi32>
        %eq3A_544 = arith.cmpi eq, %iota3A, %eq3A_543 : vector<16xi32>
        %reduce_sum3A_545 = arith.constant true
        %reduce_sum3A_546 = vector.broadcast %reduce_sum3A_545 : i1 to vector<16xi1>
        %reduce_sum3A_547 = tpu.scan <sum>, %add3A_541 masked %reduce_sum3A_546 : vector<16xf32>, vector<16xi1> -> vector<16xf32>
        %reduce_sum3A_548 = vector.extract %reduce_sum3A_547[15] : f32 from vector<16xf32>
        %broadcast_in_dim3A_549 = vector.broadcast %reduce_sum3A_548 : f32 to vector<16xf32>
        %select_n3A_550 = arith.select %eq3A_544, %broadcast_in_dim3A_549, %select_n3A_489 : vector<16xi1>, vector<16xf32>
        %mul3A_551 = arith.constant 16 : i32
        %mul3A_552 = arith.muli %scan3A_59, %mul3A_551 : i32
        %add3A_553 = arith.constant 9 : i32
        %add3A_554 = arith.addi %mul3A_552, %add3A_553 : i32
        %get3A_555 = arith.index_cast %add3A_554 : i32 to index
        %get3A_556 = arith.constant 0 : index
        %get3A_557 = tpu.vector_load %arg12[%get3A_555, %get3A_556] {strides = array<i32>} : memref<128x128xf32, #tpu.memory_space<vmem>>, vector<16xf32>,
        %get3A_558 = arith.index_cast %scan3A_59 : i32 to index
        %get3A_559 = arith.constant 0 : index
        %get3A_560 = tpu.vector_load %arg11[%get3A_558, %get3A_559] {strides = array<i32>} : memref<8x128xf32, #tpu.memory_space<vmem>>, vector<16xf32>,
        %sub3A_561 = arith.subf %get3A_557, %get3A_560 : vector<16xf32>
        %mul3A_562 = arith.mulf %sub3A_561, %sub3A_561 : vector<16xf32>
        %add3A_563 = arith.addf %broadcast_in_dim3A_12, %mul3A_562 : vector<16xf32>
        %mul3A_564 = arith.constant 16 : i32
        %mul3A_565 = arith.muli %scan3A_59, %mul3A_564 : i32
        %add3A_566 = arith.constant 9 : i32
        %add3A_567 = arith.addi %mul3A_565, %add3A_566 : i32
        %get3A_568 = arith.index_cast %add3A_567 : i32 to index
        %get3A_569 = arith.constant 16 : index
        %get3A_570 = tpu.vector_load %arg12[%get3A_568, %get3A_569] {strides = array<i32>} : memref<128x128xf32, #tpu.memory_space<vmem>>, vector<16xf32>,
        %get3A_571 = arith.index_cast %scan3A_59 : i32 to index
        %get3A_572 = arith.constant 16 : index
        %get3A_573 = tpu.vector_load %arg11[%get3A_571, %get3A_572] {strides = array<i32>} : memref<8x128xf32, #tpu.memory_space<vmem>>, vector<16xf32>,
        %sub3A_574 = arith.subf %get3A_570, %get3A_573 : vector<16xf32>
        %mul3A_575 = arith.mulf %sub3A_574, %sub3A_574 : vector<16xf32>
        %add3A_576 = arith.addf %add3A_563, %mul3A_575 : vector<16xf32>
        %mul3A_577 = arith.constant 16 : i32
        %mul3A_578 = arith.muli %scan3A_59, %mul3A_577 : i32
        %add3A_579 = arith.constant 9 : i32
        %add3A_580 = arith.addi %mul3A_578, %add3A_579 : i32
        %get3A_581 = arith.index_cast %add3A_580 : i32 to index
        %get3A_582 = arith.constant 32 : index
        %get3A_583 = tpu.vector_load %arg12[%get3A_581, %get3A_582] {strides = array<i32>} : memref<128x128xf32, #tpu.memory_space<vmem>>, vector<16xf32>,
        %get3A_584 = arith.index_cast %scan3A_59 : i32 to index
        %get3A_585 = arith.constant 32 : index
        %get3A_586 = tpu.vector_load %arg11[%get3A_584, %get3A_585] {strides = array<i32>} : memref<8x128xf32, #tpu.memory_space<vmem>>, vector<16xf32>,
        %sub3A_587 = arith.subf %get3A_583, %get3A_586 : vector<16xf32>
        %mul3A_588 = arith.mulf %sub3A_587, %sub3A_587 : vector<16xf32>
        %add3A_589 = arith.addf %add3A_576, %mul3A_588 : vector<16xf32>
        %mul3A_590 = arith.constant 16 : i32
        %mul3A_591 = arith.muli %scan3A_59, %mul3A_590 : i32
        %add3A_592 = arith.constant 9 : i32
        %add3A_593 = arith.addi %mul3A_591, %add3A_592 : i32
        %get3A_594 = arith.index_cast %add3A_593 : i32 to index
        %get3A_595 = arith.constant 48 : index
        %get3A_596 = tpu.vector_load %arg12[%get3A_594, %get3A_595] {strides = array<i32>} : memref<128x128xf32, #tpu.memory_space<vmem>>, vector<16xf32>,
        %get3A_597 = arith.index_cast %scan3A_59 : i32 to index
        %get3A_598 = arith.constant 48 : index
        %get3A_599 = tpu.vector_load %arg11[%get3A_597, %get3A_598] {strides = array<i32>} : memref<8x128xf32, #tpu.memory_space<vmem>>, vector<16xf32>,
        %sub3A_600 = arith.subf %get3A_596, %get3A_599 : vector<16xf32>
        %mul3A_601 = arith.mulf %sub3A_600, %sub3A_600 : vector<16xf32>
        %add3A_602 = arith.addf %add3A_589, %mul3A_601 : vector<16xf32>
        %eq3A_603 = arith.constant 9 : i32
        %eq3A_604 = vector.broadcast %eq3A_603 : i32 to vector<16xi32>
        %eq3A_605 = arith.cmpi eq, %iota3A, %eq3A_604 : vector<16xi32>
        %reduce_sum3A_606 = arith.constant true
        %reduce_sum3A_607 = vector.broadcast %reduce_sum3A_606 : i1 to vector<16xi1>
        %reduce_sum3A_608 = tpu.scan <sum>, %add3A_602 masked %reduce_sum3A_607 : vector<16xf32>, vector<16xi1> -> vector<16xf32>
        %reduce_sum3A_609 = vector.extract %reduce_sum3A_608[15] : f32 from vector<16xf32>
        %broadcast_in_dim3A_610 = vector.broadcast %reduce_sum3A_609 : f32 to vector<16xf32>
        %select_n3A_611 = arith.select %eq3A_605, %broadcast_in_dim3A_610, %select_n3A_550 : vector<16xi1>, vector<16xf32>
        %mul3A_612 = arith.constant 16 : i32
        %mul3A_613 = arith.muli %scan3A_59, %mul3A_612 : i32
        %add3A_614 = arith.constant 10 : i32
        %add3A_615 = arith.addi %mul3A_613, %add3A_614 : i32
        %get3A_616 = arith.index_cast %add3A_615 : i32 to index
        %get3A_617 = arith.constant 0 : index
        %get3A_618 = tpu.vector_load %arg12[%get3A_616, %get3A_617] {strides = array<i32>} : memref<128x128xf32, #tpu.memory_space<vmem>>, vector<16xf32>,
        %get3A_619 = arith.index_cast %scan3A_59 : i32 to index
        %get3A_620 = arith.constant 0 : index
        %get3A_621 = tpu.vector_load %arg11[%get3A_619, %get3A_620] {strides = array<i32>} : memref<8x128xf32, #tpu.memory_space<vmem>>, vector<16xf32>,
        %sub3A_622 = arith.subf %get3A_618, %get3A_621 : vector<16xf32>
        %mul3A_623 = arith.mulf %sub3A_622, %sub3A_622 : vector<16xf32>
        %add3A_624 = arith.addf %broadcast_in_dim3A_12, %mul3A_623 : vector<16xf32>
        %mul3A_625 = arith.constant 16 : i32
        %mul3A_626 = arith.muli %scan3A_59, %mul3A_625 : i32
        %add3A_627 = arith.constant 10 : i32
        %add3A_628 = arith.addi %mul3A_626, %add3A_627 : i32
        %get3A_629 = arith.index_cast %add3A_628 : i32 to index
        %get3A_630 = arith.constant 16 : index
        %get3A_631 = tpu.vector_load %arg12[%get3A_629, %get3A_630] {strides = array<i32>} : memref<128x128xf32, #tpu.memory_space<vmem>>, vector<16xf32>,
        %get3A_632 = arith.index_cast %scan3A_59 : i32 to index
        %get3A_633 = arith.constant 16 : index
        %get3A_634 = tpu.vector_load %arg11[%get3A_632, %get3A_633] {strides = array<i32>} : memref<8x128xf32, #tpu.memory_space<vmem>>, vector<16xf32>,
        %sub3A_635 = arith.subf %get3A_631, %get3A_634 : vector<16xf32>
        %mul3A_636 = arith.mulf %sub3A_635, %sub3A_635 : vector<16xf32>
        %add3A_637 = arith.addf %add3A_624, %mul3A_636 : vector<16xf32>
        %mul3A_638 = arith.constant 16 : i32
        %mul3A_639 = arith.muli %scan3A_59, %mul3A_638 : i32
        %add3A_640 = arith.constant 10 : i32
        %add3A_641 = arith.addi %mul3A_639, %add3A_640 : i32
        %get3A_642 = arith.index_cast %add3A_641 : i32 to index
        %get3A_643 = arith.constant 32 : index
        %get3A_644 = tpu.vector_load %arg12[%get3A_642, %get3A_643] {strides = array<i32>} : memref<128x128xf32, #tpu.memory_space<vmem>>, vector<16xf32>,
        %get3A_645 = arith.index_cast %scan3A_59 : i32 to index
        %get3A_646 = arith.constant 32 : index
        %get3A_647 = tpu.vector_load %arg11[%get3A_645, %get3A_646] {strides = array<i32>} : memref<8x128xf32, #tpu.memory_space<vmem>>, vector<16xf32>,
        %sub3A_648 = arith.subf %get3A_644, %get3A_647 : vector<16xf32>
        %mul3A_649 = arith.mulf %sub3A_648, %sub3A_648 : vector<16xf32>
        %add3A_650 = arith.addf %add3A_637, %mul3A_649 : vector<16xf32>
        %mul3A_651 = arith.constant 16 : i32
        %mul3A_652 = arith.muli %scan3A_59, %mul3A_651 : i32
        %add3A_653 = arith.constant 10 : i32
        %add3A_654 = arith.addi %mul3A_652, %add3A_653 : i32
        %get3A_655 = arith.index_cast %add3A_654 : i32 to index
        %get3A_656 = arith.constant 48 : index
        %get3A_657 = tpu.vector_load %arg12[%get3A_655, %get3A_656] {strides = array<i32>} : memref<128x128xf32, #tpu.memory_space<vmem>>, vector<16xf32>,
        %get3A_658 = arith.index_cast %scan3A_59 : i32 to index
        %get3A_659 = arith.constant 48 : index
        %get3A_660 = tpu.vector_load %arg11[%get3A_658, %get3A_659] {strides = array<i32>} : memref<8x128xf32, #tpu.memory_space<vmem>>, vector<16xf32>,
        %sub3A_661 = arith.subf %get3A_657, %get3A_660 : vector<16xf32>
        %mul3A_662 = arith.mulf %sub3A_661, %sub3A_661 : vector<16xf32>
        %add3A_663 = arith.addf %add3A_650, %mul3A_662 : vector<16xf32>
        %eq3A_664 = arith.constant 10 : i32
        %eq3A_665 = vector.broadcast %eq3A_664 : i32 to vector<16xi32>
        %eq3A_666 = arith.cmpi eq, %iota3A, %eq3A_665 : vector<16xi32>
        %reduce_sum3A_667 = arith.constant true
        %reduce_sum3A_668 = vector.broadcast %reduce_sum3A_667 : i1 to vector<16xi1>
        %reduce_sum3A_669 = tpu.scan <sum>, %add3A_663 masked %reduce_sum3A_668 : vector<16xf32>, vector<16xi1> -> vector<16xf32>
        %reduce_sum3A_670 = vector.extract %reduce_sum3A_669[15] : f32 from vector<16xf32>
        %broadcast_in_dim3A_671 = vector.broadcast %reduce_sum3A_670 : f32 to vector<16xf32>
        %select_n3A_672 = arith.select %eq3A_666, %broadcast_in_dim3A_671, %select_n3A_611 : vector<16xi1>, vector<16xf32>
        %add3A_673 = arith.constant 9.99999993E-9 : f32
        %add3A_674 = vector.broadcast %add3A_673 : f32 to vector<16xf32>
        %add3A_675 = arith.addf %select_n3A_672, %add3A_674 : vector<16xf32>
        %bitcast3A = vector.bitcast %add3A_675 : vector<16xf32> to vector<16xi32>
        %shift_right_arithmetic3A = arith.constant 1 : i32
        %shift_right_arithmetic3A_676 = vector.broadcast %shift_right_arithmetic3A : i32 to vector<16xi32>
        %shift_right_arithmetic3A_677 = arith.shrsi %bitcast3A, %shift_right_arithmetic3A_676 : vector<16xi32>
        %sub3A_678 = arith.constant 1597463007 : i32
        %sub3A_679 = vector.broadcast %sub3A_678 : i32 to vector<16xi32>
        %sub3A_680 = arith.subi %sub3A_679, %shift_right_arithmetic3A_677 : vector<16xi32>
        %bitcast3A_681 = vector.bitcast %sub3A_680 : vector<16xi32> to vector<16xf32>
        %mul3A_682 = arith.constant 5.000000e-01 : f32
        %mul3A_683 = vector.broadcast %mul3A_682 : f32 to vector<16xf32>
        %mul3A_684 = arith.mulf %mul3A_683, %add3A_675 : vector<16xf32>
        %mul3A_685 = arith.mulf %mul3A_684, %bitcast3A_681 : vector<16xf32>
        %mul3A_686 = arith.mulf %mul3A_685, %bitcast3A_681 : vector<16xf32>
        %sub3A_687 = arith.constant 1.500000e+00 : f32
        %sub3A_688 = vector.broadcast %sub3A_687 : f32 to vector<16xf32>
        %sub3A_689 = arith.subf %sub3A_688, %mul3A_686 : vector<16xf32>
        %mul3A_690 = arith.mulf %bitcast3A_681, %sub3A_689 : vector<16xf32>
        %mul3A_691 = arith.constant 5.000000e-01 : f32
        %mul3A_692 = vector.broadcast %mul3A_691 : f32 to vector<16xf32>
        %mul3A_693 = arith.mulf %mul3A_692, %add3A_675 : vector<16xf32>
        %mul3A_694 = arith.mulf %mul3A_693, %mul3A_690 : vector<16xf32>
        %mul3A_695 = arith.mulf %mul3A_694, %mul3A_690 : vector<16xf32>
        %sub3A_696 = arith.constant 1.500000e+00 : f32
        %sub3A_697 = vector.broadcast %sub3A_696 : f32 to vector<16xf32>
        %sub3A_698 = arith.subf %sub3A_697, %mul3A_695 : vector<16xf32>
        %mul3A_699 = arith.mulf %mul3A_690, %sub3A_698 : vector<16xf32>
        %mul3A_700 = arith.constant 5.000000e-01 : f32
        %mul3A_701 = vector.broadcast %mul3A_700 : f32 to vector<16xf32>
        %mul3A_702 = arith.mulf %mul3A_701, %add3A_675 : vector<16xf32>
        %mul3A_703 = arith.mulf %mul3A_702, %mul3A_699 : vector<16xf32>
        %mul3A_704 = arith.mulf %mul3A_703, %mul3A_699 : vector<16xf32>
        %sub3A_705 = arith.constant 1.500000e+00 : f32
        %sub3A_706 = vector.broadcast %sub3A_705 : f32 to vector<16xf32>
        %sub3A_707 = arith.subf %sub3A_706, %mul3A_704 : vector<16xf32>
        %mul3A_708 = arith.mulf %mul3A_699, %sub3A_707 : vector<16xf32>
        %mul3A_709 = arith.mulf %add3A_675, %mul3A_708 : vector<16xf32>
        %div3A = arith.divf %add3A_675, %mul3A_709 : vector<16xf32>
        %add3A_710 = arith.addf %mul3A_709, %div3A : vector<16xf32>
        %mul3A_711 = arith.constant 5.000000e-01 : f32
        %mul3A_712 = vector.broadcast %mul3A_711 : f32 to vector<16xf32>
        %mul3A_713 = arith.mulf %mul3A_712, %add3A_710 : vector<16xf32>
        %mul3A_714 = arith.constant 4.096000e+03 : f32
        %mul3A_715 = vector.broadcast %mul3A_714 : f32 to vector<16xf32>
        %mul3A_716 = arith.mulf %mul3A_715, %select_n3A_672 : vector<16xf32>
        %add3A_717 = arith.constant 9.99999996E-13 : f32
        %add3A_718 = vector.broadcast %add3A_717 : f32 to vector<16xf32>
        %add3A_719 = arith.addf %mul3A_716, %add3A_718 : vector<16xf32>
        %bitcast3A_720 = vector.bitcast %add3A_719 : vector<16xf32> to vector<16xi32>
        %shift_right_arithmetic3A_721 = arith.constant 1 : i32
        %shift_right_arithmetic3A_722 = vector.broadcast %shift_right_arithmetic3A_721 : i32 to vector<16xi32>
        %shift_right_arithmetic3A_723 = arith.shrsi %bitcast3A_720, %shift_right_arithmetic3A_722 : vector<16xi32>
        %sub3A_724 = arith.constant 1597463007 : i32
        %sub3A_725 = vector.broadcast %sub3A_724 : i32 to vector<16xi32>
        %sub3A_726 = arith.subi %sub3A_725, %shift_right_arithmetic3A_723 : vector<16xi32>
        %bitcast3A_727 = vector.bitcast %sub3A_726 : vector<16xi32> to vector<16xf32>
        %mul3A_728 = arith.constant 5.000000e-01 : f32
        %mul3A_729 = vector.broadcast %mul3A_728 : f32 to vector<16xf32>
        %mul3A_730 = arith.mulf %mul3A_729, %add3A_719 : vector<16xf32>
        %mul3A_731 = arith.mulf %mul3A_730, %bitcast3A_727 : vector<16xf32>
        %mul3A_732 = arith.mulf %mul3A_731, %bitcast3A_727 : vector<16xf32>
        %sub3A_733 = arith.constant 1.500000e+00 : f32
        %sub3A_734 = vector.broadcast %sub3A_733 : f32 to vector<16xf32>
        %sub3A_735 = arith.subf %sub3A_734, %mul3A_732 : vector<16xf32>
        %mul3A_736 = arith.mulf %bitcast3A_727, %sub3A_735 : vector<16xf32>
        %mul3A_737 = arith.constant 5.000000e-01 : f32
        %mul3A_738 = vector.broadcast %mul3A_737 : f32 to vector<16xf32>
        %mul3A_739 = arith.mulf %mul3A_738, %add3A_719 : vector<16xf32>
        %mul3A_740 = arith.mulf %mul3A_739, %mul3A_736 : vector<16xf32>
        %mul3A_741 = arith.mulf %mul3A_740, %mul3A_736 : vector<16xf32>
        %sub3A_742 = arith.constant 1.500000e+00 : f32
        %sub3A_743 = vector.broadcast %sub3A_742 : f32 to vector<16xf32>
        %sub3A_744 = arith.subf %sub3A_743, %mul3A_741 : vector<16xf32>
        %mul3A_745 = arith.mulf %mul3A_736, %sub3A_744 : vector<16xf32>
        %mul3A_746 = arith.constant 5.000000e-01 : f32
        %mul3A_747 = vector.broadcast %mul3A_746 : f32 to vector<16xf32>
        %mul3A_748 = arith.mulf %mul3A_747, %add3A_719 : vector<16xf32>
        %mul3A_749 = arith.mulf %mul3A_748, %mul3A_745 : vector<16xf32>
        %mul3A_750 = arith.mulf %mul3A_749, %mul3A_745 : vector<16xf32>
        %sub3A_751 = arith.constant 1.500000e+00 : f32
        %sub3A_752 = vector.broadcast %sub3A_751 : f32 to vector<16xf32>
        %sub3A_753 = arith.subf %sub3A_752, %mul3A_750 : vector<16xf32>
        %mul3A_754 = arith.mulf %mul3A_745, %sub3A_753 : vector<16xf32>
        %mul3A_755 = arith.mulf %add3A_719, %mul3A_754 : vector<16xf32>
        %div3A_756 = arith.divf %add3A_719, %mul3A_755 : vector<16xf32>
        %add3A_757 = arith.addf %mul3A_755, %div3A_756 : vector<16xf32>
        %mul3A_758 = arith.constant 5.000000e-01 : f32
        %mul3A_759 = vector.broadcast %mul3A_758 : f32 to vector<16xf32>
        %mul3A_760 = arith.mulf %mul3A_759, %add3A_757 : vector<16xf32>
        %mul3A_761 = arith.mulf %get3A_5, %mul3A_760 : vector<16xf32>
        %add3A_762 = arith.addf %mul3A_713, %mul3A_761 : vector<16xf32>
        %neg3A = arith.constant 0.000000e+00 : f32
        %neg3A_763 = vector.broadcast %neg3A : f32 to vector<16xf32>
        %neg3A_764 = arith.subf %neg3A_763, %add3A_762 : vector<16xf32>
        %mul3A_765 = arith.constant 2.000000e+00 : f32
        %mul3A_766 = vector.broadcast %mul3A_765 : f32 to vector<16xf32>
        %mul3A_767 = arith.mulf %mul3A_766, %get3A_7 : vector<16xf32>
        %div3A_768 = arith.divf %neg3A_764, %mul3A_767 : vector<16xf32>
        %jit3A = arith.constant -3.000000e+38 : f32
        %broadcast_in_dim3A_769 = vector.broadcast %jit3A : f32 to vector<16xf32>
        %select_n3A_770 = arith.select %and3A, %div3A_768, %broadcast_in_dim3A_769 : vector<16xi1>, vector<16xf32>
        %masked_sort3A = arith.constant dense<true> : vector<16xi1>
        %masked_sort3A_771, %masked_sort3A_772, %masked_sort3A_773 = tpu.sort %select_n3A_770, %select_n3A_770 masked %masked_sort3A {descending = true} : (vector<16xf32>, vector<16xf32>, vector<16xi1>) -> (vector<16xi1>, vector<16xf32>, vector<16xf32>)
        %broadcast_in_dim3A_774 = arith.constant true
        %broadcast_in_dim3A_775 = vector.broadcast %broadcast_in_dim3A_774 : i1 to vector<16xi1>
        %masked_cumsum3A = tpu.scan <sum>, %masked_sort3A_772 masked %broadcast_in_dim3A_775 : vector<16xf32>, vector<16xi1> -> vector<16xf32>
        %sub3A_776 = arith.constant 1.000000e+00 : f32
        %sub3A_777 = vector.broadcast %sub3A_776 : f32 to vector<16xf32>
        %sub3A_778 = arith.subf %sub3A_777, %masked_cumsum3A : vector<16xf32>
        %div3A_779 = arith.divf %sub3A_778, %convert_element_type3A : vector<16xf32>
        %add3A_780 = arith.addf %masked_sort3A_772, %div3A_779 : vector<16xf32>
        %gt3A = arith.constant 0.000000e+00 : f32
        %gt3A_781 = vector.broadcast %gt3A : f32 to vector<16xf32>
        %gt3A_782 = arith.cmpf ogt, %add3A_780, %gt3A_781 : vector<16xf32>
        %lt3A = arith.constant 10 : i32
        %lt3A_783 = vector.broadcast %lt3A : i32 to vector<16xi32>
        %lt3A_784 = arith.cmpi slt, %iota3A, %lt3A_783 : vector<16xi32>
        %and3A_785 = arith.andi %gt3A_782, %lt3A_784 : vector<16xi1>
        %all_reduce_population_count3A = tpu.all_reduce %and3A_785 {dim = 0 : i64, kind = #tpu.reduction_kind<sum>} : vector<16xi1> -> vector<16xi32>
        %convert_element_type3A_786 = arith.sitofp %all_reduce_population_count3A : vector<16xi32> to vector<16xf32>
        %sub3A_787 = arith.constant 1 : i32
        %sub3A_788 = vector.broadcast %sub3A_787 : i32 to vector<16xi32>
        %sub3A_789 = arith.subi %all_reduce_population_count3A, %sub3A_788 : vector<16xi32>
        %eq3A_790 = arith.cmpi eq, %iota3A, %sub3A_789 : vector<16xi32>
        %jit3A_791 = arith.constant 0.000000e+00 : f32
        %broadcast_in_dim3A_792 = vector.broadcast %jit3A_791 : f32 to vector<16xf32>
        %select_n3A_793 = arith.select %eq3A_790, %masked_cumsum3A, %broadcast_in_dim3A_792 : vector<16xi1>, vector<16xf32>
        %reduce_sum3A_794 = arith.constant true
        %reduce_sum3A_795 = vector.broadcast %reduce_sum3A_794 : i1 to vector<16xi1>
        %reduce_sum3A_796 = tpu.scan <sum>, %select_n3A_793 masked %reduce_sum3A_795 : vector<16xf32>, vector<16xi1> -> vector<16xf32>
        %reduce_sum3A_797 = vector.extract %reduce_sum3A_796[15] : f32 from vector<16xf32>
        %sub3A_798 = arith.constant 1.000000e+00 : f32
        %sub3A_799 = arith.subf %reduce_sum3A_797, %sub3A_798 : f32
        %div3A_800 = vector.broadcast %sub3A_799 : f32 to vector<16xf32>
        %div3A_801 = arith.divf %div3A_800, %convert_element_type3A_786 : vector<16xf32>
        %sub3A_802 = arith.subf %div3A_768, %div3A_801 : vector<16xf32>
        %max3A = arith.constant 0.000000e+00 : f32
        %max3A_803 = vector.broadcast %max3A : f32 to vector<16xf32>
        %max3A_804 = arith.maximumf %sub3A_802, %max3A_803 : vector<16xf32>
        %jit3A_805 = arith.constant 0.000000e+00 : f32
        %broadcast_in_dim3A_806 = vector.broadcast %jit3A_805 : f32 to vector<16xf32>
        %select_n3A_807 = arith.select %and3A, %max3A_804, %broadcast_in_dim3A_806 : vector<16xi1>, vector<16xf32>
        %swap3A = arith.constant 0 : index
        %swap3A_808 = tpu.vector_load %arg15[%swap3A] {strides = array<i32>} : memref<16xi32, #tpu.memory_space<vmem>>, vector<16xi32>,
        tpu.vector_store %arg15[%swap3A], %get3A_66 {strides = array<i32>} : memref<16xi32, #tpu.memory_space<vmem>>, vector<16xi32>,
        %lt3A_809 = arith.constant 0 : i32
        %lt3A_810 = vector.broadcast %lt3A_809 : i32 to vector<16xi32>
        %lt3A_811 = arith.cmpi slt, %iota3A, %lt3A_810 : vector<16xi32>
        %add3A_812 = arith.constant 1 : i32
        %add3A_813 = vector.broadcast %add3A_812 : i32 to vector<16xi32>
        %add3A_814 = arith.addi %iota3A, %add3A_813 : vector<16xi32>
        %min3A = arith.constant 15 : i32
        %min3A_815 = vector.broadcast %min3A : i32 to vector<16xi32>
        %min3A_816 = arith.minsi %add3A_814, %min3A_815 : vector<16xi32>
        %gather3A = tpu.vector_load_idx %arg15[%min3A_816] : memref<16xi32, #tpu.memory_space<vmem>>[vector<16xi32>], vector<16xi32>,
        %eq3A_817 = arith.cmpi eq, %get3A_66, %gather3A : vector<16xi32>
        %ge3A_818 = arith.constant 1 : i32
        %ge3A_819 = vector.broadcast %ge3A_818 : i32 to vector<16xi32>
        %ge3A_820 = arith.cmpi sge, %iota3A, %ge3A_819 : vector<16xi32>
        %and3A_821 = arith.andi %eq3A_817, %ge3A_820 : vector<16xi1>
        %add3A_822 = arith.constant 1 : i32
        %add3A_823 = vector.broadcast %add3A_822 : i32 to vector<16xi32>
        %add3A_824 = arith.addi %iota3A, %add3A_823 : vector<16xi32>
        %le3A_825 = arith.constant 10 : i32
        %le3A_826 = vector.broadcast %le3A_825 : i32 to vector<16xi32>
        %le3A_827 = arith.cmpi sle, %add3A_824, %le3A_826 : vector<16xi32>
        %and3A_828 = arith.andi %and3A_821, %le3A_827 : vector<16xi1>
        %or3A = arith.ori %lt3A_811, %and3A_828 : vector<16xi1>
        %add3A_829 = arith.constant 2 : i32
        %add3A_830 = vector.broadcast %add3A_829 : i32 to vector<16xi32>
        %add3A_831 = arith.addi %iota3A, %add3A_830 : vector<16xi32>
        %min3A_832 = arith.constant 15 : i32
        %min3A_833 = vector.broadcast %min3A_832 : i32 to vector<16xi32>
        %min3A_834 = arith.minsi %add3A_831, %min3A_833 : vector<16xi32>
        %gather3A_835 = tpu.vector_load_idx %arg15[%min3A_834] : memref<16xi32, #tpu.memory_space<vmem>>[vector<16xi32>], vector<16xi32>,
        %eq3A_836 = arith.cmpi eq, %get3A_66, %gather3A_835 : vector<16xi32>
        %ge3A_837 = arith.constant 1 : i32
        %ge3A_838 = vector.broadcast %ge3A_837 : i32 to vector<16xi32>
        %ge3A_839 = arith.cmpi sge, %iota3A, %ge3A_838 : vector<16xi32>
        %and3A_840 = arith.andi %eq3A_836, %ge3A_839 : vector<16xi1>
        %add3A_841 = arith.constant 2 : i32
        %add3A_842 = vector.broadcast %add3A_841 : i32 to vector<16xi32>
        %add3A_843 = arith.addi %iota3A, %add3A_842 : vector<16xi32>
        %le3A_844 = arith.constant 10 : i32
        %le3A_845 = vector.broadcast %le3A_844 : i32 to vector<16xi32>
        %le3A_846 = arith.cmpi sle, %add3A_843, %le3A_845 : vector<16xi32>
        %and3A_847 = arith.andi %and3A_840, %le3A_846 : vector<16xi1>
        %or3A_848 = arith.ori %or3A, %and3A_847 : vector<16xi1>
        %add3A_849 = arith.constant 3 : i32
        %add3A_850 = vector.broadcast %add3A_849 : i32 to vector<16xi32>
        %add3A_851 = arith.addi %iota3A, %add3A_850 : vector<16xi32>
        %min3A_852 = arith.constant 15 : i32
        %min3A_853 = vector.broadcast %min3A_852 : i32 to vector<16xi32>
        %min3A_854 = arith.minsi %add3A_851, %min3A_853 : vector<16xi32>
        %gather3A_855 = tpu.vector_load_idx %arg15[%min3A_854] : memref<16xi32, #tpu.memory_space<vmem>>[vector<16xi32>], vector<16xi32>,
        %eq3A_856 = arith.cmpi eq, %get3A_66, %gather3A_855 : vector<16xi32>
        %ge3A_857 = arith.constant 1 : i32
        %ge3A_858 = vector.broadcast %ge3A_857 : i32 to vector<16xi32>
        %ge3A_859 = arith.cmpi sge, %iota3A, %ge3A_858 : vector<16xi32>
        %and3A_860 = arith.andi %eq3A_856, %ge3A_859 : vector<16xi1>
        %add3A_861 = arith.constant 3 : i32
        %add3A_862 = vector.broadcast %add3A_861 : i32 to vector<16xi32>
        %add3A_863 = arith.addi %iota3A, %add3A_862 : vector<16xi32>
        %le3A_864 = arith.constant 10 : i32
        %le3A_865 = vector.broadcast %le3A_864 : i32 to vector<16xi32>
        %le3A_866 = arith.cmpi sle, %add3A_863, %le3A_865 : vector<16xi32>
        %and3A_867 = arith.andi %and3A_860, %le3A_866 : vector<16xi1>
        %or3A_868 = arith.ori %or3A_848, %and3A_867 : vector<16xi1>
        %add3A_869 = arith.constant 4 : i32
        %add3A_870 = vector.broadcast %add3A_869 : i32 to vector<16xi32>
        %add3A_871 = arith.addi %iota3A, %add3A_870 : vector<16xi32>
        %min3A_872 = arith.constant 15 : i32
        %min3A_873 = vector.broadcast %min3A_872 : i32 to vector<16xi32>
        %min3A_874 = arith.minsi %add3A_871, %min3A_873 : vector<16xi32>
        %gather3A_875 = tpu.vector_load_idx %arg15[%min3A_874] : memref<16xi32, #tpu.memory_space<vmem>>[vector<16xi32>], vector<16xi32>,
        %eq3A_876 = arith.cmpi eq, %get3A_66, %gather3A_875 : vector<16xi32>
        %ge3A_877 = arith.constant 1 : i32
        %ge3A_878 = vector.broadcast %ge3A_877 : i32 to vector<16xi32>
        %ge3A_879 = arith.cmpi sge, %iota3A, %ge3A_878 : vector<16xi32>
        %and3A_880 = arith.andi %eq3A_876, %ge3A_879 : vector<16xi1>
        %add3A_881 = arith.constant 4 : i32
        %add3A_882 = vector.broadcast %add3A_881 : i32 to vector<16xi32>
        %add3A_883 = arith.addi %iota3A, %add3A_882 : vector<16xi32>
        %le3A_884 = arith.constant 10 : i32
        %le3A_885 = vector.broadcast %le3A_884 : i32 to vector<16xi32>
        %le3A_886 = arith.cmpi sle, %add3A_883, %le3A_885 : vector<16xi32>
        %and3A_887 = arith.andi %and3A_880, %le3A_886 : vector<16xi1>
        %or3A_888 = arith.ori %or3A_868, %and3A_887 : vector<16xi1>
        %add3A_889 = arith.constant 5 : i32
        %add3A_890 = vector.broadcast %add3A_889 : i32 to vector<16xi32>
        %add3A_891 = arith.addi %iota3A, %add3A_890 : vector<16xi32>
        %min3A_892 = arith.constant 15 : i32
        %min3A_893 = vector.broadcast %min3A_892 : i32 to vector<16xi32>
        %min3A_894 = arith.minsi %add3A_891, %min3A_893 : vector<16xi32>
        %gather3A_895 = tpu.vector_load_idx %arg15[%min3A_894] : memref<16xi32, #tpu.memory_space<vmem>>[vector<16xi32>], vector<16xi32>,
        %eq3A_896 = arith.cmpi eq, %get3A_66, %gather3A_895 : vector<16xi32>
        %ge3A_897 = arith.constant 1 : i32
        %ge3A_898 = vector.broadcast %ge3A_897 : i32 to vector<16xi32>
        %ge3A_899 = arith.cmpi sge, %iota3A, %ge3A_898 : vector<16xi32>
        %and3A_900 = arith.andi %eq3A_896, %ge3A_899 : vector<16xi1>
        %add3A_901 = arith.constant 5 : i32
        %add3A_902 = vector.broadcast %add3A_901 : i32 to vector<16xi32>
        %add3A_903 = arith.addi %iota3A, %add3A_902 : vector<16xi32>
        %le3A_904 = arith.constant 10 : i32
        %le3A_905 = vector.broadcast %le3A_904 : i32 to vector<16xi32>
        %le3A_906 = arith.cmpi sle, %add3A_903, %le3A_905 : vector<16xi32>
        %and3A_907 = arith.andi %and3A_900, %le3A_906 : vector<16xi1>
        %or3A_908 = arith.ori %or3A_888, %and3A_907 : vector<16xi1>
        %add3A_909 = arith.constant 6 : i32
        %add3A_910 = vector.broadcast %add3A_909 : i32 to vector<16xi32>
        %add3A_911 = arith.addi %iota3A, %add3A_910 : vector<16xi32>
        %min3A_912 = arith.constant 15 : i32
        %min3A_913 = vector.broadcast %min3A_912 : i32 to vector<16xi32>
        %min3A_914 = arith.minsi %add3A_911, %min3A_913 : vector<16xi32>
        %gather3A_915 = tpu.vector_load_idx %arg15[%min3A_914] : memref<16xi32, #tpu.memory_space<vmem>>[vector<16xi32>], vector<16xi32>,
        %eq3A_916 = arith.cmpi eq, %get3A_66, %gather3A_915 : vector<16xi32>
        %ge3A_917 = arith.constant 1 : i32
        %ge3A_918 = vector.broadcast %ge3A_917 : i32 to vector<16xi32>
        %ge3A_919 = arith.cmpi sge, %iota3A, %ge3A_918 : vector<16xi32>
        %and3A_920 = arith.andi %eq3A_916, %ge3A_919 : vector<16xi1>
        %add3A_921 = arith.constant 6 : i32
        %add3A_922 = vector.broadcast %add3A_921 : i32 to vector<16xi32>
        %add3A_923 = arith.addi %iota3A, %add3A_922 : vector<16xi32>
        %le3A_924 = arith.constant 10 : i32
        %le3A_925 = vector.broadcast %le3A_924 : i32 to vector<16xi32>
        %le3A_926 = arith.cmpi sle, %add3A_923, %le3A_925 : vector<16xi32>
        %and3A_927 = arith.andi %and3A_920, %le3A_926 : vector<16xi1>
        %or3A_928 = arith.ori %or3A_908, %and3A_927 : vector<16xi1>
        %add3A_929 = arith.constant 7 : i32
        %add3A_930 = vector.broadcast %add3A_929 : i32 to vector<16xi32>
        %add3A_931 = arith.addi %iota3A, %add3A_930 : vector<16xi32>
        %min3A_932 = arith.constant 15 : i32
        %min3A_933 = vector.broadcast %min3A_932 : i32 to vector<16xi32>
        %min3A_934 = arith.minsi %add3A_931, %min3A_933 : vector<16xi32>
        %gather3A_935 = tpu.vector_load_idx %arg15[%min3A_934] : memref<16xi32, #tpu.memory_space<vmem>>[vector<16xi32>], vector<16xi32>,
        %eq3A_936 = arith.cmpi eq, %get3A_66, %gather3A_935 : vector<16xi32>
        %ge3A_937 = arith.constant 1 : i32
        %ge3A_938 = vector.broadcast %ge3A_937 : i32 to vector<16xi32>
        %ge3A_939 = arith.cmpi sge, %iota3A, %ge3A_938 : vector<16xi32>
        %and3A_940 = arith.andi %eq3A_936, %ge3A_939 : vector<16xi1>
        %add3A_941 = arith.constant 7 : i32
        %add3A_942 = vector.broadcast %add3A_941 : i32 to vector<16xi32>
        %add3A_943 = arith.addi %iota3A, %add3A_942 : vector<16xi32>
        %le3A_944 = arith.constant 10 : i32
        %le3A_945 = vector.broadcast %le3A_944 : i32 to vector<16xi32>
        %le3A_946 = arith.cmpi sle, %add3A_943, %le3A_945 : vector<16xi32>
        %and3A_947 = arith.andi %and3A_940, %le3A_946 : vector<16xi1>
        %or3A_948 = arith.ori %or3A_928, %and3A_947 : vector<16xi1>
        %add3A_949 = arith.constant 8 : i32
        %add3A_950 = vector.broadcast %add3A_949 : i32 to vector<16xi32>
        %add3A_951 = arith.addi %iota3A, %add3A_950 : vector<16xi32>
        %min3A_952 = arith.constant 15 : i32
        %min3A_953 = vector.broadcast %min3A_952 : i32 to vector<16xi32>
        %min3A_954 = arith.minsi %add3A_951, %min3A_953 : vector<16xi32>
        %gather3A_955 = tpu.vector_load_idx %arg15[%min3A_954] : memref<16xi32, #tpu.memory_space<vmem>>[vector<16xi32>], vector<16xi32>,
        %eq3A_956 = arith.cmpi eq, %get3A_66, %gather3A_955 : vector<16xi32>
        %ge3A_957 = arith.constant 1 : i32
        %ge3A_958 = vector.broadcast %ge3A_957 : i32 to vector<16xi32>
        %ge3A_959 = arith.cmpi sge, %iota3A, %ge3A_958 : vector<16xi32>
        %and3A_960 = arith.andi %eq3A_956, %ge3A_959 : vector<16xi1>
        %add3A_961 = arith.constant 8 : i32
        %add3A_962 = vector.broadcast %add3A_961 : i32 to vector<16xi32>
        %add3A_963 = arith.addi %iota3A, %add3A_962 : vector<16xi32>
        %le3A_964 = arith.constant 10 : i32
        %le3A_965 = vector.broadcast %le3A_964 : i32 to vector<16xi32>
        %le3A_966 = arith.cmpi sle, %add3A_963, %le3A_965 : vector<16xi32>
        %and3A_967 = arith.andi %and3A_960, %le3A_966 : vector<16xi1>
        %or3A_968 = arith.ori %or3A_948, %and3A_967 : vector<16xi1>
        %add3A_969 = arith.constant 9 : i32
        %add3A_970 = vector.broadcast %add3A_969 : i32 to vector<16xi32>
        %add3A_971 = arith.addi %iota3A, %add3A_970 : vector<16xi32>
        %min3A_972 = arith.constant 15 : i32
        %min3A_973 = vector.broadcast %min3A_972 : i32 to vector<16xi32>
        %min3A_974 = arith.minsi %add3A_971, %min3A_973 : vector<16xi32>
        %gather3A_975 = tpu.vector_load_idx %arg15[%min3A_974] : memref<16xi32, #tpu.memory_space<vmem>>[vector<16xi32>], vector<16xi32>,
        %eq3A_976 = arith.cmpi eq, %get3A_66, %gather3A_975 : vector<16xi32>
        %ge3A_977 = arith.constant 1 : i32
        %ge3A_978 = vector.broadcast %ge3A_977 : i32 to vector<16xi32>
        %ge3A_979 = arith.cmpi sge, %iota3A, %ge3A_978 : vector<16xi32>
        %and3A_980 = arith.andi %eq3A_976, %ge3A_979 : vector<16xi1>
        %add3A_981 = arith.constant 9 : i32
        %add3A_982 = vector.broadcast %add3A_981 : i32 to vector<16xi32>
        %add3A_983 = arith.addi %iota3A, %add3A_982 : vector<16xi32>
        %le3A_984 = arith.constant 10 : i32
        %le3A_985 = vector.broadcast %le3A_984 : i32 to vector<16xi32>
        %le3A_986 = arith.cmpi sle, %add3A_983, %le3A_985 : vector<16xi32>
        %and3A_987 = arith.andi %and3A_980, %le3A_986 : vector<16xi1>
        %or3A_988 = arith.ori %or3A_968, %and3A_987 : vector<16xi1>
        %not3A = arith.constant dense<true> : vector<16xi1>
        %not3A_989 = arith.xori %or3A_988, %not3A : vector<16xi1>
        %and3A_990 = arith.andi %and3A, %not3A_989 : vector<16xi1>
        %jit3A_991 = arith.constant 0.000000e+00 : f32
        %broadcast_in_dim3A_992 = vector.broadcast %jit3A_991 : f32 to vector<16xf32>
        %select_n3A_993 = arith.select %and3A_990, %select_n3A_807, %broadcast_in_dim3A_992 : vector<16xi1>, vector<16xf32>
        %broadcast_in_dim3A_994 = vector.broadcast %scan3A_59 : i32 to vector<16xi32>
        tpu.vector_store_idx %arg13[%broadcast_in_dim3A_994, %get3A_66], %select_n3A_807 masked %and3A : memref<8x4096xf32, #tpu.memory_space<vmem>>[vector<16xi32>, vector<16xi32>], vector<16xf32>, vector<16xi1>
        %bitcast3A_995 = vector.bitcast %select_n3A_993 : vector<16xf32> to vector<16xi32>
        %swap3A_996 = arith.constant 0 : index
        %swap3A_997 = tpu.vector_load %arg15[%swap3A_996] {strides = array<i32>} : memref<16xi32, #tpu.memory_space<vmem>>, vector<16xi32>,
        tpu.vector_store %arg15[%swap3A_996], %bitcast3A_995 {strides = array<i32>} : memref<16xi32, #tpu.memory_space<vmem>>, vector<16xi32>,
        %broadcast_in_dim3A_998 = arith.constant 1 : i32
        %broadcast_in_dim3A_999 = vector.broadcast %broadcast_in_dim3A_998 : i32 to vector<16xi32>
        %gather3A_1000 = tpu.vector_load_idx %arg15[%broadcast_in_dim3A_999] : memref<16xi32, #tpu.memory_space<vmem>>[vector<16xi32>], vector<16xi32>,
        %bitcast3A_1001 = vector.bitcast %gather3A_1000 : vector<16xi32> to vector<16xf32>
        %mul3A_1002 = arith.constant 16 : i32
        %mul3A_1003 = arith.muli %scan3A_59, %mul3A_1002 : i32
        %add3A_1004 = arith.constant 1 : i32
        %add3A_1005 = arith.addi %mul3A_1003, %add3A_1004 : i32
        %get3A_1006 = arith.index_cast %add3A_1005 : i32 to index
        %get3A_1007 = arith.constant 64 : index
        %get3A_1008 = tpu.vector_load %arg12[%get3A_1006, %get3A_1007] {strides = array<i32>} : memref<128x128xf32, #tpu.memory_space<vmem>>, vector<16xf32>,
        %mul3A_1009 = arith.mulf %bitcast3A_1001, %get3A_1008 : vector<16xf32>
        %add3A_1010 = arith.addf %broadcast_in_dim3A_12, %mul3A_1009 : vector<16xf32>
        %mul3A_1011 = arith.constant 16 : i32
        %mul3A_1012 = arith.muli %scan3A_59, %mul3A_1011 : i32
        %add3A_1013 = arith.constant 1 : i32
        %add3A_1014 = arith.addi %mul3A_1012, %add3A_1013 : i32
        %get3A_1015 = arith.index_cast %add3A_1014 : i32 to index
        %get3A_1016 = arith.constant 80 : index
        %get3A_1017 = tpu.vector_load %arg12[%get3A_1015, %get3A_1016] {strides = array<i32>} : memref<128x128xf32, #tpu.memory_space<vmem>>, vector<16xf32>,
        %mul3A_1018 = arith.mulf %bitcast3A_1001, %get3A_1017 : vector<16xf32>
        %add3A_1019 = arith.addf %broadcast_in_dim3A_12, %mul3A_1018 : vector<16xf32>
        %mul3A_1020 = arith.constant 16 : i32
        %mul3A_1021 = arith.muli %scan3A_59, %mul3A_1020 : i32
        %add3A_1022 = arith.constant 1 : i32
        %add3A_1023 = arith.addi %mul3A_1021, %add3A_1022 : i32
        %get3A_1024 = arith.index_cast %add3A_1023 : i32 to index
        %get3A_1025 = arith.constant 96 : index
        %get3A_1026 = tpu.vector_load %arg12[%get3A_1024, %get3A_1025] {strides = array<i32>} : memref<128x128xf32, #tpu.memory_space<vmem>>, vector<16xf32>,
        %mul3A_1027 = arith.mulf %bitcast3A_1001, %get3A_1026 : vector<16xf32>
        %add3A_1028 = arith.addf %broadcast_in_dim3A_12, %mul3A_1027 : vector<16xf32>
        %mul3A_1029 = arith.constant 16 : i32
        %mul3A_1030 = arith.muli %scan3A_59, %mul3A_1029 : i32
        %add3A_1031 = arith.constant 1 : i32
        %add3A_1032 = arith.addi %mul3A_1030, %add3A_1031 : i32
        %get3A_1033 = arith.index_cast %add3A_1032 : i32 to index
        %get3A_1034 = arith.constant 112 : index
        %get3A_1035 = tpu.vector_load %arg12[%get3A_1033, %get3A_1034] {strides = array<i32>} : memref<128x128xf32, #tpu.memory_space<vmem>>, vector<16xf32>,
        %mul3A_1036 = arith.mulf %bitcast3A_1001, %get3A_1035 : vector<16xf32>
        %add3A_1037 = arith.addf %broadcast_in_dim3A_12, %mul3A_1036 : vector<16xf32>
        %broadcast_in_dim3A_1038 = arith.constant 2 : i32
        %broadcast_in_dim3A_1039 = vector.broadcast %broadcast_in_dim3A_1038 : i32 to vector<16xi32>
        %gather3A_1040 = tpu.vector_load_idx %arg15[%broadcast_in_dim3A_1039] : memref<16xi32, #tpu.memory_space<vmem>>[vector<16xi32>], vector<16xi32>,
        %bitcast3A_1041 = vector.bitcast %gather3A_1040 : vector<16xi32> to vector<16xf32>
        %mul3A_1042 = arith.constant 16 : i32
        %mul3A_1043 = arith.muli %scan3A_59, %mul3A_1042 : i32
        %add3A_1044 = arith.constant 2 : i32
        %add3A_1045 = arith.addi %mul3A_1043, %add3A_1044 : i32
        %get3A_1046 = arith.index_cast %add3A_1045 : i32 to index
        %get3A_1047 = arith.constant 64 : index
        %get3A_1048 = tpu.vector_load %arg12[%get3A_1046, %get3A_1047] {strides = array<i32>} : memref<128x128xf32, #tpu.memory_space<vmem>>, vector<16xf32>,
        %mul3A_1049 = arith.mulf %bitcast3A_1041, %get3A_1048 : vector<16xf32>
        %add3A_1050 = arith.addf %add3A_1010, %mul3A_1049 : vector<16xf32>
        %mul3A_1051 = arith.constant 16 : i32
        %mul3A_1052 = arith.muli %scan3A_59, %mul3A_1051 : i32
        %add3A_1053 = arith.constant 2 : i32
        %add3A_1054 = arith.addi %mul3A_1052, %add3A_1053 : i32
        %get3A_1055 = arith.index_cast %add3A_1054 : i32 to index
        %get3A_1056 = arith.constant 80 : index
        %get3A_1057 = tpu.vector_load %arg12[%get3A_1055, %get3A_1056] {strides = array<i32>} : memref<128x128xf32, #tpu.memory_space<vmem>>, vector<16xf32>,
        %mul3A_1058 = arith.mulf %bitcast3A_1041, %get3A_1057 : vector<16xf32>
        %add3A_1059 = arith.addf %add3A_1019, %mul3A_1058 : vector<16xf32>
        %mul3A_1060 = arith.constant 16 : i32
        %mul3A_1061 = arith.muli %scan3A_59, %mul3A_1060 : i32
        %add3A_1062 = arith.constant 2 : i32
        %add3A_1063 = arith.addi %mul3A_1061, %add3A_1062 : i32
        %get3A_1064 = arith.index_cast %add3A_1063 : i32 to index
        %get3A_1065 = arith.constant 96 : index
        %get3A_1066 = tpu.vector_load %arg12[%get3A_1064, %get3A_1065] {strides = array<i32>} : memref<128x128xf32, #tpu.memory_space<vmem>>, vector<16xf32>,
        %mul3A_1067 = arith.mulf %bitcast3A_1041, %get3A_1066 : vector<16xf32>
        %add3A_1068 = arith.addf %add3A_1028, %mul3A_1067 : vector<16xf32>
        %mul3A_1069 = arith.constant 16 : i32
        %mul3A_1070 = arith.muli %scan3A_59, %mul3A_1069 : i32
        %add3A_1071 = arith.constant 2 : i32
        %add3A_1072 = arith.addi %mul3A_1070, %add3A_1071 : i32
        %get3A_1073 = arith.index_cast %add3A_1072 : i32 to index
        %get3A_1074 = arith.constant 112 : index
        %get3A_1075 = tpu.vector_load %arg12[%get3A_1073, %get3A_1074] {strides = array<i32>} : memref<128x128xf32, #tpu.memory_space<vmem>>, vector<16xf32>,
        %mul3A_1076 = arith.mulf %bitcast3A_1041, %get3A_1075 : vector<16xf32>
        %add3A_1077 = arith.addf %add3A_1037, %mul3A_1076 : vector<16xf32>
        %broadcast_in_dim3A_1078 = arith.constant 3 : i32
        %broadcast_in_dim3A_1079 = vector.broadcast %broadcast_in_dim3A_1078 : i32 to vector<16xi32>
        %gather3A_1080 = tpu.vector_load_idx %arg15[%broadcast_in_dim3A_1079] : memref<16xi32, #tpu.memory_space<vmem>>[vector<16xi32>], vector<16xi32>,
        %bitcast3A_1081 = vector.bitcast %gather3A_1080 : vector<16xi32> to vector<16xf32>
        %mul3A_1082 = arith.constant 16 : i32
        %mul3A_1083 = arith.muli %scan3A_59, %mul3A_1082 : i32
        %add3A_1084 = arith.constant 3 : i32
        %add3A_1085 = arith.addi %mul3A_1083, %add3A_1084 : i32
        %get3A_1086 = arith.index_cast %add3A_1085 : i32 to index
        %get3A_1087 = arith.constant 64 : index
        %get3A_1088 = tpu.vector_load %arg12[%get3A_1086, %get3A_1087] {strides = array<i32>} : memref<128x128xf32, #tpu.memory_space<vmem>>, vector<16xf32>,
        %mul3A_1089 = arith.mulf %bitcast3A_1081, %get3A_1088 : vector<16xf32>
        %add3A_1090 = arith.addf %add3A_1050, %mul3A_1089 : vector<16xf32>
        %mul3A_1091 = arith.constant 16 : i32
        %mul3A_1092 = arith.muli %scan3A_59, %mul3A_1091 : i32
        %add3A_1093 = arith.constant 3 : i32
        %add3A_1094 = arith.addi %mul3A_1092, %add3A_1093 : i32
        %get3A_1095 = arith.index_cast %add3A_1094 : i32 to index
        %get3A_1096 = arith.constant 80 : index
        %get3A_1097 = tpu.vector_load %arg12[%get3A_1095, %get3A_1096] {strides = array<i32>} : memref<128x128xf32, #tpu.memory_space<vmem>>, vector<16xf32>,
        %mul3A_1098 = arith.mulf %bitcast3A_1081, %get3A_1097 : vector<16xf32>
        %add3A_1099 = arith.addf %add3A_1059, %mul3A_1098 : vector<16xf32>
        %mul3A_1100 = arith.constant 16 : i32
        %mul3A_1101 = arith.muli %scan3A_59, %mul3A_1100 : i32
        %add3A_1102 = arith.constant 3 : i32
        %add3A_1103 = arith.addi %mul3A_1101, %add3A_1102 : i32
        %get3A_1104 = arith.index_cast %add3A_1103 : i32 to index
        %get3A_1105 = arith.constant 96 : index
        %get3A_1106 = tpu.vector_load %arg12[%get3A_1104, %get3A_1105] {strides = array<i32>} : memref<128x128xf32, #tpu.memory_space<vmem>>, vector<16xf32>,
        %mul3A_1107 = arith.mulf %bitcast3A_1081, %get3A_1106 : vector<16xf32>
        %add3A_1108 = arith.addf %add3A_1068, %mul3A_1107 : vector<16xf32>
        %mul3A_1109 = arith.constant 16 : i32
        %mul3A_1110 = arith.muli %scan3A_59, %mul3A_1109 : i32
        %add3A_1111 = arith.constant 3 : i32
        %add3A_1112 = arith.addi %mul3A_1110, %add3A_1111 : i32
        %get3A_1113 = arith.index_cast %add3A_1112 : i32 to index
        %get3A_1114 = arith.constant 112 : index
        %get3A_1115 = tpu.vector_load %arg12[%get3A_1113, %get3A_1114] {strides = array<i32>} : memref<128x128xf32, #tpu.memory_space<vmem>>, vector<16xf32>,
        %mul3A_1116 = arith.mulf %bitcast3A_1081, %get3A_1115 : vector<16xf32>
        %add3A_1117 = arith.addf %add3A_1077, %mul3A_1116 : vector<16xf32>
        %broadcast_in_dim3A_1118 = arith.constant 4 : i32
        %broadcast_in_dim3A_1119 = vector.broadcast %broadcast_in_dim3A_1118 : i32 to vector<16xi32>
        %gather3A_1120 = tpu.vector_load_idx %arg15[%broadcast_in_dim3A_1119] : memref<16xi32, #tpu.memory_space<vmem>>[vector<16xi32>], vector<16xi32>,
        %bitcast3A_1121 = vector.bitcast %gather3A_1120 : vector<16xi32> to vector<16xf32>
        %mul3A_1122 = arith.constant 16 : i32
        %mul3A_1123 = arith.muli %scan3A_59, %mul3A_1122 : i32
        %add3A_1124 = arith.constant 4 : i32
        %add3A_1125 = arith.addi %mul3A_1123, %add3A_1124 : i32
        %get3A_1126 = arith.index_cast %add3A_1125 : i32 to index
        %get3A_1127 = arith.constant 64 : index
        %get3A_1128 = tpu.vector_load %arg12[%get3A_1126, %get3A_1127] {strides = array<i32>} : memref<128x128xf32, #tpu.memory_space<vmem>>, vector<16xf32>,
        %mul3A_1129 = arith.mulf %bitcast3A_1121, %get3A_1128 : vector<16xf32>
        %add3A_1130 = arith.addf %add3A_1090, %mul3A_1129 : vector<16xf32>
        %mul3A_1131 = arith.constant 16 : i32
        %mul3A_1132 = arith.muli %scan3A_59, %mul3A_1131 : i32
        %add3A_1133 = arith.constant 4 : i32
        %add3A_1134 = arith.addi %mul3A_1132, %add3A_1133 : i32
        %get3A_1135 = arith.index_cast %add3A_1134 : i32 to index
        %get3A_1136 = arith.constant 80 : index
        %get3A_1137 = tpu.vector_load %arg12[%get3A_1135, %get3A_1136] {strides = array<i32>} : memref<128x128xf32, #tpu.memory_space<vmem>>, vector<16xf32>,
        %mul3A_1138 = arith.mulf %bitcast3A_1121, %get3A_1137 : vector<16xf32>
        %add3A_1139 = arith.addf %add3A_1099, %mul3A_1138 : vector<16xf32>
        %mul3A_1140 = arith.constant 16 : i32
        %mul3A_1141 = arith.muli %scan3A_59, %mul3A_1140 : i32
        %add3A_1142 = arith.constant 4 : i32
        %add3A_1143 = arith.addi %mul3A_1141, %add3A_1142 : i32
        %get3A_1144 = arith.index_cast %add3A_1143 : i32 to index
        %get3A_1145 = arith.constant 96 : index
        %get3A_1146 = tpu.vector_load %arg12[%get3A_1144, %get3A_1145] {strides = array<i32>} : memref<128x128xf32, #tpu.memory_space<vmem>>, vector<16xf32>,
        %mul3A_1147 = arith.mulf %bitcast3A_1121, %get3A_1146 : vector<16xf32>
        %add3A_1148 = arith.addf %add3A_1108, %mul3A_1147 : vector<16xf32>
        %mul3A_1149 = arith.constant 16 : i32
        %mul3A_1150 = arith.muli %scan3A_59, %mul3A_1149 : i32
        %add3A_1151 = arith.constant 4 : i32
        %add3A_1152 = arith.addi %mul3A_1150, %add3A_1151 : i32
        %get3A_1153 = arith.index_cast %add3A_1152 : i32 to index
        %get3A_1154 = arith.constant 112 : index
        %get3A_1155 = tpu.vector_load %arg12[%get3A_1153, %get3A_1154] {strides = array<i32>} : memref<128x128xf32, #tpu.memory_space<vmem>>, vector<16xf32>,
        %mul3A_1156 = arith.mulf %bitcast3A_1121, %get3A_1155 : vector<16xf32>
        %add3A_1157 = arith.addf %add3A_1117, %mul3A_1156 : vector<16xf32>
        %broadcast_in_dim3A_1158 = arith.constant 5 : i32
        %broadcast_in_dim3A_1159 = vector.broadcast %broadcast_in_dim3A_1158 : i32 to vector<16xi32>
        %gather3A_1160 = tpu.vector_load_idx %arg15[%broadcast_in_dim3A_1159] : memref<16xi32, #tpu.memory_space<vmem>>[vector<16xi32>], vector<16xi32>,
        %bitcast3A_1161 = vector.bitcast %gather3A_1160 : vector<16xi32> to vector<16xf32>
        %mul3A_1162 = arith.constant 16 : i32
        %mul3A_1163 = arith.muli %scan3A_59, %mul3A_1162 : i32
        %add3A_1164 = arith.constant 5 : i32
        %add3A_1165 = arith.addi %mul3A_1163, %add3A_1164 : i32
        %get3A_1166 = arith.index_cast %add3A_1165 : i32 to index
        %get3A_1167 = arith.constant 64 : index
        %get3A_1168 = tpu.vector_load %arg12[%get3A_1166, %get3A_1167] {strides = array<i32>} : memref<128x128xf32, #tpu.memory_space<vmem>>, vector<16xf32>,
        %mul3A_1169 = arith.mulf %bitcast3A_1161, %get3A_1168 : vector<16xf32>
        %add3A_1170 = arith.addf %add3A_1130, %mul3A_1169 : vector<16xf32>
        %mul3A_1171 = arith.constant 16 : i32
        %mul3A_1172 = arith.muli %scan3A_59, %mul3A_1171 : i32
        %add3A_1173 = arith.constant 5 : i32
        %add3A_1174 = arith.addi %mul3A_1172, %add3A_1173 : i32
        %get3A_1175 = arith.index_cast %add3A_1174 : i32 to index
        %get3A_1176 = arith.constant 80 : index
        %get3A_1177 = tpu.vector_load %arg12[%get3A_1175, %get3A_1176] {strides = array<i32>} : memref<128x128xf32, #tpu.memory_space<vmem>>, vector<16xf32>,
        %mul3A_1178 = arith.mulf %bitcast3A_1161, %get3A_1177 : vector<16xf32>
        %add3A_1179 = arith.addf %add3A_1139, %mul3A_1178 : vector<16xf32>
        %mul3A_1180 = arith.constant 16 : i32
        %mul3A_1181 = arith.muli %scan3A_59, %mul3A_1180 : i32
        %add3A_1182 = arith.constant 5 : i32
        %add3A_1183 = arith.addi %mul3A_1181, %add3A_1182 : i32
        %get3A_1184 = arith.index_cast %add3A_1183 : i32 to index
        %get3A_1185 = arith.constant 96 : index
        %get3A_1186 = tpu.vector_load %arg12[%get3A_1184, %get3A_1185] {strides = array<i32>} : memref<128x128xf32, #tpu.memory_space<vmem>>, vector<16xf32>,
        %mul3A_1187 = arith.mulf %bitcast3A_1161, %get3A_1186 : vector<16xf32>
        %add3A_1188 = arith.addf %add3A_1148, %mul3A_1187 : vector<16xf32>
        %mul3A_1189 = arith.constant 16 : i32
        %mul3A_1190 = arith.muli %scan3A_59, %mul3A_1189 : i32
        %add3A_1191 = arith.constant 5 : i32
        %add3A_1192 = arith.addi %mul3A_1190, %add3A_1191 : i32
        %get3A_1193 = arith.index_cast %add3A_1192 : i32 to index
        %get3A_1194 = arith.constant 112 : index
        %get3A_1195 = tpu.vector_load %arg12[%get3A_1193, %get3A_1194] {strides = array<i32>} : memref<128x128xf32, #tpu.memory_space<vmem>>, vector<16xf32>,
        %mul3A_1196 = arith.mulf %bitcast3A_1161, %get3A_1195 : vector<16xf32>
        %add3A_1197 = arith.addf %add3A_1157, %mul3A_1196 : vector<16xf32>
        %broadcast_in_dim3A_1198 = arith.constant 6 : i32
        %broadcast_in_dim3A_1199 = vector.broadcast %broadcast_in_dim3A_1198 : i32 to vector<16xi32>
        %gather3A_1200 = tpu.vector_load_idx %arg15[%broadcast_in_dim3A_1199] : memref<16xi32, #tpu.memory_space<vmem>>[vector<16xi32>], vector<16xi32>,
        %bitcast3A_1201 = vector.bitcast %gather3A_1200 : vector<16xi32> to vector<16xf32>
        %mul3A_1202 = arith.constant 16 : i32
        %mul3A_1203 = arith.muli %scan3A_59, %mul3A_1202 : i32
        %add3A_1204 = arith.constant 6 : i32
        %add3A_1205 = arith.addi %mul3A_1203, %add3A_1204 : i32
        %get3A_1206 = arith.index_cast %add3A_1205 : i32 to index
        %get3A_1207 = arith.constant 64 : index
        %get3A_1208 = tpu.vector_load %arg12[%get3A_1206, %get3A_1207] {strides = array<i32>} : memref<128x128xf32, #tpu.memory_space<vmem>>, vector<16xf32>,
        %mul3A_1209 = arith.mulf %bitcast3A_1201, %get3A_1208 : vector<16xf32>
        %add3A_1210 = arith.addf %add3A_1170, %mul3A_1209 : vector<16xf32>
        %mul3A_1211 = arith.constant 16 : i32
        %mul3A_1212 = arith.muli %scan3A_59, %mul3A_1211 : i32
        %add3A_1213 = arith.constant 6 : i32
        %add3A_1214 = arith.addi %mul3A_1212, %add3A_1213 : i32
        %get3A_1215 = arith.index_cast %add3A_1214 : i32 to index
        %get3A_1216 = arith.constant 80 : index
        %get3A_1217 = tpu.vector_load %arg12[%get3A_1215, %get3A_1216] {strides = array<i32>} : memref<128x128xf32, #tpu.memory_space<vmem>>, vector<16xf32>,
        %mul3A_1218 = arith.mulf %bitcast3A_1201, %get3A_1217 : vector<16xf32>
        %add3A_1219 = arith.addf %add3A_1179, %mul3A_1218 : vector<16xf32>
        %mul3A_1220 = arith.constant 16 : i32
        %mul3A_1221 = arith.muli %scan3A_59, %mul3A_1220 : i32
        %add3A_1222 = arith.constant 6 : i32
        %add3A_1223 = arith.addi %mul3A_1221, %add3A_1222 : i32
        %get3A_1224 = arith.index_cast %add3A_1223 : i32 to index
        %get3A_1225 = arith.constant 96 : index
        %get3A_1226 = tpu.vector_load %arg12[%get3A_1224, %get3A_1225] {strides = array<i32>} : memref<128x128xf32, #tpu.memory_space<vmem>>, vector<16xf32>,
        %mul3A_1227 = arith.mulf %bitcast3A_1201, %get3A_1226 : vector<16xf32>
        %add3A_1228 = arith.addf %add3A_1188, %mul3A_1227 : vector<16xf32>
        %mul3A_1229 = arith.constant 16 : i32
        %mul3A_1230 = arith.muli %scan3A_59, %mul3A_1229 : i32
        %add3A_1231 = arith.constant 6 : i32
        %add3A_1232 = arith.addi %mul3A_1230, %add3A_1231 : i32
        %get3A_1233 = arith.index_cast %add3A_1232 : i32 to index
        %get3A_1234 = arith.constant 112 : index
        %get3A_1235 = tpu.vector_load %arg12[%get3A_1233, %get3A_1234] {strides = array<i32>} : memref<128x128xf32, #tpu.memory_space<vmem>>, vector<16xf32>,
        %mul3A_1236 = arith.mulf %bitcast3A_1201, %get3A_1235 : vector<16xf32>
        %add3A_1237 = arith.addf %add3A_1197, %mul3A_1236 : vector<16xf32>
        %broadcast_in_dim3A_1238 = arith.constant 7 : i32
        %broadcast_in_dim3A_1239 = vector.broadcast %broadcast_in_dim3A_1238 : i32 to vector<16xi32>
        %gather3A_1240 = tpu.vector_load_idx %arg15[%broadcast_in_dim3A_1239] : memref<16xi32, #tpu.memory_space<vmem>>[vector<16xi32>], vector<16xi32>,
        %bitcast3A_1241 = vector.bitcast %gather3A_1240 : vector<16xi32> to vector<16xf32>
        %mul3A_1242 = arith.constant 16 : i32
        %mul3A_1243 = arith.muli %scan3A_59, %mul3A_1242 : i32
        %add3A_1244 = arith.constant 7 : i32
        %add3A_1245 = arith.addi %mul3A_1243, %add3A_1244 : i32
        %get3A_1246 = arith.index_cast %add3A_1245 : i32 to index
        %get3A_1247 = arith.constant 64 : index
        %get3A_1248 = tpu.vector_load %arg12[%get3A_1246, %get3A_1247] {strides = array<i32>} : memref<128x128xf32, #tpu.memory_space<vmem>>, vector<16xf32>,
        %mul3A_1249 = arith.mulf %bitcast3A_1241, %get3A_1248 : vector<16xf32>
        %add3A_1250 = arith.addf %add3A_1210, %mul3A_1249 : vector<16xf32>
        %mul3A_1251 = arith.constant 16 : i32
        %mul3A_1252 = arith.muli %scan3A_59, %mul3A_1251 : i32
        %add3A_1253 = arith.constant 7 : i32
        %add3A_1254 = arith.addi %mul3A_1252, %add3A_1253 : i32
        %get3A_1255 = arith.index_cast %add3A_1254 : i32 to index
        %get3A_1256 = arith.constant 80 : index
        %get3A_1257 = tpu.vector_load %arg12[%get3A_1255, %get3A_1256] {strides = array<i32>} : memref<128x128xf32, #tpu.memory_space<vmem>>, vector<16xf32>,
        %mul3A_1258 = arith.mulf %bitcast3A_1241, %get3A_1257 : vector<16xf32>
        %add3A_1259 = arith.addf %add3A_1219, %mul3A_1258 : vector<16xf32>
        %mul3A_1260 = arith.constant 16 : i32
        %mul3A_1261 = arith.muli %scan3A_59, %mul3A_1260 : i32
        %add3A_1262 = arith.constant 7 : i32
        %add3A_1263 = arith.addi %mul3A_1261, %add3A_1262 : i32
        %get3A_1264 = arith.index_cast %add3A_1263 : i32 to index
        %get3A_1265 = arith.constant 96 : index
        %get3A_1266 = tpu.vector_load %arg12[%get3A_1264, %get3A_1265] {strides = array<i32>} : memref<128x128xf32, #tpu.memory_space<vmem>>, vector<16xf32>,
        %mul3A_1267 = arith.mulf %bitcast3A_1241, %get3A_1266 : vector<16xf32>
        %add3A_1268 = arith.addf %add3A_1228, %mul3A_1267 : vector<16xf32>
        %mul3A_1269 = arith.constant 16 : i32
        %mul3A_1270 = arith.muli %scan3A_59, %mul3A_1269 : i32
        %add3A_1271 = arith.constant 7 : i32
        %add3A_1272 = arith.addi %mul3A_1270, %add3A_1271 : i32
        %get3A_1273 = arith.index_cast %add3A_1272 : i32 to index
        %get3A_1274 = arith.constant 112 : index
        %get3A_1275 = tpu.vector_load %arg12[%get3A_1273, %get3A_1274] {strides = array<i32>} : memref<128x128xf32, #tpu.memory_space<vmem>>, vector<16xf32>,
        %mul3A_1276 = arith.mulf %bitcast3A_1241, %get3A_1275 : vector<16xf32>
        %add3A_1277 = arith.addf %add3A_1237, %mul3A_1276 : vector<16xf32>
        %broadcast_in_dim3A_1278 = arith.constant 8 : i32
        %broadcast_in_dim3A_1279 = vector.broadcast %broadcast_in_dim3A_1278 : i32 to vector<16xi32>
        %gather3A_1280 = tpu.vector_load_idx %arg15[%broadcast_in_dim3A_1279] : memref<16xi32, #tpu.memory_space<vmem>>[vector<16xi32>], vector<16xi32>,
        %bitcast3A_1281 = vector.bitcast %gather3A_1280 : vector<16xi32> to vector<16xf32>
        %mul3A_1282 = arith.constant 16 : i32
        %mul3A_1283 = arith.muli %scan3A_59, %mul3A_1282 : i32
        %add3A_1284 = arith.constant 8 : i32
        %add3A_1285 = arith.addi %mul3A_1283, %add3A_1284 : i32
        %get3A_1286 = arith.index_cast %add3A_1285 : i32 to index
        %get3A_1287 = arith.constant 64 : index
        %get3A_1288 = tpu.vector_load %arg12[%get3A_1286, %get3A_1287] {strides = array<i32>} : memref<128x128xf32, #tpu.memory_space<vmem>>, vector<16xf32>,
        %mul3A_1289 = arith.mulf %bitcast3A_1281, %get3A_1288 : vector<16xf32>
        %add3A_1290 = arith.addf %add3A_1250, %mul3A_1289 : vector<16xf32>
        %mul3A_1291 = arith.constant 16 : i32
        %mul3A_1292 = arith.muli %scan3A_59, %mul3A_1291 : i32
        %add3A_1293 = arith.constant 8 : i32
        %add3A_1294 = arith.addi %mul3A_1292, %add3A_1293 : i32
        %get3A_1295 = arith.index_cast %add3A_1294 : i32 to index
        %get3A_1296 = arith.constant 80 : index
        %get3A_1297 = tpu.vector_load %arg12[%get3A_1295, %get3A_1296] {strides = array<i32>} : memref<128x128xf32, #tpu.memory_space<vmem>>, vector<16xf32>,
        %mul3A_1298 = arith.mulf %bitcast3A_1281, %get3A_1297 : vector<16xf32>
        %add3A_1299 = arith.addf %add3A_1259, %mul3A_1298 : vector<16xf32>
        %mul3A_1300 = arith.constant 16 : i32
        %mul3A_1301 = arith.muli %scan3A_59, %mul3A_1300 : i32
        %add3A_1302 = arith.constant 8 : i32
        %add3A_1303 = arith.addi %mul3A_1301, %add3A_1302 : i32
        %get3A_1304 = arith.index_cast %add3A_1303 : i32 to index
        %get3A_1305 = arith.constant 96 : index
        %get3A_1306 = tpu.vector_load %arg12[%get3A_1304, %get3A_1305] {strides = array<i32>} : memref<128x128xf32, #tpu.memory_space<vmem>>, vector<16xf32>,
        %mul3A_1307 = arith.mulf %bitcast3A_1281, %get3A_1306 : vector<16xf32>
        %add3A_1308 = arith.addf %add3A_1268, %mul3A_1307 : vector<16xf32>
        %mul3A_1309 = arith.constant 16 : i32
        %mul3A_1310 = arith.muli %scan3A_59, %mul3A_1309 : i32
        %add3A_1311 = arith.constant 8 : i32
        %add3A_1312 = arith.addi %mul3A_1310, %add3A_1311 : i32
        %get3A_1313 = arith.index_cast %add3A_1312 : i32 to index
        %get3A_1314 = arith.constant 112 : index
        %get3A_1315 = tpu.vector_load %arg12[%get3A_1313, %get3A_1314] {strides = array<i32>} : memref<128x128xf32, #tpu.memory_space<vmem>>, vector<16xf32>,
        %mul3A_1316 = arith.mulf %bitcast3A_1281, %get3A_1315 : vector<16xf32>
        %add3A_1317 = arith.addf %add3A_1277, %mul3A_1316 : vector<16xf32>
        %broadcast_in_dim3A_1318 = arith.constant 9 : i32
        %broadcast_in_dim3A_1319 = vector.broadcast %broadcast_in_dim3A_1318 : i32 to vector<16xi32>
        %gather3A_1320 = tpu.vector_load_idx %arg15[%broadcast_in_dim3A_1319] : memref<16xi32, #tpu.memory_space<vmem>>[vector<16xi32>], vector<16xi32>,
        %bitcast3A_1321 = vector.bitcast %gather3A_1320 : vector<16xi32> to vector<16xf32>
        %mul3A_1322 = arith.constant 16 : i32
        %mul3A_1323 = arith.muli %scan3A_59, %mul3A_1322 : i32
        %add3A_1324 = arith.constant 9 : i32
        %add3A_1325 = arith.addi %mul3A_1323, %add3A_1324 : i32
        %get3A_1326 = arith.index_cast %add3A_1325 : i32 to index
        %get3A_1327 = arith.constant 64 : index
        %get3A_1328 = tpu.vector_load %arg12[%get3A_1326, %get3A_1327] {strides = array<i32>} : memref<128x128xf32, #tpu.memory_space<vmem>>, vector<16xf32>,
        %mul3A_1329 = arith.mulf %bitcast3A_1321, %get3A_1328 : vector<16xf32>
        %add3A_1330 = arith.addf %add3A_1290, %mul3A_1329 : vector<16xf32>
        %mul3A_1331 = arith.constant 16 : i32
        %mul3A_1332 = arith.muli %scan3A_59, %mul3A_1331 : i32
        %add3A_1333 = arith.constant 9 : i32
        %add3A_1334 = arith.addi %mul3A_1332, %add3A_1333 : i32
        %get3A_1335 = arith.index_cast %add3A_1334 : i32 to index
        %get3A_1336 = arith.constant 80 : index
        %get3A_1337 = tpu.vector_load %arg12[%get3A_1335, %get3A_1336] {strides = array<i32>} : memref<128x128xf32, #tpu.memory_space<vmem>>, vector<16xf32>,
        %mul3A_1338 = arith.mulf %bitcast3A_1321, %get3A_1337 : vector<16xf32>
        %add3A_1339 = arith.addf %add3A_1299, %mul3A_1338 : vector<16xf32>
        %mul3A_1340 = arith.constant 16 : i32
        %mul3A_1341 = arith.muli %scan3A_59, %mul3A_1340 : i32
        %add3A_1342 = arith.constant 9 : i32
        %add3A_1343 = arith.addi %mul3A_1341, %add3A_1342 : i32
        %get3A_1344 = arith.index_cast %add3A_1343 : i32 to index
        %get3A_1345 = arith.constant 96 : index
        %get3A_1346 = tpu.vector_load %arg12[%get3A_1344, %get3A_1345] {strides = array<i32>} : memref<128x128xf32, #tpu.memory_space<vmem>>, vector<16xf32>,
        %mul3A_1347 = arith.mulf %bitcast3A_1321, %get3A_1346 : vector<16xf32>
        %add3A_1348 = arith.addf %add3A_1308, %mul3A_1347 : vector<16xf32>
        %mul3A_1349 = arith.constant 16 : i32
        %mul3A_1350 = arith.muli %scan3A_59, %mul3A_1349 : i32
        %add3A_1351 = arith.constant 9 : i32
        %add3A_1352 = arith.addi %mul3A_1350, %add3A_1351 : i32
        %get3A_1353 = arith.index_cast %add3A_1352 : i32 to index
        %get3A_1354 = arith.constant 112 : index
        %get3A_1355 = tpu.vector_load %arg12[%get3A_1353, %get3A_1354] {strides = array<i32>} : memref<128x128xf32, #tpu.memory_space<vmem>>, vector<16xf32>,
        %mul3A_1356 = arith.mulf %bitcast3A_1321, %get3A_1355 : vector<16xf32>
        %add3A_1357 = arith.addf %add3A_1317, %mul3A_1356 : vector<16xf32>
        %broadcast_in_dim3A_1358 = arith.constant 10 : i32
        %broadcast_in_dim3A_1359 = vector.broadcast %broadcast_in_dim3A_1358 : i32 to vector<16xi32>
        %gather3A_1360 = tpu.vector_load_idx %arg15[%broadcast_in_dim3A_1359] : memref<16xi32, #tpu.memory_space<vmem>>[vector<16xi32>], vector<16xi32>,
        %bitcast3A_1361 = vector.bitcast %gather3A_1360 : vector<16xi32> to vector<16xf32>
        %mul3A_1362 = arith.constant 16 : i32
        %mul3A_1363 = arith.muli %scan3A_59, %mul3A_1362 : i32
        %add3A_1364 = arith.constant 10 : i32
        %add3A_1365 = arith.addi %mul3A_1363, %add3A_1364 : i32
        %get3A_1366 = arith.index_cast %add3A_1365 : i32 to index
        %get3A_1367 = arith.constant 64 : index
        %get3A_1368 = tpu.vector_load %arg12[%get3A_1366, %get3A_1367] {strides = array<i32>} : memref<128x128xf32, #tpu.memory_space<vmem>>, vector<16xf32>,
        %mul3A_1369 = arith.mulf %bitcast3A_1361, %get3A_1368 : vector<16xf32>
        %add3A_1370 = arith.addf %add3A_1330, %mul3A_1369 : vector<16xf32>
        %mul3A_1371 = arith.constant 16 : i32
        %mul3A_1372 = arith.muli %scan3A_59, %mul3A_1371 : i32
        %add3A_1373 = arith.constant 10 : i32
        %add3A_1374 = arith.addi %mul3A_1372, %add3A_1373 : i32
        %get3A_1375 = arith.index_cast %add3A_1374 : i32 to index
        %get3A_1376 = arith.constant 80 : index
        %get3A_1377 = tpu.vector_load %arg12[%get3A_1375, %get3A_1376] {strides = array<i32>} : memref<128x128xf32, #tpu.memory_space<vmem>>, vector<16xf32>,
        %mul3A_1378 = arith.mulf %bitcast3A_1361, %get3A_1377 : vector<16xf32>
        %add3A_1379 = arith.addf %add3A_1339, %mul3A_1378 : vector<16xf32>
        %mul3A_1380 = arith.constant 16 : i32
        %mul3A_1381 = arith.muli %scan3A_59, %mul3A_1380 : i32
        %add3A_1382 = arith.constant 10 : i32
        %add3A_1383 = arith.addi %mul3A_1381, %add3A_1382 : i32
        %get3A_1384 = arith.index_cast %add3A_1383 : i32 to index
        %get3A_1385 = arith.constant 96 : index
        %get3A_1386 = tpu.vector_load %arg12[%get3A_1384, %get3A_1385] {strides = array<i32>} : memref<128x128xf32, #tpu.memory_space<vmem>>, vector<16xf32>,
        %mul3A_1387 = arith.mulf %bitcast3A_1361, %get3A_1386 : vector<16xf32>
        %add3A_1388 = arith.addf %add3A_1348, %mul3A_1387 : vector<16xf32>
        %mul3A_1389 = arith.constant 16 : i32
        %mul3A_1390 = arith.muli %scan3A_59, %mul3A_1389 : i32
        %add3A_1391 = arith.constant 10 : i32
        %add3A_1392 = arith.addi %mul3A_1390, %add3A_1391 : i32
        %get3A_1393 = arith.index_cast %add3A_1392 : i32 to index
        %get3A_1394 = arith.constant 112 : index
        %get3A_1395 = tpu.vector_load %arg12[%get3A_1393, %get3A_1394] {strides = array<i32>} : memref<128x128xf32, #tpu.memory_space<vmem>>, vector<16xf32>,
        %mul3A_1396 = arith.mulf %bitcast3A_1361, %get3A_1395 : vector<16xf32>
        %add3A_1397 = arith.addf %add3A_1357, %mul3A_1396 : vector<16xf32>
        %swap3A_1398 = arith.index_cast %add3A_63 : i32 to index
        %swap3A_1399 = arith.constant 0 : index
        %swap3A_1400 = tpu.vector_load %arg14[%swap3A_1398, %swap3A_1399] {strides = array<i32>} : memref<128x64xf32, #tpu.memory_space<vmem>>, vector<16xf32>,
        tpu.vector_store %arg14[%swap3A_1398, %swap3A_1399], %add3A_1370 {strides = array<i32>} : memref<128x64xf32, #tpu.memory_space<vmem>>, vector<16xf32>,
        %swap3A_1401 = arith.index_cast %add3A_63 : i32 to index
        %swap3A_1402 = arith.constant 16 : index
        %swap3A_1403 = tpu.vector_load %arg14[%swap3A_1401, %swap3A_1402] {strides = array<i32>} : memref<128x64xf32, #tpu.memory_space<vmem>>, vector<16xf32>,
        tpu.vector_store %arg14[%swap3A_1401, %swap3A_1402], %add3A_1379 {strides = array<i32>} : memref<128x64xf32, #tpu.memory_space<vmem>>, vector<16xf32>,
        %swap3A_1404 = arith.index_cast %add3A_63 : i32 to index
        %swap3A_1405 = arith.constant 32 : index
        %swap3A_1406 = tpu.vector_load %arg14[%swap3A_1404, %swap3A_1405] {strides = array<i32>} : memref<128x64xf32, #tpu.memory_space<vmem>>, vector<16xf32>,
        tpu.vector_store %arg14[%swap3A_1404, %swap3A_1405], %add3A_1388 {strides = array<i32>} : memref<128x64xf32, #tpu.memory_space<vmem>>, vector<16xf32>,
        %swap3A_1407 = arith.index_cast %add3A_63 : i32 to index
        %swap3A_1408 = arith.constant 48 : index
        %swap3A_1409 = tpu.vector_load %arg14[%swap3A_1407, %swap3A_1408] {strides = array<i32>} : memref<128x64xf32, #tpu.memory_space<vmem>>, vector<16xf32>,
        tpu.vector_store %arg14[%swap3A_1407, %swap3A_1408], %add3A_1397 {strides = array<i32>} : memref<128x64xf32, #tpu.memory_space<vmem>>, vector<16xf32>,
        %scan3A_1410 = arith.constant 0 : i32
        scf.yield %scan3A_1410 : i32
      }
      %scan3A_50 = arith.constant 8 : i32
      "tpu.region"() ({
        %run_scoped3A = tpu.sem_alloc : memref<!tpu.dma_semaphore, #tpu.memory_space<semaphore_mem>>
        %dma_start3A_59 = arith.constant 0 : i32
        %dma_start3A_60 = tpu.memref_slice %arg7[%add3A_33, %dma_start3A_59] : memref<4096x4096xf32, #tpu.memory_space<hbm>> -> memref<8x4096xf32, #tpu.memory_space<hbm>>
        %dma_start3A_61 = arith.constant 0 : i32
        %dma_start3A_62 = tpu.memref_slice %arg7[%add3A_33, %dma_start3A_61] : memref<4096x4096xf32, #tpu.memory_space<hbm>> -> memref<8x4096xf32, #tpu.memory_space<hbm>>
        tpu.enqueue_dma source(%arg13 : memref<8x4096xf32, #tpu.memory_space<vmem>>) target(%dma_start3A_62 : memref<8x4096xf32, #tpu.memory_space<hbm>>) target_semaphore(%run_scoped3A : memref<!tpu.dma_semaphore, #tpu.memory_space<semaphore_mem>>)
        %dma_wait3A_63 = arith.constant 0 : i32
        %dma_wait3A_64 = tpu.memref_slice %arg7[%add3A_33, %dma_wait3A_63] : memref<4096x4096xf32, #tpu.memory_space<hbm>> -> memref<8x4096xf32, #tpu.memory_space<hbm>>
        %dma_wait3A_65 = arith.constant 0 : i32
        %dma_wait3A_66 = tpu.memref_slice %arg7[%add3A_33, %dma_wait3A_65] : memref<4096x4096xf32, #tpu.memory_space<hbm>> -> memref<8x4096xf32, #tpu.memory_space<hbm>>
        tpu.wait_dma2 semaphore(%run_scoped3A : memref<!tpu.dma_semaphore, #tpu.memory_space<semaphore_mem>>) src(%arg13 : memref<8x4096xf32, #tpu.memory_space<vmem>>) dst(%dma_wait3A_66 : memref<8x4096xf32, #tpu.memory_space<hbm>>)
        tpu.yield
      }) : () -> ()
      %scan3A_51 = arith.constant 0 : i32
      %scan3A_52 = arith.constant 0 : i32
      %scan3A_53 = arith.constant 8 : i32
      %scan3A_54 = arith.addi %scan3A_52, %scan3A_53 : i32
      %scan3A_55 = arith.constant 1 : i32
      %scan3A_56 = scf.for %scan3A_59 = %scan3A_52 to %scan3A_54 step %scan3A_55 iter_args(%scan3A_60 = %scan3A_51) -> (i32)  : i32 {
        %mul3A_61 = arith.constant 8 : i32
        %mul3A_62 = arith.muli %scan3A_29, %mul3A_61 : i32
        %add3A_63 = arith.addi %mul3A_62, %scan3A_59 : i32
        %get3A_64 = arith.index_cast %add3A_63 : i32 to index
        %get3A_65 = arith.constant 0 : index
        %get3A_66 = tpu.vector_load %arg9[%get3A_64, %get3A_65] {strides = array<i32>} : memref<128x16xi32, #tpu.memory_space<vmem>>, vector<16xi32>,
        %broadcast_in_dim3A_67 = vector.broadcast %scan3A_59 : i32 to vector<16xi32>
        tpu.vector_store_idx %arg13[%broadcast_in_dim3A_67, %get3A_66], %broadcast_in_dim3A_12 masked %and3A : memref<8x4096xf32, #tpu.memory_space<vmem>>[vector<16xi32>, vector<16xi32>], vector<16xf32>, vector<16xi1>
        %scan3A_68 = arith.constant 0 : i32
        scf.yield %scan3A_68 : i32
      }
      %scan3A_57 = arith.constant 8 : i32
      %scan3A_58 = arith.constant 0 : i32
      scf.yield %scan3A_58 : i32
    }
    %scan3A_28 = arith.constant 16 : i32
    "tpu.region"() ({
      %run_scoped3A = tpu.sem_alloc : memref<!tpu.dma_semaphore, #tpu.memory_space<semaphore_mem>>
      %dma_start3A = arith.constant 0 : i32
      %dma_start3A_29 = tpu.memref_slice %arg8[%mul3A_2, %dma_start3A] : memref<4096x64xf32, #tpu.memory_space<hbm>> -> memref<128x64xf32, #tpu.memory_space<hbm>>
      %dma_start3A_30 = arith.constant 0 : i32
      %dma_start3A_31 = tpu.memref_slice %arg8[%mul3A_2, %dma_start3A_30] : memref<4096x64xf32, #tpu.memory_space<hbm>> -> memref<128x64xf32, #tpu.memory_space<hbm>>
      tpu.enqueue_dma source(%arg14 : memref<128x64xf32, #tpu.memory_space<vmem>>) target(%dma_start3A_31 : memref<128x64xf32, #tpu.memory_space<hbm>>) target_semaphore(%run_scoped3A : memref<!tpu.dma_semaphore, #tpu.memory_space<semaphore_mem>>)
      %dma_wait3A = arith.constant 0 : i32
      %dma_wait3A_32 = tpu.memref_slice %arg8[%mul3A_2, %dma_wait3A] : memref<4096x64xf32, #tpu.memory_space<hbm>> -> memref<128x64xf32, #tpu.memory_space<hbm>>
      %dma_wait3A_33 = arith.constant 0 : i32
      %dma_wait3A_34 = tpu.memref_slice %arg8[%mul3A_2, %dma_wait3A_33] : memref<4096x64xf32, #tpu.memory_space<hbm>> -> memref<128x64xf32, #tpu.memory_space<hbm>>
      tpu.wait_dma2 semaphore(%run_scoped3A : memref<!tpu.dma_semaphore, #tpu.memory_space<semaphore_mem>>) src(%arg14 : memref<128x64xf32, #tpu.memory_space<vmem>>) dst(%dma_wait3A_34 : memref<128x64xf32, #tpu.memory_space<hbm>>)
      tpu.yield
    }) : () -> ()
    return
  }
}

module attributes {stable_mosaic.version = 14 : i64} {
  func.func @_chol_body(%arg0: memref<64x64xf32, #tpu.memory_space<vmem>>, %arg1: memref<64x64xf32, #tpu.memory_space<vmem>>) attributes {dimension_semantics = [], scalar_prefetch = 0 : i64, scratch_operands = 0 : i64, tpu.core_type = #tpu.core_type<tc>} {
    %iota3A = tpu.iota {dimensions = array<i32: 0>} : vector<64x64xi32>
    %iota3A_0 = tpu.iota {dimensions = array<i32: 1>} : vector<64x64xi32>
    %eq3A = arith.cmpi eq, %iota3A, %iota3A_0 : vector<64x64xi32>
    %convert_element_type3A = arith.extui %eq3A : vector<64x64xi1> to vector<64x64xi32>
    %convert_element_type3A_1 = arith.sitofp %convert_element_type3A : vector<64x64xi32> to vector<64x64xf32>
    %get3A = arith.constant 0 : index
    %get3A_2 = arith.constant 0 : index
    %get3A_3 = vector.load %arg0[%get3A, %get3A_2] : memref<64x64xf32, #tpu.memory_space<vmem>>, vector<64x64xf32>
    %div3A = arith.constant 4.096000e+03 : f32
    %div3A_4 = vector.broadcast %div3A : f32 to vector<64x64xf32>
    %div3A_5 = arith.divf %get3A_3, %div3A_4 : vector<64x64xf32>
    %mul3A = arith.constant 9.99999997E-7 : f32
    %mul3A_6 = vector.broadcast %mul3A : f32 to vector<64x64xf32>
    %mul3A_7 = arith.mulf %mul3A_6, %convert_element_type3A_1 : vector<64x64xf32>
    %add3A = arith.addf %div3A_5, %mul3A_7 : vector<64x64xf32>
    %broadcast_in_dim3A = arith.constant 0.000000e+00 : f32
    %broadcast_in_dim3A_8 = vector.broadcast %broadcast_in_dim3A : f32 to vector<64x64xf32>
    %scan3A = arith.constant 0 : i32
    %scan3A_9 = arith.constant 64 : i32
    %scan3A_10 = arith.addi %scan3A, %scan3A_9 : i32
    %scan3A_11 = arith.constant 1 : i32
    %scan3A_12 = scf.for %scan3A_25 = %scan3A to %scan3A_10 step %scan3A_11 iter_args(%scan3A_26 = %broadcast_in_dim3A_8) -> (vector<64x64xf32>)  : i32 {
      %dot_general3A = arith.constant dense<0.000000e+00> : vector<64x64xf32>
      %dot_general3A_27 = tpu.matmul %scan3A_26, %scan3A_26, %dot_general3A {dimension_numbers = #tpu.dot_dimension_numbers<[1], [1], [0], [0], [0, 0, 1, 0], [], []>, precision = #tpu.contract_precision<fp32>, transpose_lhs_hint = false} : vector<64x64xf32>, vector<64x64xf32>, vector<64x64xf32> -> vector<64x64xf32>
      %sub3A = arith.subf %add3A, %dot_general3A_27 : vector<64x64xf32>
      %eq3A_28 = vector.broadcast %scan3A_25 : i32 to vector<64x64xi32>
      %eq3A_29 = arith.cmpi eq, %iota3A_0, %eq3A_28 : vector<64x64xi32>
      %jit3A = arith.constant 0.000000e+00 : f32
      %broadcast_in_dim3A_30 = vector.broadcast %jit3A : f32 to vector<64x64xf32>
      %select_n3A = arith.select %eq3A_29, %sub3A, %broadcast_in_dim3A_30 : vector<64x64xi1>, vector<64x64xf32>
      %reduce_sum3A = arith.constant dense<0.000000e+00> : vector<64xf32>
      %reduce_sum3A_31 = vector.multi_reduction <add>, %select_n3A, %reduce_sum3A [1] : vector<64x64xf32> to vector<64xf32>
      %broadcast_in_dim3A_32 = vector.shape_cast %reduce_sum3A_31 : vector<64xf32> to vector<64x1xf32>
      %eq3A_33 = vector.broadcast %scan3A_25 : i32 to vector<64x64xi32>
      %eq3A_34 = arith.cmpi eq, %iota3A, %eq3A_33 : vector<64x64xi32>
      %eq3A_35 = vector.broadcast %scan3A_25 : i32 to vector<64x64xi32>
      %eq3A_36 = arith.cmpi eq, %iota3A_0, %eq3A_35 : vector<64x64xi32>
      %and3A = arith.andi %eq3A_34, %eq3A_36 : vector<64x64xi1>
      %jit3A_37 = arith.constant 0.000000e+00 : f32
      %broadcast_in_dim3A_38 = vector.broadcast %jit3A_37 : f32 to vector<64x64xf32>
      %select_n3A_39 = arith.select %and3A, %sub3A, %broadcast_in_dim3A_38 : vector<64x64xi1>, vector<64x64xf32>
      %reduce_sum3A_40 = vector.shape_cast %select_n3A_39 : vector<64x64xf32> to vector<1x64x64xf32>
      %reduce_sum3A_41 = arith.constant dense<0.000000e+00> : vector<1xf32>
      %reduce_sum3A_42 = vector.multi_reduction <add>, %reduce_sum3A_40, %reduce_sum3A_41 [1, 2] : vector<1x64x64xf32> to vector<1xf32>
      %reduce_sum3A_43 = vector.shape_cast %reduce_sum3A_42 : vector<1xf32> to vector<1x1x1xf32>
      %reduce_sum3A_44 = vector.extract %reduce_sum3A_43[0, 0, 0] : f32 from vector<1x1x1xf32>
      %sqrt3A = math.sqrt %reduce_sum3A_44 : f32
      %div3A_45 = vector.broadcast %sqrt3A : f32 to vector<64x1xf32>
      %div3A_46 = arith.divf %broadcast_in_dim3A_32, %div3A_45 : vector<64x1xf32>
      %eq3A_47 = vector.broadcast %scan3A_25 : i32 to vector<64x64xi32>
      %eq3A_48 = arith.cmpi eq, %iota3A_0, %eq3A_47 : vector<64x64xi32>
      %ge3A = vector.broadcast %scan3A_25 : i32 to vector<64x64xi32>
      %ge3A_49 = arith.cmpi sge, %iota3A, %ge3A : vector<64x64xi32>
      %and3A_50 = arith.andi %eq3A_48, %ge3A_49 : vector<64x64xi1>
      %broadcast_in_dim3A_51 = vector.shape_cast %div3A_46 : vector<64x1xf32> to vector<64x1xf32>
      %broadcast_in_dim3A_52 = vector.broadcast %broadcast_in_dim3A_51 : vector<64x1xf32> to vector<64x64xf32>
      %select_n3A_53 = arith.select %and3A_50, %broadcast_in_dim3A_52, %scan3A_26 : vector<64x64xi1>, vector<64x64xf32>
      scf.yield %select_n3A_53 : vector<64x64xf32>
    }
    %scan3A_13 = arith.constant 64 : i32
    %iota3A_14 = tpu.iota {dimensions = array<i32: 1>} : vector<1x64xi32>
    %broadcast_in_dim3A_15 = arith.constant 0.000000e+00 : f32
    %broadcast_in_dim3A_16 = vector.broadcast %broadcast_in_dim3A_15 : f32 to vector<64x64xf32>
    %scan3A_17 = arith.constant 0 : i32
    %scan3A_18 = arith.constant 64 : i32
    %scan3A_19 = arith.addi %scan3A_17, %scan3A_18 : i32
    %scan3A_20 = arith.constant 1 : i32
    %scan3A_21 = scf.for %scan3A_25 = %scan3A_17 to %scan3A_19 step %scan3A_20 iter_args(%scan3A_26 = %broadcast_in_dim3A_16) -> (vector<64x64xf32>)  : i32 {
      %eq3A_27 = vector.broadcast %scan3A_25 : i32 to vector<64x64xi32>
      %eq3A_28 = arith.cmpi eq, %iota3A, %eq3A_27 : vector<64x64xi32>
      %jit3A = arith.constant 0.000000e+00 : f32
      %broadcast_in_dim3A_29 = vector.broadcast %jit3A : f32 to vector<64x64xf32>
      %select_n3A = arith.select %eq3A_28, %scan3A_12, %broadcast_in_dim3A_29 : vector<64x64xi1>, vector<64x64xf32>
      %reduce_sum3A = arith.constant dense<0.000000e+00> : vector<64xf32>
      %reduce_sum3A_30 = vector.multi_reduction <add>, %select_n3A, %reduce_sum3A [0] : vector<64x64xf32> to vector<64xf32>
      %broadcast_in_dim3A_31 = vector.shape_cast %reduce_sum3A_30 : vector<64xf32> to vector<1x64xf32>
      %dot_general3A = arith.constant dense<0.000000e+00> : vector<1x64xf32>
      %dot_general3A_32 = tpu.matmul %broadcast_in_dim3A_31, %scan3A_26, %dot_general3A {dimension_numbers = #tpu.dot_dimension_numbers<[1], [0], [0], [1], [0, 0, 1, 1], [], []>, precision = #tpu.contract_precision<fp32>, transpose_lhs_hint = false} : vector<1x64xf32>, vector<64x64xf32>, vector<1x64xf32> -> vector<1x64xf32>
      %eq3A_33 = vector.broadcast %scan3A_25 : i32 to vector<64x64xi32>
      %eq3A_34 = arith.cmpi eq, %iota3A, %eq3A_33 : vector<64x64xi32>
      %eq3A_35 = vector.broadcast %scan3A_25 : i32 to vector<64x64xi32>
      %eq3A_36 = arith.cmpi eq, %iota3A_0, %eq3A_35 : vector<64x64xi32>
      %and3A = arith.andi %eq3A_34, %eq3A_36 : vector<64x64xi1>
      %jit3A_37 = arith.constant 0.000000e+00 : f32
      %broadcast_in_dim3A_38 = vector.broadcast %jit3A_37 : f32 to vector<64x64xf32>
      %select_n3A_39 = arith.select %and3A, %scan3A_12, %broadcast_in_dim3A_38 : vector<64x64xi1>, vector<64x64xf32>
      %reduce_sum3A_40 = vector.shape_cast %select_n3A_39 : vector<64x64xf32> to vector<1x64x64xf32>
      %reduce_sum3A_41 = arith.constant dense<0.000000e+00> : vector<1xf32>
      %reduce_sum3A_42 = vector.multi_reduction <add>, %reduce_sum3A_40, %reduce_sum3A_41 [1, 2] : vector<1x64x64xf32> to vector<1xf32>
      %reduce_sum3A_43 = vector.shape_cast %reduce_sum3A_42 : vector<1xf32> to vector<1x1x1xf32>
      %reduce_sum3A_44 = vector.extract %reduce_sum3A_43[0, 0, 0] : f32 from vector<1x1x1xf32>
      %eq3A_45 = vector.broadcast %scan3A_25 : i32 to vector<1x64xi32>
      %eq3A_46 = arith.cmpi eq, %iota3A_14, %eq3A_45 : vector<1x64xi32>
      %convert_element_type3A_47 = arith.extui %eq3A_46 : vector<1x64xi1> to vector<1x64xi32>
      %convert_element_type3A_48 = arith.sitofp %convert_element_type3A_47 : vector<1x64xi32> to vector<1x64xf32>
      %sub3A = arith.subf %convert_element_type3A_48, %dot_general3A_32 : vector<1x64xf32>
      %div3A_49 = vector.broadcast %reduce_sum3A_44 : f32 to vector<1x64xf32>
      %div3A_50 = arith.divf %sub3A, %div3A_49 : vector<1x64xf32>
      %eq3A_51 = vector.broadcast %scan3A_25 : i32 to vector<64x64xi32>
      %eq3A_52 = arith.cmpi eq, %iota3A, %eq3A_51 : vector<64x64xi32>
      %broadcast_in_dim3A_53 = vector.shape_cast %div3A_50 : vector<1x64xf32> to vector<1x64xf32>
      %broadcast_in_dim3A_54 = vector.broadcast %broadcast_in_dim3A_53 : vector<1x64xf32> to vector<64x64xf32>
      %select_n3A_55 = arith.select %eq3A_52, %broadcast_in_dim3A_54, %scan3A_26 : vector<64x64xi1>, vector<64x64xf32>
      scf.yield %select_n3A_55 : vector<64x64xf32>
    }
    %scan3A_22 = arith.constant 64 : i32
    %swap3A = arith.constant 0 : index
    %swap3A_23 = arith.constant 0 : index
    %swap3A_24 = vector.load %arg1[%swap3A, %swap3A_23] : memref<64x64xf32, #tpu.memory_space<vmem>>, vector<64x64xf32>
    tpu.vector_store %arg1[%swap3A, %swap3A_23], %scan3A_21 {strides = array<i32>} : memref<64x64xf32, #tpu.memory_space<vmem>>, vector<64x64xf32>,
    return
  }
}

module attributes {stable_mosaic.version = 14 : i64} {
  func.func @_gram_body(%arg0: i32, %arg1: memref<256x256xf32, #tpu.memory_space<vmem>>, %arg2: memref<256x512xf32, #tpu.memory_space<vmem>>, %arg3: memref<1x512xf32, #tpu.memory_space<vmem>>, %arg4: memref<512x64xf32, #tpu.memory_space<vmem>>, %arg5: memref<1x64xf32, #tpu.memory_space<vmem>>, %arg6: memref<64x64xf32, #tpu.memory_space<vmem>>) attributes {dimension_semantics = [#tpu.dimension_semantics<arbitrary>], iteration_bounds = array<i64: 16>, scalar_prefetch = 0 : i64, scratch_operands = 0 : i64, tpu.core_type = #tpu.core_type<tc>, window_params = [{transform_indices = @transform_0, window_bounds = array<i64: 256, 256>}, {pipeline_mode = #tpu.pipeline_mode<synchronous>, transform_indices = @transform_1, window_bounds = array<i64: 256, 512>}, {pipeline_mode = #tpu.pipeline_mode<synchronous>, transform_indices = @transform_2, window_bounds = array<i64: 1, 512>}, {pipeline_mode = #tpu.pipeline_mode<synchronous>, transform_indices = @transform_3, window_bounds = array<i64: 512, 64>}, {pipeline_mode = #tpu.pipeline_mode<synchronous>, transform_indices = @transform_4, window_bounds = array<i64: 1, 64>}, {pipeline_mode = #tpu.pipeline_mode<synchronous>, transform_indices = @transform_5, window_bounds = array<i64: 64, 64>}]} {
    %get3A = arith.constant 0 : index
    %get3A_0 = arith.constant 0 : index
    %get3A_1 = vector.load %arg1[%get3A, %get3A_0] : memref<256x256xf32, #tpu.memory_space<vmem>>, vector<256x256xf32>
    %get3A_2 = arith.constant 0 : index
    %get3A_3 = arith.constant 0 : index
    %get3A_4 = vector.load %arg2[%get3A_2, %get3A_3] : memref<256x512xf32, #tpu.memory_space<vmem>>, vector<256x512xf32>
    %convert_element_type3A = arith.truncf %get3A_1 : vector<256x256xf32> to vector<256x256xbf16>
    %convert_element_type3A_5 = arith.truncf %get3A_4 : vector<256x512xf32> to vector<256x512xbf16>
    %dot_general3A = arith.constant dense<0.000000e+00> : vector<256x512xf32>
    %dot_general3A_6 = tpu.matmul %convert_element_type3A, %convert_element_type3A_5, %dot_general3A {dimension_numbers = #tpu.dot_dimension_numbers<[1], [0], [0], [1], [0, 0, 1, 1], [], []>, transpose_lhs_hint = false} : vector<256x256xbf16>, vector<256x512xbf16>, vector<256x512xf32> -> vector<256x512xf32>
    %get3A_7 = arith.constant 0 : index
    %get3A_8 = arith.constant 0 : index
    %get3A_9 = vector.load %arg3[%get3A_7, %get3A_8] : memref<1x512xf32, #tpu.memory_space<vmem>>, vector<1x512xf32>
    %add3A = vector.broadcast %get3A_9 : vector<1x512xf32> to vector<256x512xf32>
    %add3A_10 = arith.addf %dot_general3A_6, %add3A : vector<256x512xf32>
    %max3A = arith.constant 0.000000e+00 : f32
    %max3A_11 = vector.broadcast %max3A : f32 to vector<256x512xf32>
    %max3A_12 = arith.maximumf %add3A_10, %max3A_11 : vector<256x512xf32>
    %get3A_13 = arith.constant 0 : index
    %get3A_14 = arith.constant 0 : index
    %get3A_15 = vector.load %arg4[%get3A_13, %get3A_14] : memref<512x64xf32, #tpu.memory_space<vmem>>, vector<512x64xf32>
    %convert_element_type3A_16 = arith.truncf %max3A_12 : vector<256x512xf32> to vector<256x512xbf16>
    %convert_element_type3A_17 = arith.truncf %get3A_15 : vector<512x64xf32> to vector<512x64xbf16>
    %dot_general3A_18 = arith.constant dense<0.000000e+00> : vector<256x64xf32>
    %dot_general3A_19 = tpu.matmul %convert_element_type3A_16, %convert_element_type3A_17, %dot_general3A_18 {dimension_numbers = #tpu.dot_dimension_numbers<[1], [0], [0], [1], [0, 0, 1, 1], [], []>, transpose_lhs_hint = false} : vector<256x512xbf16>, vector<512x64xbf16>, vector<256x64xf32> -> vector<256x64xf32>
    %get3A_20 = arith.constant 0 : index
    %get3A_21 = arith.constant 0 : index
    %get3A_22 = vector.load %arg5[%get3A_20, %get3A_21] : memref<1x64xf32, #tpu.memory_space<vmem>>, vector<1x64xf32>
    %add3A_23 = vector.broadcast %get3A_22 : vector<1x64xf32> to vector<256x64xf32>
    %add3A_24 = arith.addf %dot_general3A_19, %add3A_23 : vector<256x64xf32>
    %convert_element_type3A_25 = arith.truncf %add3A_24 : vector<256x64xf32> to vector<256x64xbf16>
    %convert_element_type3A_26 = arith.truncf %add3A_24 : vector<256x64xf32> to vector<256x64xbf16>
    %dot_general3A_27 = arith.constant dense<0.000000e+00> : vector<64x64xf32>
    %dot_general3A_28 = tpu.matmul %convert_element_type3A_25, %convert_element_type3A_26, %dot_general3A_27 {dimension_numbers = #tpu.dot_dimension_numbers<[0], [0], [1], [1], [0, 1, 1, 1], [], []>, transpose_lhs_hint = false} : vector<256x64xbf16>, vector<256x64xbf16>, vector<64x64xf32> -> vector<64x64xf32>
    %eq3A = arith.constant 0 : i32
    %eq3A_29 = arith.cmpi eq, %arg0, %eq3A : i32
    %convert_element_type3A_30 = arith.extui %eq3A_29 : i1 to i32
    %cond3A = arith.constant 0 : i32
    %cond3A_31 = arith.cmpi ne, %convert_element_type3A_30, %cond3A : i32
    scf.if %cond3A_31 {
      %broadcast_in_dim3A = arith.constant 0.000000e+00 : f32
      %broadcast_in_dim3A_38 = vector.broadcast %broadcast_in_dim3A : f32 to vector<64x64xf32>
      %swap3A_39 = arith.constant 0 : index
      %swap3A_40 = arith.constant 0 : index
      %swap3A_41 = vector.load %arg6[%swap3A_39, %swap3A_40] : memref<64x64xf32, #tpu.memory_space<vmem>>, vector<64x64xf32>
      tpu.vector_store %arg6[%swap3A_39, %swap3A_40], %broadcast_in_dim3A_38 {strides = array<i32>} : memref<64x64xf32, #tpu.memory_space<vmem>>, vector<64x64xf32>,
    } else {
    }
    %get3A_32 = arith.constant 0 : index
    %get3A_33 = arith.constant 0 : index
    %get3A_34 = vector.load %arg6[%get3A_32, %get3A_33] : memref<64x64xf32, #tpu.memory_space<vmem>>, vector<64x64xf32>
    %add3A_35 = arith.addf %get3A_34, %dot_general3A_28 : vector<64x64xf32>
    %swap3A = arith.constant 0 : index
    %swap3A_36 = arith.constant 0 : index
    %swap3A_37 = vector.load %arg6[%swap3A, %swap3A_36] : memref<64x64xf32, #tpu.memory_space<vmem>>, vector<64x64xf32>
    tpu.vector_store %arg6[%swap3A, %swap3A_36], %add3A_35 {strides = array<i32>} : memref<64x64xf32, #tpu.memory_space<vmem>>, vector<64x64xf32>,
    return
  }
  func.func @transform_0(%arg0: i32) -> (i32, i32) {
    %c0_i32 = arith.constant 0 : i32
    %c0_i32_0 = arith.constant 0 : i32
    return %arg0, %c0_i32 : i32, i32
  }
  func.func @transform_1(%arg0: i32) -> (i32, i32) {
    %c0_i32 = arith.constant 0 : i32
    %c0_i32_0 = arith.constant 0 : i32
    %c0_i32_1 = arith.constant 0 : i32
    return %c0_i32, %c0_i32_0 : i32, i32
  }
  func.func @transform_2(%arg0: i32) -> (i32, i32) {
    %c0_i32 = arith.constant 0 : i32
    %c0_i32_0 = arith.constant 0 : i32
    %c0_i32_1 = arith.constant 0 : i32
    return %c0_i32, %c0_i32_0 : i32, i32
  }
  func.func @transform_3(%arg0: i32) -> (i32, i32) {
    %c0_i32 = arith.constant 0 : i32
    %c0_i32_0 = arith.constant 0 : i32
    %c0_i32_1 = arith.constant 0 : i32
    return %c0_i32, %c0_i32_0 : i32, i32
  }
  func.func @transform_4(%arg0: i32) -> (i32, i32) {
    %c0_i32 = arith.constant 0 : i32
    %c0_i32_0 = arith.constant 0 : i32
    %c0_i32_1 = arith.constant 0 : i32
    return %c0_i32, %c0_i32_0 : i32, i32
  }
  func.func @transform_5(%arg0: i32) -> (i32, i32) {
    %c0_i32 = arith.constant 0 : i32
    %c0_i32_0 = arith.constant 0 : i32
    %c0_i32_1 = arith.constant 0 : i32
    return %c0_i32, %c0_i32_0 : i32, i32
  }
}

module attributes {stable_mosaic.version = 14 : i64} {
  func.func @_mlp_body(%arg0: i32, %arg1: memref<256x256xf32, #tpu.memory_space<vmem>>, %arg2: memref<256x512xf32, #tpu.memory_space<vmem>>, %arg3: memref<1x512xf32, #tpu.memory_space<vmem>>, %arg4: memref<512x64xf32, #tpu.memory_space<vmem>>, %arg5: memref<1x64xf32, #tpu.memory_space<vmem>>, %arg6: memref<64x64xf32, #tpu.memory_space<vmem>>, %arg7: memref<256x512xf32, #tpu.memory_space<vmem>>, %arg8: memref<256x128xf32, #tpu.memory_space<vmem>>, %arg9: memref<256x64xf32, #tpu.memory_space<vmem>>, %arg10: memref<256x512xf32, #tpu.memory_space<vmem>>) attributes {dimension_semantics = [#tpu.dimension_semantics<arbitrary>], iteration_bounds = array<i64: 16>, scalar_prefetch = 0 : i64, scratch_operands = 0 : i64, tpu.core_type = #tpu.core_type<tc>, window_params = [{transform_indices = @transform_0, window_bounds = array<i64: 256, 256>}, {pipeline_mode = #tpu.pipeline_mode<synchronous>, transform_indices = @transform_1, window_bounds = array<i64: 256, 512>}, {pipeline_mode = #tpu.pipeline_mode<synchronous>, transform_indices = @transform_2, window_bounds = array<i64: 1, 512>}, {pipeline_mode = #tpu.pipeline_mode<synchronous>, transform_indices = @transform_3, window_bounds = array<i64: 512, 64>}, {pipeline_mode = #tpu.pipeline_mode<synchronous>, transform_indices = @transform_4, window_bounds = array<i64: 1, 64>}, {pipeline_mode = #tpu.pipeline_mode<synchronous>, transform_indices = @transform_5, window_bounds = array<i64: 64, 64>}, {pipeline_mode = #tpu.pipeline_mode<synchronous>, transform_indices = @transform_6, window_bounds = array<i64: 256, 512>}, {transform_indices = @transform_7, window_bounds = array<i64: 256, 128>}, {transform_indices = @transform_8, window_bounds = array<i64: 256, 64>}, {transform_indices = @transform_9, window_bounds = array<i64: 256, 512>}]} {
    %get3A = arith.constant 0 : index
    %get3A_0 = arith.constant 0 : index
    %get3A_1 = vector.load %arg1[%get3A, %get3A_0] : memref<256x256xf32, #tpu.memory_space<vmem>>, vector<256x256xf32>
    %get3A_2 = arith.constant 0 : index
    %get3A_3 = arith.constant 0 : index
    %get3A_4 = vector.load %arg2[%get3A_2, %get3A_3] : memref<256x512xf32, #tpu.memory_space<vmem>>, vector<256x512xf32>
    %convert_element_type3A = arith.truncf %get3A_1 : vector<256x256xf32> to vector<256x256xbf16>
    %convert_element_type3A_5 = arith.truncf %get3A_4 : vector<256x512xf32> to vector<256x512xbf16>
    %dot_general3A = arith.constant dense<0.000000e+00> : vector<256x512xf32>
    %dot_general3A_6 = tpu.matmul %convert_element_type3A, %convert_element_type3A_5, %dot_general3A {dimension_numbers = #tpu.dot_dimension_numbers<[1], [0], [0], [1], [0, 0, 1, 1], [], []>, transpose_lhs_hint = false} : vector<256x256xbf16>, vector<256x512xbf16>, vector<256x512xf32> -> vector<256x512xf32>
    %get3A_7 = arith.constant 0 : index
    %get3A_8 = arith.constant 0 : index
    %get3A_9 = vector.load %arg3[%get3A_7, %get3A_8] : memref<1x512xf32, #tpu.memory_space<vmem>>, vector<1x512xf32>
    %add3A = vector.broadcast %get3A_9 : vector<1x512xf32> to vector<256x512xf32>
    %add3A_10 = arith.addf %dot_general3A_6, %add3A : vector<256x512xf32>
    %max3A = arith.constant 0.000000e+00 : f32
    %max3A_11 = vector.broadcast %max3A : f32 to vector<256x512xf32>
    %max3A_12 = arith.maximumf %add3A_10, %max3A_11 : vector<256x512xf32>
    %get3A_13 = arith.constant 0 : index
    %get3A_14 = arith.constant 0 : index
    %get3A_15 = vector.load %arg4[%get3A_13, %get3A_14] : memref<512x64xf32, #tpu.memory_space<vmem>>, vector<512x64xf32>
    %convert_element_type3A_16 = arith.truncf %max3A_12 : vector<256x512xf32> to vector<256x512xbf16>
    %convert_element_type3A_17 = arith.truncf %get3A_15 : vector<512x64xf32> to vector<512x64xbf16>
    %dot_general3A_18 = arith.constant dense<0.000000e+00> : vector<256x64xf32>
    %dot_general3A_19 = tpu.matmul %convert_element_type3A_16, %convert_element_type3A_17, %dot_general3A_18 {dimension_numbers = #tpu.dot_dimension_numbers<[1], [0], [0], [1], [0, 0, 1, 1], [], []>, transpose_lhs_hint = false} : vector<256x512xbf16>, vector<512x64xbf16>, vector<256x64xf32> -> vector<256x64xf32>
    %get3A_20 = arith.constant 0 : index
    %get3A_21 = arith.constant 0 : index
    %get3A_22 = vector.load %arg5[%get3A_20, %get3A_21] : memref<1x64xf32, #tpu.memory_space<vmem>>, vector<1x64xf32>
    %add3A_23 = vector.broadcast %get3A_22 : vector<1x64xf32> to vector<256x64xf32>
    %add3A_24 = arith.addf %dot_general3A_19, %add3A_23 : vector<256x64xf32>
    %get3A_25 = arith.constant 0 : index
    %get3A_26 = arith.constant 0 : index
    %get3A_27 = vector.load %arg6[%get3A_25, %get3A_26] : memref<64x64xf32, #tpu.memory_space<vmem>>, vector<64x64xf32>
    %convert_element_type3A_28 = arith.truncf %add3A_24 : vector<256x64xf32> to vector<256x64xbf16>
    %convert_element_type3A_29 = arith.truncf %get3A_27 : vector<64x64xf32> to vector<64x64xbf16>
    %dot_general3A_30 = arith.constant dense<0.000000e+00> : vector<256x64xf32>
    %dot_general3A_31 = tpu.matmul %convert_element_type3A_28, %convert_element_type3A_29, %dot_general3A_30 {dimension_numbers = #tpu.dot_dimension_numbers<[1], [1], [0], [0], [0, 0, 1, 0], [], []>, transpose_lhs_hint = false} : vector<256x64xbf16>, vector<64x64xbf16>, vector<256x64xf32> -> vector<256x64xf32>
    %concatenate3A = tpu.concatenate %dot_general3A_31, %add3A_24 in 1 : vector<256x64xf32>, vector<256x64xf32> -> vector<256x128xf32>
    %swap3A = arith.constant 0 : index
    %swap3A_32 = arith.constant 0 : index
    %swap3A_33 = vector.load %arg8[%swap3A, %swap3A_32] : memref<256x128xf32, #tpu.memory_space<vmem>>, vector<256x128xf32>
    tpu.vector_store %arg8[%swap3A, %swap3A_32], %concatenate3A {strides = array<i32>} : memref<256x128xf32, #tpu.memory_space<vmem>>, vector<256x128xf32>,
    %mul3A = arith.constant 6.400000e+01 : f32
    %mul3A_34 = vector.broadcast %mul3A : f32 to vector<256x64xf32>
    %mul3A_35 = arith.mulf %mul3A_34, %dot_general3A_31 : vector<256x64xf32>
    %swap3A_36 = arith.constant 0 : index
    %swap3A_37 = arith.constant 0 : index
    %swap3A_38 = vector.load %arg9[%swap3A_36, %swap3A_37] : memref<256x64xf32, #tpu.memory_space<vmem>>, vector<256x64xf32>
    tpu.vector_store %arg9[%swap3A_36, %swap3A_37], %mul3A_35 {strides = array<i32>} : memref<256x64xf32, #tpu.memory_space<vmem>>, vector<256x64xf32>,
    %get3A_39 = arith.constant 0 : index
    %get3A_40 = arith.constant 0 : index
    %get3A_41 = vector.load %arg7[%get3A_39, %get3A_40] : memref<256x512xf32, #tpu.memory_space<vmem>>, vector<256x512xf32>
    %convert_element_type3A_42 = arith.truncf %get3A_1 : vector<256x256xf32> to vector<256x256xbf16>
    %convert_element_type3A_43 = arith.truncf %get3A_41 : vector<256x512xf32> to vector<256x512xbf16>
    %dot_general3A_44 = arith.constant dense<0.000000e+00> : vector<256x512xf32>
    %dot_general3A_45 = tpu.matmul %convert_element_type3A_42, %convert_element_type3A_43, %dot_general3A_44 {dimension_numbers = #tpu.dot_dimension_numbers<[1], [0], [0], [1], [0, 0, 1, 1], [], []>, transpose_lhs_hint = false} : vector<256x256xbf16>, vector<256x512xbf16>, vector<256x512xf32> -> vector<256x512xf32>
    %swap3A_46 = arith.constant 0 : index
    %swap3A_47 = arith.constant 0 : index
    %swap3A_48 = vector.load %arg10[%swap3A_46, %swap3A_47] : memref<256x512xf32, #tpu.memory_space<vmem>>, vector<256x512xf32>
    tpu.vector_store %arg10[%swap3A_46, %swap3A_47], %dot_general3A_45 {strides = array<i32>} : memref<256x512xf32, #tpu.memory_space<vmem>>, vector<256x512xf32>,
    return
  }
  func.func @transform_0(%arg0: i32) -> (i32, i32) {
    %c0_i32 = arith.constant 0 : i32
    %c0_i32_0 = arith.constant 0 : i32
    return %arg0, %c0_i32 : i32, i32
  }
  func.func @transform_1(%arg0: i32) -> (i32, i32) {
    %c0_i32 = arith.constant 0 : i32
    %c0_i32_0 = arith.constant 0 : i32
    %c0_i32_1 = arith.constant 0 : i32
    return %c0_i32, %c0_i32_0 : i32, i32
  }
  func.func @transform_2(%arg0: i32) -> (i32, i32) {
    %c0_i32 = arith.constant 0 : i32
    %c0_i32_0 = arith.constant 0 : i32
    %c0_i32_1 = arith.constant 0 : i32
    return %c0_i32, %c0_i32_0 : i32, i32
  }
  func.func @transform_3(%arg0: i32) -> (i32, i32) {
    %c0_i32 = arith.constant 0 : i32
    %c0_i32_0 = arith.constant 0 : i32
    %c0_i32_1 = arith.constant 0 : i32
    return %c0_i32, %c0_i32_0 : i32, i32
  }
  func.func @transform_4(%arg0: i32) -> (i32, i32) {
    %c0_i32 = arith.constant 0 : i32
    %c0_i32_0 = arith.constant 0 : i32
    %c0_i32_1 = arith.constant 0 : i32
    return %c0_i32, %c0_i32_0 : i32, i32
  }
  func.func @transform_5(%arg0: i32) -> (i32, i32) {
    %c0_i32 = arith.constant 0 : i32
    %c0_i32_0 = arith.constant 0 : i32
    %c0_i32_1 = arith.constant 0 : i32
    return %c0_i32, %c0_i32_0 : i32, i32
  }
  func.func @transform_6(%arg0: i32) -> (i32, i32) {
    %c0_i32 = arith.constant 0 : i32
    %c0_i32_0 = arith.constant 0 : i32
    %c0_i32_1 = arith.constant 0 : i32
    return %c0_i32, %c0_i32_0 : i32, i32
  }
  func.func @transform_7(%arg0: i32) -> (i32, i32) {
    %c0_i32 = arith.constant 0 : i32
    %c0_i32_0 = arith.constant 0 : i32
    return %arg0, %c0_i32 : i32, i32
  }
  func.func @transform_8(%arg0: i32) -> (i32, i32) {
    %c0_i32 = arith.constant 0 : i32
    %c0_i32_0 = arith.constant 0 : i32
    return %arg0, %c0_i32 : i32, i32
  }
  func.func @transform_9(%arg0: i32) -> (i32, i32) {
    %c0_i32 = arith.constant 0 : i32
    %c0_i32_0 = arith.constant 0 : i32
    return %arg0, %c0_i32 : i32, i32
  }
}

module attributes {stable_mosaic.version = 14 : i64} {
  func.func @_scale_body(%arg0: i32, %arg1: memref<512x256xf32, #tpu.memory_space<vmem>>, %arg2: memref<4096x256xf32, #tpu.memory_space<vmem>>, %arg3: memref<512x1xf32, #tpu.memory_space<vmem>>, %arg4: memref<1x512xf32, #tpu.memory_space<vmem>>) attributes {dimension_semantics = [#tpu.dimension_semantics<arbitrary>], iteration_bounds = array<i64: 8>, scalar_prefetch = 0 : i64, scratch_operands = 0 : i64, tpu.core_type = #tpu.core_type<tc>, window_params = [{transform_indices = @transform_0, window_bounds = array<i64: 512, 256>}, {pipeline_mode = #tpu.pipeline_mode<synchronous>, transform_indices = @transform_1, window_bounds = array<i64: 4096, 256>}, {transform_indices = @transform_2, window_bounds = array<i64: 512, 1>}, {transform_indices = @transform_3, window_bounds = array<i64: 1, 512>}]} {
    %get3A = arith.constant 0 : index
    %get3A_0 = arith.constant 0 : index
    %get3A_1 = vector.load %arg1[%get3A, %get3A_0] : memref<512x256xf32, #tpu.memory_space<vmem>>, vector<512x256xf32>
    %get3A_2 = arith.constant 0 : index
    %get3A_3 = arith.constant 0 : index
    %get3A_4 = vector.load %arg2[%get3A_2, %get3A_3] : memref<4096x256xf32, #tpu.memory_space<vmem>>, vector<4096x256xf32>
    %mul3A = arith.mulf %get3A_1, %get3A_1 : vector<512x256xf32>
    %reduce_sum3A = arith.constant dense<0.000000e+00> : vector<512xf32>
    %reduce_sum3A_5 = vector.multi_reduction <add>, %mul3A, %reduce_sum3A [1] : vector<512x256xf32> to vector<512xf32>
    %broadcast_in_dim3A = vector.shape_cast %reduce_sum3A_5 : vector<512xf32> to vector<512x1xf32>
    %mul3A_6 = arith.mulf %get3A_4, %get3A_4 : vector<4096x256xf32>
    %reduce_sum3A_7 = arith.constant dense<0.000000e+00> : vector<4096xf32>
    %reduce_sum3A_8 = vector.multi_reduction <add>, %mul3A_6, %reduce_sum3A_7 [1] : vector<4096x256xf32> to vector<4096xf32>
    %convert_element_type3A = arith.truncf %get3A_1 : vector<512x256xf32> to vector<512x256xbf16>
    %convert_element_type3A_9 = arith.truncf %get3A_4 : vector<4096x256xf32> to vector<4096x256xbf16>
    %dot_general3A = arith.constant dense<0.000000e+00> : vector<512x4096xf32>
    %dot_general3A_10 = tpu.matmul %convert_element_type3A, %convert_element_type3A_9, %dot_general3A {dimension_numbers = #tpu.dot_dimension_numbers<[1], [1], [0], [0], [0, 0, 1, 0], [], []>, transpose_lhs_hint = false} : vector<512x256xbf16>, vector<4096x256xbf16>, vector<512x4096xf32> -> vector<512x4096xf32>
    %broadcast_in_dim3A_11 = vector.shape_cast %reduce_sum3A_8 : vector<4096xf32> to vector<1x4096xf32>
    %add3A = vector.broadcast %broadcast_in_dim3A : vector<512x1xf32> to vector<512x4096xf32>
    %add3A_12 = vector.broadcast %broadcast_in_dim3A_11 : vector<1x4096xf32> to vector<512x4096xf32>
    %add3A_13 = arith.addf %add3A, %add3A_12 : vector<512x4096xf32>
    %mul3A_14 = arith.constant 2.000000e+00 : f32
    %mul3A_15 = vector.broadcast %mul3A_14 : f32 to vector<512x4096xf32>
    %mul3A_16 = arith.mulf %mul3A_15, %dot_general3A_10 : vector<512x4096xf32>
    %sub3A = arith.subf %add3A_13, %mul3A_16 : vector<512x4096xf32>
    %max3A = arith.constant 0.000000e+00 : f32
    %max3A_17 = vector.broadcast %max3A : f32 to vector<512x4096xf32>
    %max3A_18 = arith.maximumf %sub3A, %max3A_17 : vector<512x4096xf32>
    %bitcast_convert_type3A = tpu.bitcast %max3A_18 : vector<512x4096xf32> -> vector<512x4096xi32>
    %broadcast_in_dim3A_19 = arith.constant -1 : i32
    %broadcast_in_dim3A_20 = vector.broadcast %broadcast_in_dim3A_19 : i32 to vector<512x1xi32>
    %broadcast_in_dim3A_21 = arith.constant 2139095039 : i32
    %broadcast_in_dim3A_22 = vector.broadcast %broadcast_in_dim3A_21 : i32 to vector<512x1xi32>
    %scan3A = arith.constant 1.600000e+01 : f32
    %scan3A_23 = arith.constant 0 : i32
    %scan3A_24 = arith.constant 31 : i32
    %scan3A_25 = arith.addi %scan3A_23, %scan3A_24 : i32
    %scan3A_26 = arith.constant 1 : i32
    %scan3A_27:2 = scf.for %scan3A_42 = %scan3A_23 to %scan3A_25 step %scan3A_26 iter_args(%scan3A_43 = %broadcast_in_dim3A_20, %scan3A_44 = %broadcast_in_dim3A_22) -> (vector<512x1xi32>, vector<512x1xi32>)  : i32 {
      %sub3A_45 = arith.subi %scan3A_44, %scan3A_43 : vector<512x1xi32>
      %shift_right_arithmetic3A = arith.constant 1 : i32
      %shift_right_arithmetic3A_46 = vector.broadcast %shift_right_arithmetic3A : i32 to vector<512x1xi32>
      %shift_right_arithmetic3A_47 = arith.shrsi %sub3A_45, %shift_right_arithmetic3A_46 : vector<512x1xi32>
      %add3A_48 = arith.addi %scan3A_43, %shift_right_arithmetic3A_47 : vector<512x1xi32>
      %le3A = vector.broadcast %add3A_48 : vector<512x1xi32> to vector<512x4096xi32>
      %le3A_49 = arith.cmpi sle, %bitcast_convert_type3A, %le3A : vector<512x4096xi32>
      %convert_element_type3A_50 = arith.extui %le3A_49 : vector<512x4096xi1> to vector<512x4096xi32>
      %convert_element_type3A_51 = arith.sitofp %convert_element_type3A_50 : vector<512x4096xi32> to vector<512x4096xf32>
      %reduce_sum3A_52 = arith.constant dense<0.000000e+00> : vector<512xf32>
      %reduce_sum3A_53 = vector.multi_reduction <add>, %convert_element_type3A_51, %reduce_sum3A_52 [1] : vector<512x4096xf32> to vector<512xf32>
      %broadcast_in_dim3A_54 = vector.shape_cast %reduce_sum3A_53 : vector<512xf32> to vector<512x1xf32>
      %ge3A = vector.broadcast %scan3A : f32 to vector<512x1xf32>
      %ge3A_55 = arith.cmpf oge, %broadcast_in_dim3A_54, %ge3A : vector<512x1xf32>
      %select_n3A = arith.select %ge3A_55, %scan3A_43, %add3A_48 : vector<512x1xi1>, vector<512x1xi32>
      %select_n3A_56 = arith.select %ge3A_55, %add3A_48, %scan3A_44 : vector<512x1xi1>, vector<512x1xi32>
      scf.yield %select_n3A, %select_n3A_56 : vector<512x1xi32>, vector<512x1xi32>
    }
    %bitcast_convert_type3A_28 = tpu.bitcast %scan3A_27#1 : vector<512x1xi32> -> vector<512x1xf32>
    %add3A_29 = arith.constant 9.99999996E-13 : f32
    %add3A_30 = vector.broadcast %add3A_29 : f32 to vector<512x1xf32>
    %add3A_31 = arith.addf %bitcast_convert_type3A_28, %add3A_30 : vector<512x1xf32>
    %sqrt3A = math.sqrt %add3A_31 : vector<512x1xf32>
    %swap3A = arith.constant 0 : index
    %swap3A_32 = arith.constant 0 : index
    %swap3A_33 = vector.load %arg3[%swap3A, %swap3A_32] : memref<512x1xf32, #tpu.memory_space<vmem>>, vector<512x1xf32>
    tpu.vector_store %arg3[%swap3A, %swap3A_32], %sqrt3A {strides = array<i32>} : memref<512x1xf32, #tpu.memory_space<vmem>>, vector<512x1xf32>,
    %iota3A = tpu.iota {dimensions = array<i32: 0>} : vector<512x512xi32>
    %iota3A_34 = tpu.iota {dimensions = array<i32: 1>} : vector<512x512xi32>
    %eq3A = arith.cmpi eq, %iota3A, %iota3A_34 : vector<512x512xi32>
    %convert_element_type3A_35 = arith.extui %eq3A : vector<512x512xi1> to vector<512x512xi32>
    %convert_element_type3A_36 = arith.sitofp %convert_element_type3A_35 : vector<512x512xi32> to vector<512x512xf32>
    %dot_general3A_37 = arith.constant dense<0.000000e+00> : vector<1x512xf32>
    %dot_general3A_38 = tpu.matmul %sqrt3A, %convert_element_type3A_36, %dot_general3A_37 {dimension_numbers = #tpu.dot_dimension_numbers<[0], [0], [1], [1], [0, 1, 1, 1], [], []>, precision = #tpu.contract_precision<fp32>, transpose_lhs_hint = false} : vector<512x1xf32>, vector<512x512xf32>, vector<1x512xf32> -> vector<1x512xf32>
    %swap3A_39 = arith.constant 0 : index
    %swap3A_40 = arith.constant 0 : index
    %swap3A_41 = vector.load %arg4[%swap3A_39, %swap3A_40] : memref<1x512xf32, #tpu.memory_space<vmem>>, vector<1x512xf32>
    tpu.vector_store %arg4[%swap3A_39, %swap3A_40], %dot_general3A_38 {strides = array<i32>} : memref<1x512xf32, #tpu.memory_space<vmem>>, vector<1x512xf32>,
    return
  }
  func.func @transform_0(%arg0: i32) -> (i32, i32) {
    %c0_i32 = arith.constant 0 : i32
    %c0_i32_0 = arith.constant 0 : i32
    return %arg0, %c0_i32 : i32, i32
  }
  func.func @transform_1(%arg0: i32) -> (i32, i32) {
    %c0_i32 = arith.constant 0 : i32
    %c0_i32_0 = arith.constant 0 : i32
    %c0_i32_1 = arith.constant 0 : i32
    return %c0_i32, %c0_i32_0 : i32, i32
  }
  func.func @transform_2(%arg0: i32) -> (i32, i32) {
    %c0_i32 = arith.constant 0 : i32
    %c0_i32_0 = arith.constant 0 : i32
    return %arg0, %c0_i32 : i32, i32
  }
  func.func @transform_3(%arg0: i32) -> (i32, i32) {
    %c0_i32 = arith.constant 0 : i32
    %c0_i32_0 = arith.constant 0 : i32
    return %c0_i32, %arg0 : i32, i32
  }
}

module attributes {stable_mosaic.version = 14 : i64} {
  func.func @_wm_body(%arg0: i32, %arg1: memref<512x256xf32, #tpu.memory_space<vmem>>, %arg2: memref<4096x256xf32, #tpu.memory_space<vmem>>, %arg3: memref<512x1xf32, #tpu.memory_space<vmem>>, %arg4: memref<1x4096xf32, #tpu.memory_space<vmem>>, %arg5: memref<512x4096xbf16, #tpu.memory_space<vmem>>, %arg6: memref<1x512xf32, #tpu.memory_space<vmem>>, %arg7: memref<1x4096xf32, #tpu.memory_space<vmem>>) attributes {dimension_semantics = [#tpu.dimension_semantics<arbitrary>], iteration_bounds = array<i64: 8>, scalar_prefetch = 0 : i64, scratch_operands = 0 : i64, tpu.core_type = #tpu.core_type<tc>, window_params = [{transform_indices = @transform_0, window_bounds = array<i64: 512, 256>}, {pipeline_mode = #tpu.pipeline_mode<synchronous>, transform_indices = @transform_1, window_bounds = array<i64: 4096, 256>}, {transform_indices = @transform_2, window_bounds = array<i64: 512, 1>}, {pipeline_mode = #tpu.pipeline_mode<synchronous>, transform_indices = @transform_3, window_bounds = array<i64: 1, 4096>}, {transform_indices = @transform_4, window_bounds = array<i64: 512, 4096>}, {transform_indices = @transform_5, window_bounds = array<i64: 1, 512>}, {pipeline_mode = #tpu.pipeline_mode<synchronous>, transform_indices = @transform_6, window_bounds = array<i64: 1, 4096>}]} {
    %get3A = arith.constant 0 : index
    %get3A_0 = arith.constant 0 : index
    %get3A_1 = vector.load %arg1[%get3A, %get3A_0] : memref<512x256xf32, #tpu.memory_space<vmem>>, vector<512x256xf32>
    %get3A_2 = arith.constant 0 : index
    %get3A_3 = arith.constant 0 : index
    %get3A_4 = vector.load %arg2[%get3A_2, %get3A_3] : memref<4096x256xf32, #tpu.memory_space<vmem>>, vector<4096x256xf32>
    %mul3A = arith.mulf %get3A_1, %get3A_1 : vector<512x256xf32>
    %reduce_sum3A = arith.constant dense<0.000000e+00> : vector<512xf32>
    %reduce_sum3A_5 = vector.multi_reduction <add>, %mul3A, %reduce_sum3A [1] : vector<512x256xf32> to vector<512xf32>
    %broadcast_in_dim3A = vector.shape_cast %reduce_sum3A_5 : vector<512xf32> to vector<512x1xf32>
    %mul3A_6 = arith.mulf %get3A_4, %get3A_4 : vector<4096x256xf32>
    %reduce_sum3A_7 = arith.constant dense<0.000000e+00> : vector<4096xf32>
    %reduce_sum3A_8 = vector.multi_reduction <add>, %mul3A_6, %reduce_sum3A_7 [1] : vector<4096x256xf32> to vector<4096xf32>
    %convert_element_type3A = arith.truncf %get3A_1 : vector<512x256xf32> to vector<512x256xbf16>
    %convert_element_type3A_9 = arith.truncf %get3A_4 : vector<4096x256xf32> to vector<4096x256xbf16>
    %dot_general3A = arith.constant dense<0.000000e+00> : vector<512x4096xf32>
    %dot_general3A_10 = tpu.matmul %convert_element_type3A, %convert_element_type3A_9, %dot_general3A {dimension_numbers = #tpu.dot_dimension_numbers<[1], [1], [0], [0], [0, 0, 1, 0], [], []>, transpose_lhs_hint = false} : vector<512x256xbf16>, vector<4096x256xbf16>, vector<512x4096xf32> -> vector<512x4096xf32>
    %broadcast_in_dim3A_11 = vector.shape_cast %reduce_sum3A_8 : vector<4096xf32> to vector<1x4096xf32>
    %add3A = vector.broadcast %broadcast_in_dim3A : vector<512x1xf32> to vector<512x4096xf32>
    %add3A_12 = vector.broadcast %broadcast_in_dim3A_11 : vector<1x4096xf32> to vector<512x4096xf32>
    %add3A_13 = arith.addf %add3A, %add3A_12 : vector<512x4096xf32>
    %mul3A_14 = arith.constant 2.000000e+00 : f32
    %mul3A_15 = vector.broadcast %mul3A_14 : f32 to vector<512x4096xf32>
    %mul3A_16 = arith.mulf %mul3A_15, %dot_general3A_10 : vector<512x4096xf32>
    %sub3A = arith.subf %add3A_13, %mul3A_16 : vector<512x4096xf32>
    %max3A = arith.constant 0.000000e+00 : f32
    %max3A_17 = vector.broadcast %max3A : f32 to vector<512x4096xf32>
    %max3A_18 = arith.maximumf %sub3A, %max3A_17 : vector<512x4096xf32>
    %neg3A = arith.constant 0.000000e+00 : f32
    %neg3A_19 = vector.broadcast %neg3A : f32 to vector<512x4096xf32>
    %neg3A_20 = arith.subf %neg3A_19, %max3A_18 : vector<512x4096xf32>
    %get3A_21 = arith.constant 0 : index
    %get3A_22 = arith.constant 0 : index
    %get3A_23 = vector.load %arg3[%get3A_21, %get3A_22] : memref<512x1xf32, #tpu.memory_space<vmem>>, vector<512x1xf32>
    %get3A_24 = arith.constant 0 : index
    %get3A_25 = arith.constant 0 : index
    %get3A_26 = vector.load %arg4[%get3A_24, %get3A_25] : memref<1x4096xf32, #tpu.memory_space<vmem>>, vector<1x4096xf32>
    %mul3A_27 = vector.broadcast %get3A_23 : vector<512x1xf32> to vector<512x4096xf32>
    %mul3A_28 = vector.broadcast %get3A_26 : vector<1x4096xf32> to vector<512x4096xf32>
    %mul3A_29 = arith.mulf %mul3A_27, %mul3A_28 : vector<512x4096xf32>
    %add3A_30 = arith.constant 9.99999993E-9 : f32
    %add3A_31 = vector.broadcast %add3A_30 : f32 to vector<512x4096xf32>
    %add3A_32 = arith.addf %mul3A_29, %add3A_31 : vector<512x4096xf32>
    %div3A = arith.divf %neg3A_20, %add3A_32 : vector<512x4096xf32>
    %exp3A = math.exp %div3A : vector<512x4096xf32>
    %bitcast_convert_type3A = tpu.bitcast %exp3A : vector<512x4096xf32> -> vector<512x4096xi32>
    %broadcast_in_dim3A_33 = arith.constant 0 : i32
    %broadcast_in_dim3A_34 = vector.broadcast %broadcast_in_dim3A_33 : i32 to vector<512x1xi32>
    %broadcast_in_dim3A_35 = arith.constant 2139095040 : i32
    %broadcast_in_dim3A_36 = vector.broadcast %broadcast_in_dim3A_35 : i32 to vector<512x1xi32>
    %scan3A = arith.constant 3.100000e+01 : f32
    %scan3A_37 = arith.constant 0 : i32
    %scan3A_38 = arith.constant 31 : i32
    %scan3A_39 = arith.addi %scan3A_37, %scan3A_38 : i32
    %scan3A_40 = arith.constant 1 : i32
    %scan3A_41:2 = scf.for %scan3A_75 = %scan3A_37 to %scan3A_39 step %scan3A_40 iter_args(%scan3A_76 = %broadcast_in_dim3A_34, %scan3A_77 = %broadcast_in_dim3A_36) -> (vector<512x1xi32>, vector<512x1xi32>)  : i32 {
      %sub3A_78 = arith.subi %scan3A_77, %scan3A_76 : vector<512x1xi32>
      %shift_right_arithmetic3A = arith.constant 1 : i32
      %shift_right_arithmetic3A_79 = vector.broadcast %shift_right_arithmetic3A : i32 to vector<512x1xi32>
      %shift_right_arithmetic3A_80 = arith.shrsi %sub3A_78, %shift_right_arithmetic3A_79 : vector<512x1xi32>
      %add3A_81 = arith.addi %scan3A_76, %shift_right_arithmetic3A_80 : vector<512x1xi32>
      %ge3A_82 = vector.broadcast %add3A_81 : vector<512x1xi32> to vector<512x4096xi32>
      %ge3A_83 = arith.cmpi sge, %bitcast_convert_type3A, %ge3A_82 : vector<512x4096xi32>
      %convert_element_type3A_84 = arith.extui %ge3A_83 : vector<512x4096xi1> to vector<512x4096xi32>
      %convert_element_type3A_85 = arith.sitofp %convert_element_type3A_84 : vector<512x4096xi32> to vector<512x4096xf32>
      %reduce_sum3A_86 = arith.constant dense<0.000000e+00> : vector<512xf32>
      %reduce_sum3A_87 = vector.multi_reduction <add>, %convert_element_type3A_85, %reduce_sum3A_86 [1] : vector<512x4096xf32> to vector<512xf32>
      %broadcast_in_dim3A_88 = vector.shape_cast %reduce_sum3A_87 : vector<512xf32> to vector<512x1xf32>
      %ge3A_89 = vector.broadcast %scan3A : f32 to vector<512x1xf32>
      %ge3A_90 = arith.cmpf oge, %broadcast_in_dim3A_88, %ge3A_89 : vector<512x1xf32>
      %select_n3A = arith.select %ge3A_90, %add3A_81, %scan3A_76 : vector<512x1xi1>, vector<512x1xi32>
      %select_n3A_91 = arith.select %ge3A_90, %scan3A_77, %add3A_81 : vector<512x1xi1>, vector<512x1xi32>
      scf.yield %select_n3A, %select_n3A_91 : vector<512x1xi32>, vector<512x1xi32>
    }
    %bitcast_convert_type3A_42 = tpu.bitcast %scan3A_41#0 : vector<512x1xi32> -> vector<512x1xf32>
    %ge3A = vector.broadcast %bitcast_convert_type3A_42 : vector<512x1xf32> to vector<512x4096xf32>
    %ge3A_43 = arith.cmpf oge, %exp3A, %ge3A : vector<512x4096xf32>
    %convert_element_type3A_44 = arith.extui %ge3A_43 : vector<512x4096xi1> to vector<512x4096xi32>
    %convert_element_type3A_45 = arith.sitofp %convert_element_type3A_44 : vector<512x4096xi32> to vector<512x4096xf32>
    %mul3A_46 = arith.mulf %exp3A, %convert_element_type3A_45 : vector<512x4096xf32>
    %convert_element_type3A_47 = arith.truncf %mul3A_46 : vector<512x4096xf32> to vector<512x4096xbf16>
    %swap3A = arith.constant 0 : index
    %swap3A_48 = arith.constant 0 : index
    %swap3A_49 = vector.load %arg5[%swap3A, %swap3A_48] : memref<512x4096xbf16, #tpu.memory_space<vmem>>, vector<512x4096xbf16>
    tpu.vector_store %arg5[%swap3A, %swap3A_48], %convert_element_type3A_47 {strides = array<i32>} : memref<512x4096xbf16, #tpu.memory_space<vmem>>, vector<512x4096xbf16>,
    %reduce_sum3A_50 = arith.constant dense<0.000000e+00> : vector<512xf32>
    %reduce_sum3A_51 = vector.multi_reduction <add>, %mul3A_46, %reduce_sum3A_50 [1] : vector<512x4096xf32> to vector<512xf32>
    %broadcast_in_dim3A_52 = vector.shape_cast %reduce_sum3A_51 : vector<512xf32> to vector<512x1xf32>
    %iota3A = tpu.iota {dimensions = array<i32: 0>} : vector<512x512xi32>
    %iota3A_53 = tpu.iota {dimensions = array<i32: 1>} : vector<512x512xi32>
    %eq3A = arith.cmpi eq, %iota3A, %iota3A_53 : vector<512x512xi32>
    %convert_element_type3A_54 = arith.extui %eq3A : vector<512x512xi1> to vector<512x512xi32>
    %convert_element_type3A_55 = arith.sitofp %convert_element_type3A_54 : vector<512x512xi32> to vector<512x512xf32>
    %dot_general3A_56 = arith.constant dense<0.000000e+00> : vector<1x512xf32>
    %dot_general3A_57 = tpu.matmul %broadcast_in_dim3A_52, %convert_element_type3A_55, %dot_general3A_56 {dimension_numbers = #tpu.dot_dimension_numbers<[0], [0], [1], [1], [0, 1, 1, 1], [], []>, precision = #tpu.contract_precision<fp32>, transpose_lhs_hint = false} : vector<512x1xf32>, vector<512x512xf32>, vector<1x512xf32> -> vector<1x512xf32>
    %swap3A_58 = arith.constant 0 : index
    %swap3A_59 = arith.constant 0 : index
    %swap3A_60 = vector.load %arg6[%swap3A_58, %swap3A_59] : memref<1x512xf32, #tpu.memory_space<vmem>>, vector<1x512xf32>
    tpu.vector_store %arg6[%swap3A_58, %swap3A_59], %dot_general3A_57 {strides = array<i32>} : memref<1x512xf32, #tpu.memory_space<vmem>>, vector<1x512xf32>,
    %eq3A_61 = arith.constant 0 : i32
    %eq3A_62 = arith.cmpi eq, %arg0, %eq3A_61 : i32
    %convert_element_type3A_63 = arith.extui %eq3A_62 : i1 to i32
    %cond3A = arith.constant 0 : i32
    %cond3A_64 = arith.cmpi ne, %convert_element_type3A_63, %cond3A : i32
    scf.if %cond3A_64 {
      %broadcast_in_dim3A_75 = arith.constant 0.000000e+00 : f32
      %broadcast_in_dim3A_76 = vector.broadcast %broadcast_in_dim3A_75 : f32 to vector<1x4096xf32>
      %swap3A_77 = arith.constant 0 : index
      %swap3A_78 = arith.constant 0 : index
      %swap3A_79 = vector.load %arg7[%swap3A_77, %swap3A_78] : memref<1x4096xf32, #tpu.memory_space<vmem>>, vector<1x4096xf32>
      tpu.vector_store %arg7[%swap3A_77, %swap3A_78], %broadcast_in_dim3A_76 {strides = array<i32>} : memref<1x4096xf32, #tpu.memory_space<vmem>>, vector<1x4096xf32>,
    } else {
    }
    %get3A_65 = arith.constant 0 : index
    %get3A_66 = arith.constant 0 : index
    %get3A_67 = vector.load %arg7[%get3A_65, %get3A_66] : memref<1x4096xf32, #tpu.memory_space<vmem>>, vector<1x4096xf32>
    %reduce_sum3A_68 = arith.constant dense<0.000000e+00> : vector<4096xf32>
    %reduce_sum3A_69 = vector.multi_reduction <add>, %mul3A_46, %reduce_sum3A_68 [0] : vector<512x4096xf32> to vector<4096xf32>
    %broadcast_in_dim3A_70 = vector.shape_cast %reduce_sum3A_69 : vector<4096xf32> to vector<1x4096xf32>
    %add3A_71 = arith.addf %get3A_67, %broadcast_in_dim3A_70 : vector<1x4096xf32>
    %swap3A_72 = arith.constant 0 : index
    %swap3A_73 = arith.constant 0 : index
    %swap3A_74 = vector.load %arg7[%swap3A_72, %swap3A_73] : memref<1x4096xf32, #tpu.memory_space<vmem>>, vector<1x4096xf32>
    tpu.vector_store %arg7[%swap3A_72, %swap3A_73], %add3A_71 {strides = array<i32>} : memref<1x4096xf32, #tpu.memory_space<vmem>>, vector<1x4096xf32>,
    return
  }
  func.func @transform_0(%arg0: i32) -> (i32, i32) {
    %c0_i32 = arith.constant 0 : i32
    %c0_i32_0 = arith.constant 0 : i32
    return %arg0, %c0_i32 : i32, i32
  }
  func.func @transform_1(%arg0: i32) -> (i32, i32) {
    %c0_i32 = arith.constant 0 : i32
    %c0_i32_0 = arith.constant 0 : i32
    %c0_i32_1 = arith.constant 0 : i32
    return %c0_i32, %c0_i32_0 : i32, i32
  }
  func.func @transform_2(%arg0: i32) -> (i32, i32) {
    %c0_i32 = arith.constant 0 : i32
    %c0_i32_0 = arith.constant 0 : i32
    return %arg0, %c0_i32 : i32, i32
  }
  func.func @transform_3(%arg0: i32) -> (i32, i32) {
    %c0_i32 = arith.constant 0 : i32
    %c0_i32_0 = arith.constant 0 : i32
    %c0_i32_1 = arith.constant 0 : i32
    return %c0_i32, %c0_i32_0 : i32, i32
  }
  func.func @transform_4(%arg0: i32) -> (i32, i32) {
    %c0_i32 = arith.constant 0 : i32
    %c0_i32_0 = arith.constant 0 : i32
    return %arg0, %c0_i32 : i32, i32
  }
  func.func @transform_5(%arg0: i32) -> (i32, i32) {
    %c0_i32 = arith.constant 0 : i32
    %c0_i32_0 = arith.constant 0 : i32
    return %c0_i32, %arg0 : i32, i32
  }
  func.func @transform_6(%arg0: i32) -> (i32, i32) {
    %c0_i32 = arith.constant 0 : i32
    %c0_i32_0 = arith.constant 0 : i32
    %c0_i32_1 = arith.constant 0 : i32
    return %c0_i32, %c0_i32_0 : i32, i32
  }
}

module attributes {stable_mosaic.version = 14 : i64} {
  func.func @_prep_body(%arg0: i32, %arg1: memref<1x256xf32, #tpu.memory_space<vmem>>, %arg2: memref<1x256xf32, #tpu.memory_space<vmem>>, %arg3: memref<256x512xf32, #tpu.memory_space<vmem>>, %arg4: memref<1x256xf32, #tpu.memory_space<vmem>>, %arg5: memref<256x512xf32, #tpu.memory_space<vmem>>) attributes {dimension_semantics = [#tpu.dimension_semantics<arbitrary>], iteration_bounds = array<i64: 16>, scalar_prefetch = 0 : i64, scratch_operands = 0 : i64, tpu.core_type = #tpu.core_type<tc>, window_params = [{transform_indices = @transform_0, window_bounds = array<i64: 1, 256>}, {transform_indices = @transform_1, window_bounds = array<i64: 1, 256>}, {transform_indices = @transform_2, window_bounds = array<i64: 256, 512>}, {transform_indices = @transform_3, window_bounds = array<i64: 1, 256>}, {transform_indices = @transform_4, window_bounds = array<i64: 256, 512>}]} {
    %get3A = arith.constant 0 : index
    %get3A_0 = arith.constant 0 : index
    %get3A_1 = vector.load %arg1[%get3A, %get3A_0] : memref<1x256xf32, #tpu.memory_space<vmem>>, vector<1x256xf32>
    %get3A_2 = arith.constant 0 : index
    %get3A_3 = arith.constant 0 : index
    %get3A_4 = vector.load %arg2[%get3A_2, %get3A_3] : memref<1x256xf32, #tpu.memory_space<vmem>>, vector<1x256xf32>
    %add3A = arith.addf %get3A_1, %get3A_4 : vector<1x256xf32>
    %mul3A = arith.constant 5.000000e-01 : f32
    %mul3A_5 = vector.broadcast %mul3A : f32 to vector<1x256xf32>
    %mul3A_6 = arith.mulf %mul3A_5, %add3A : vector<1x256xf32>
    %add3A_7 = arith.constant 9.99999993E-9 : f32
    %add3A_8 = vector.broadcast %add3A_7 : f32 to vector<1x256xf32>
    %add3A_9 = arith.addf %mul3A_6, %add3A_8 : vector<1x256xf32>
    %sqrt3A = math.sqrt %add3A_9 : vector<1x256xf32>
    %div3A = arith.constant 1.000000e+00 : f32
    %div3A_10 = vector.broadcast %div3A : f32 to vector<1x256xf32>
    %div3A_11 = arith.divf %div3A_10, %sqrt3A : vector<1x256xf32>
    %swap3A = arith.constant 0 : index
    %swap3A_12 = arith.constant 0 : index
    %swap3A_13 = vector.load %arg4[%swap3A, %swap3A_12] : memref<1x256xf32, #tpu.memory_space<vmem>>, vector<1x256xf32>
    tpu.vector_store %arg4[%swap3A, %swap3A_12], %div3A_11 {strides = array<i32>} : memref<1x256xf32, #tpu.memory_space<vmem>>, vector<1x256xf32>,
    %get3A_14 = arith.constant 0 : index
    %get3A_15 = arith.constant 0 : index
    %get3A_16 = vector.load %arg3[%get3A_14, %get3A_15] : memref<256x512xf32, #tpu.memory_space<vmem>>, vector<256x512xf32>
    %iota3A = tpu.iota {dimensions = array<i32: 0>} : vector<256x256xi32>
    %iota3A_17 = tpu.iota {dimensions = array<i32: 1>} : vector<256x256xi32>
    %eq3A = arith.cmpi eq, %iota3A, %iota3A_17 : vector<256x256xi32>
    %convert_element_type3A = arith.extui %eq3A : vector<256x256xi1> to vector<256x256xi32>
    %convert_element_type3A_18 = arith.sitofp %convert_element_type3A : vector<256x256xi32> to vector<256x256xf32>
    %dot_general3A = arith.constant dense<0.000000e+00> : vector<256x1xf32>
    %dot_general3A_19 = tpu.matmul %convert_element_type3A_18, %div3A_11, %dot_general3A {dimension_numbers = #tpu.dot_dimension_numbers<[0], [1], [1], [0], [0, 1, 1, 0], [], []>, precision = #tpu.contract_precision<fp32>, transpose_lhs_hint = false} : vector<256x256xf32>, vector<1x256xf32>, vector<256x1xf32> -> vector<256x1xf32>
    %mul3A_20 = vector.broadcast %dot_general3A_19 : vector<256x1xf32> to vector<256x512xf32>
    %mul3A_21 = arith.mulf %get3A_16, %mul3A_20 : vector<256x512xf32>
    %swap3A_22 = arith.constant 0 : index
    %swap3A_23 = arith.constant 0 : index
    %swap3A_24 = vector.load %arg5[%swap3A_22, %swap3A_23] : memref<256x512xf32, #tpu.memory_space<vmem>>, vector<256x512xf32>
    tpu.vector_store %arg5[%swap3A_22, %swap3A_23], %mul3A_21 {strides = array<i32>} : memref<256x512xf32, #tpu.memory_space<vmem>>, vector<256x512xf32>,
    return
  }
  func.func @transform_0(%arg0: i32) -> (i32, i32) {
    %c0_i32 = arith.constant 0 : i32
    %c0_i32_0 = arith.constant 0 : i32
    return %c0_i32, %arg0 : i32, i32
  }
  func.func @transform_1(%arg0: i32) -> (i32, i32) {
    %c0_i32 = arith.constant 0 : i32
    %c0_i32_0 = arith.constant 0 : i32
    return %c0_i32, %arg0 : i32, i32
  }
  func.func @transform_2(%arg0: i32) -> (i32, i32) {
    %c0_i32 = arith.constant 0 : i32
    %c0_i32_0 = arith.constant 0 : i32
    return %arg0, %c0_i32 : i32, i32
  }
  func.func @transform_3(%arg0: i32) -> (i32, i32) {
    %c0_i32 = arith.constant 0 : i32
    %c0_i32_0 = arith.constant 0 : i32
    return %c0_i32, %arg0 : i32, i32
  }
  func.func @transform_4(%arg0: i32) -> (i32, i32) {
    %c0_i32 = arith.constant 0 : i32
    %c0_i32_0 = arith.constant 0 : i32
    return %arg0, %c0_i32 : i32, i32
  }
}

module attributes {stable_mosaic.version = 14 : i64} {
  func.func @_gcn1_body(%arg0: i32, %arg1: memref<256x4096xbf16, #tpu.memory_space<vmem>>, %arg2: memref<4096x256xbf16, #tpu.memory_space<vmem>>, %arg3: memref<4096x512xf32, #tpu.memory_space<vmem>>, %arg4: memref<1x256xf32, #tpu.memory_space<vmem>>, %arg5: memref<512x256xf32, #tpu.memory_space<vmem>>, %arg6: memref<256x256xf32, #tpu.memory_space<vmem>>) attributes {dimension_semantics = [#tpu.dimension_semantics<arbitrary>], iteration_bounds = array<i64: 16>, scalar_prefetch = 0 : i64, scratch_operands = 0 : i64, tpu.core_type = #tpu.core_type<tc>, window_params = [{transform_indices = @transform_0, window_bounds = array<i64: 256, 4096>}, {transform_indices = @transform_1, window_bounds = array<i64: 4096, 256>}, {pipeline_mode = #tpu.pipeline_mode<synchronous>, transform_indices = @transform_2, window_bounds = array<i64: 4096, 512>}, {transform_indices = @transform_3, window_bounds = array<i64: 1, 256>}, {pipeline_mode = #tpu.pipeline_mode<synchronous>, transform_indices = @transform_4, window_bounds = array<i64: 512, 256>}, {transform_indices = @transform_5, window_bounds = array<i64: 256, 256>}]} {
    %get3A = arith.constant 0 : index
    %get3A_0 = arith.constant 0 : index
    %get3A_1 = vector.load %arg4[%get3A, %get3A_0] : memref<1x256xf32, #tpu.memory_space<vmem>>, vector<1x256xf32>
    %iota3A = tpu.iota {dimensions = array<i32: 0>} : vector<256x256xi32>
    %iota3A_2 = tpu.iota {dimensions = array<i32: 1>} : vector<256x256xi32>
    %eq3A = arith.cmpi eq, %iota3A, %iota3A_2 : vector<256x256xi32>
    %convert_element_type3A = arith.extui %eq3A : vector<256x256xi1> to vector<256x256xi32>
    %convert_element_type3A_3 = arith.sitofp %convert_element_type3A : vector<256x256xi32> to vector<256x256xf32>
    %dot_general3A = arith.constant dense<0.000000e+00> : vector<256x1xf32>
    %dot_general3A_4 = tpu.matmul %convert_element_type3A_3, %get3A_1, %dot_general3A {dimension_numbers = #tpu.dot_dimension_numbers<[0], [1], [1], [0], [0, 1, 1, 0], [], []>, precision = #tpu.contract_precision<fp32>, transpose_lhs_hint = false} : vector<256x256xf32>, vector<1x256xf32>, vector<256x1xf32> -> vector<256x1xf32>
    %get3A_5 = arith.constant 0 : index
    %get3A_6 = arith.constant 0 : index
    %get3A_7 = vector.load %arg1[%get3A_5, %get3A_6] : memref<256x4096xbf16, #tpu.memory_space<vmem>>, vector<256x4096xbf16>
    %get3A_8 = arith.constant 0 : index
    %get3A_9 = arith.constant 0 : index
    %get3A_10 = vector.load %arg3[%get3A_8, %get3A_9] : memref<4096x512xf32, #tpu.memory_space<vmem>>, vector<4096x512xf32>
    %convert_element_type3A_11 = arith.truncf %get3A_10 : vector<4096x512xf32> to vector<4096x512xbf16>
    %dot_general3A_12 = arith.constant dense<0.000000e+00> : vector<256x512xf32>
    %dot_general3A_13 = tpu.matmul %get3A_7, %convert_element_type3A_11, %dot_general3A_12 {dimension_numbers = #tpu.dot_dimension_numbers<[1], [0], [0], [1], [0, 0, 1, 1], [], []>, transpose_lhs_hint = false} : vector<256x4096xbf16>, vector<4096x512xbf16>, vector<256x512xf32> -> vector<256x512xf32>
    %get3A_14 = arith.constant 0 : index
    %get3A_15 = arith.constant 0 : index
    %get3A_16 = vector.load %arg2[%get3A_14, %get3A_15] : memref<4096x256xbf16, #tpu.memory_space<vmem>>, vector<4096x256xbf16>
    %get3A_17 = arith.constant 0 : index
    %get3A_18 = arith.constant 0 : index
    %get3A_19 = vector.load %arg3[%get3A_17, %get3A_18] : memref<4096x512xf32, #tpu.memory_space<vmem>>, vector<4096x512xf32>
    %convert_element_type3A_20 = arith.truncf %get3A_19 : vector<4096x512xf32> to vector<4096x512xbf16>
    %dot_general3A_21 = arith.constant dense<0.000000e+00> : vector<256x512xf32>
    %dot_general3A_22 = tpu.matmul %get3A_16, %convert_element_type3A_20, %dot_general3A_21 {dimension_numbers = #tpu.dot_dimension_numbers<[0], [0], [1], [1], [0, 1, 1, 1], [], []>, transpose_lhs_hint = false} : vector<4096x256xbf16>, vector<4096x512xbf16>, vector<256x512xf32> -> vector<256x512xf32>
    %mul3A = arith.constant 5.000000e-01 : f32
    %mul3A_23 = vector.broadcast %mul3A : f32 to vector<256x1xf32>
    %mul3A_24 = arith.mulf %mul3A_23, %dot_general3A_4 : vector<256x1xf32>
    %add3A = arith.addf %dot_general3A_13, %dot_general3A_22 : vector<256x512xf32>
    %mul3A_25 = vector.broadcast %mul3A_24 : vector<256x1xf32> to vector<256x512xf32>
    %mul3A_26 = arith.mulf %mul3A_25, %add3A : vector<256x512xf32>
    %max3A = arith.constant 0.000000e+00 : f32
    %max3A_27 = vector.broadcast %max3A : f32 to vector<256x512xf32>
    %max3A_28 = arith.maximumf %mul3A_26, %max3A_27 : vector<256x512xf32>
    %get3A_29 = arith.constant 0 : index
    %get3A_30 = arith.constant 0 : index
    %get3A_31 = vector.load %arg5[%get3A_29, %get3A_30] : memref<512x256xf32, #tpu.memory_space<vmem>>, vector<512x256xf32>
    %convert_element_type3A_32 = arith.truncf %max3A_28 : vector<256x512xf32> to vector<256x512xbf16>
    %convert_element_type3A_33 = arith.truncf %get3A_31 : vector<512x256xf32> to vector<512x256xbf16>
    %dot_general3A_34 = arith.constant dense<0.000000e+00> : vector<256x256xf32>
    %dot_general3A_35 = tpu.matmul %convert_element_type3A_32, %convert_element_type3A_33, %dot_general3A_34 {dimension_numbers = #tpu.dot_dimension_numbers<[1], [0], [0], [1], [0, 0, 1, 1], [], []>, transpose_lhs_hint = false} : vector<256x512xbf16>, vector<512x256xbf16>, vector<256x256xf32> -> vector<256x256xf32>
    %mul3A_36 = vector.broadcast %dot_general3A_4 : vector<256x1xf32> to vector<256x256xf32>
    %mul3A_37 = arith.mulf %mul3A_36, %dot_general3A_35 : vector<256x256xf32>
    %swap3A = arith.constant 0 : index
    %swap3A_38 = arith.constant 0 : index
    %swap3A_39 = vector.load %arg6[%swap3A, %swap3A_38] : memref<256x256xf32, #tpu.memory_space<vmem>>, vector<256x256xf32>
    tpu.vector_store %arg6[%swap3A, %swap3A_38], %mul3A_37 {strides = array<i32>} : memref<256x256xf32, #tpu.memory_space<vmem>>, vector<256x256xf32>,
    return
  }
  func.func @transform_0(%arg0: i32) -> (i32, i32) {
    %c0_i32 = arith.constant 0 : i32
    %c0_i32_0 = arith.constant 0 : i32
    return %arg0, %c0_i32 : i32, i32
  }
  func.func @transform_1(%arg0: i32) -> (i32, i32) {
    %c0_i32 = arith.constant 0 : i32
    %c0_i32_0 = arith.constant 0 : i32
    return %c0_i32, %arg0 : i32, i32
  }
  func.func @transform_2(%arg0: i32) -> (i32, i32) {
    %c0_i32 = arith.constant 0 : i32
    %c0_i32_0 = arith.constant 0 : i32
    %c0_i32_1 = arith.constant 0 : i32
    return %c0_i32, %c0_i32_0 : i32, i32
  }
  func.func @transform_3(%arg0: i32) -> (i32, i32) {
    %c0_i32 = arith.constant 0 : i32
    %c0_i32_0 = arith.constant 0 : i32
    return %c0_i32, %arg0 : i32, i32
  }
  func.func @transform_4(%arg0: i32) -> (i32, i32) {
    %c0_i32 = arith.constant 0 : i32
    %c0_i32_0 = arith.constant 0 : i32
    %c0_i32_1 = arith.constant 0 : i32
    return %c0_i32, %c0_i32_0 : i32, i32
  }
  func.func @transform_5(%arg0: i32) -> (i32, i32) {
    %c0_i32 = arith.constant 0 : i32
    %c0_i32_0 = arith.constant 0 : i32
    return %arg0, %c0_i32 : i32, i32
  }
}

module attributes {stable_mosaic.version = 14 : i64} {
  func.func @_gcn2_body(%arg0: i32, %arg1: memref<256x4096xbf16, #tpu.memory_space<vmem>>, %arg2: memref<4096x256xbf16, #tpu.memory_space<vmem>>, %arg3: memref<4096x256xf32, #tpu.memory_space<vmem>>, %arg4: memref<1x256xf32, #tpu.memory_space<vmem>>, %arg5: memref<256x256xf32, #tpu.memory_space<vmem>>) attributes {dimension_semantics = [#tpu.dimension_semantics<arbitrary>], iteration_bounds = array<i64: 16>, scalar_prefetch = 0 : i64, scratch_operands = 0 : i64, tpu.core_type = #tpu.core_type<tc>, window_params = [{transform_indices = @transform_0, window_bounds = array<i64: 256, 4096>}, {transform_indices = @transform_1, window_bounds = array<i64: 4096, 256>}, {pipeline_mode = #tpu.pipeline_mode<synchronous>, transform_indices = @transform_2, window_bounds = array<i64: 4096, 256>}, {transform_indices = @transform_3, window_bounds = array<i64: 1, 256>}, {transform_indices = @transform_4, window_bounds = array<i64: 256, 256>}]} {
    %get3A = arith.constant 0 : index
    %get3A_0 = arith.constant 0 : index
    %get3A_1 = vector.load %arg4[%get3A, %get3A_0] : memref<1x256xf32, #tpu.memory_space<vmem>>, vector<1x256xf32>
    %iota3A = tpu.iota {dimensions = array<i32: 0>} : vector<256x256xi32>
    %iota3A_2 = tpu.iota {dimensions = array<i32: 1>} : vector<256x256xi32>
    %eq3A = arith.cmpi eq, %iota3A, %iota3A_2 : vector<256x256xi32>
    %convert_element_type3A = arith.extui %eq3A : vector<256x256xi1> to vector<256x256xi32>
    %convert_element_type3A_3 = arith.sitofp %convert_element_type3A : vector<256x256xi32> to vector<256x256xf32>
    %dot_general3A = arith.constant dense<0.000000e+00> : vector<256x1xf32>
    %dot_general3A_4 = tpu.matmul %convert_element_type3A_3, %get3A_1, %dot_general3A {dimension_numbers = #tpu.dot_dimension_numbers<[0], [1], [1], [0], [0, 1, 1, 0], [], []>, precision = #tpu.contract_precision<fp32>, transpose_lhs_hint = false} : vector<256x256xf32>, vector<1x256xf32>, vector<256x1xf32> -> vector<256x1xf32>
    %get3A_5 = arith.constant 0 : index
    %get3A_6 = arith.constant 0 : index
    %get3A_7 = vector.load %arg1[%get3A_5, %get3A_6] : memref<256x4096xbf16, #tpu.memory_space<vmem>>, vector<256x4096xbf16>
    %get3A_8 = arith.constant 0 : index
    %get3A_9 = arith.constant 0 : index
    %get3A_10 = vector.load %arg3[%get3A_8, %get3A_9] : memref<4096x256xf32, #tpu.memory_space<vmem>>, vector<4096x256xf32>
    %convert_element_type3A_11 = arith.truncf %get3A_10 : vector<4096x256xf32> to vector<4096x256xbf16>
    %dot_general3A_12 = arith.constant dense<0.000000e+00> : vector<256x256xf32>
    %dot_general3A_13 = tpu.matmul %get3A_7, %convert_element_type3A_11, %dot_general3A_12 {dimension_numbers = #tpu.dot_dimension_numbers<[1], [0], [0], [1], [0, 0, 1, 1], [], []>, transpose_lhs_hint = false} : vector<256x4096xbf16>, vector<4096x256xbf16>, vector<256x256xf32> -> vector<256x256xf32>
    %get3A_14 = arith.constant 0 : index
    %get3A_15 = arith.constant 0 : index
    %get3A_16 = vector.load %arg2[%get3A_14, %get3A_15] : memref<4096x256xbf16, #tpu.memory_space<vmem>>, vector<4096x256xbf16>
    %get3A_17 = arith.constant 0 : index
    %get3A_18 = arith.constant 0 : index
    %get3A_19 = vector.load %arg3[%get3A_17, %get3A_18] : memref<4096x256xf32, #tpu.memory_space<vmem>>, vector<4096x256xf32>
    %convert_element_type3A_20 = arith.truncf %get3A_19 : vector<4096x256xf32> to vector<4096x256xbf16>
    %dot_general3A_21 = arith.constant dense<0.000000e+00> : vector<256x256xf32>
    %dot_general3A_22 = tpu.matmul %get3A_16, %convert_element_type3A_20, %dot_general3A_21 {dimension_numbers = #tpu.dot_dimension_numbers<[0], [0], [1], [1], [0, 1, 1, 1], [], []>, transpose_lhs_hint = false} : vector<4096x256xbf16>, vector<4096x256xbf16>, vector<256x256xf32> -> vector<256x256xf32>
    %mul3A = arith.constant 5.000000e-01 : f32
    %mul3A_23 = vector.broadcast %mul3A : f32 to vector<256x1xf32>
    %mul3A_24 = arith.mulf %mul3A_23, %dot_general3A_4 : vector<256x1xf32>
    %add3A = arith.addf %dot_general3A_13, %dot_general3A_22 : vector<256x256xf32>
    %mul3A_25 = vector.broadcast %mul3A_24 : vector<256x1xf32> to vector<256x256xf32>
    %mul3A_26 = arith.mulf %mul3A_25, %add3A : vector<256x256xf32>
    %swap3A = arith.constant 0 : index
    %swap3A_27 = arith.constant 0 : index
    %swap3A_28 = vector.load %arg5[%swap3A, %swap3A_27] : memref<256x256xf32, #tpu.memory_space<vmem>>, vector<256x256xf32>
    tpu.vector_store %arg5[%swap3A, %swap3A_27], %mul3A_26 {strides = array<i32>} : memref<256x256xf32, #tpu.memory_space<vmem>>, vector<256x256xf32>,
    return
  }
  func.func @transform_0(%arg0: i32) -> (i32, i32) {
    %c0_i32 = arith.constant 0 : i32
    %c0_i32_0 = arith.constant 0 : i32
    return %arg0, %c0_i32 : i32, i32
  }
  func.func @transform_1(%arg0: i32) -> (i32, i32) {
    %c0_i32 = arith.constant 0 : i32
    %c0_i32_0 = arith.constant 0 : i32
    return %c0_i32, %arg0 : i32, i32
  }
  func.func @transform_2(%arg0: i32) -> (i32, i32) {
    %c0_i32 = arith.constant 0 : i32
    %c0_i32_0 = arith.constant 0 : i32
    %c0_i32_1 = arith.constant 0 : i32
    return %c0_i32, %c0_i32_0 : i32, i32
  }
  func.func @transform_3(%arg0: i32) -> (i32, i32) {
    %c0_i32 = arith.constant 0 : i32
    %c0_i32_0 = arith.constant 0 : i32
    return %c0_i32, %arg0 : i32, i32
  }
  func.func @transform_4(%arg0: i32) -> (i32, i32) {
    %c0_i32 = arith.constant 0 : i32
    %c0_i32_0 = arith.constant 0 : i32
    return %arg0, %c0_i32 : i32, i32
  }
}

</mosaic_0001>

<sc_bundles>
// kernel: kernel.11.cloned.1.call-start
scs
__scs_entry_jumppad:
0x0: {  	(pc) =	sbr.rel $0x88, $3  }
0x1: {  	(tag) =	ssettag $0x0;
	lr =	simm.s32 $0x1  }
0x2: {  	[smem:$0x3F96] =	sst lr;
	_ =	strace $0xD0000000  }
0x3: {  	_ = 	snop  }
0x4: {  	_ = 	snop  }
0x5: {  	_ = 	snop  }
0x6: {  	_ = 	snop  }
0x7: {  	_ = 	snop  }
__scs_overlays_trampoline_lowered:
0x8: {  	[smem:$0x3FA5] =	sst s0  }
0x9: {  	[smem:$0x3FA6] =	sst s1  }
0xa: {  	[smem:$0x3FA7] =	sst s2  }
0xb: {  	[smem:$0x3FA8] =	sst s3  }
0xc: {  	[smem:$0x3FA9] =	sst s4  }
0xd: {  	[smem:$0x3FAA] =	sst s5  }
0xe: {  	[smem:$0x3FAB] =	sst s6  }
0xf: {  	[smem:$0x3FAC] =	sst s7  }
0x10: {  	[smem:$0x3FAD] =	sst s8  }
0x11: {  	[smem:$0x3FAE] =	sst s9;
	s0 =	simm.s32 @!p0 $0x0  }
0x12: {  	s1 =	sld [smem:$0x3F94];
	s0 =	simm.s32 @p0 $0x1  }
0x13: {  	[smem:$0x3FAF] =	sst s0;
	s0 =	simm.s32 @!p1 $0x0  }
0x14: {  	s2 =	sld [smem:$0x3F93];
	s0 =	simm.s32 @p1 $0x1  }
0x15: {  	[smem:$0x3FB0] =	sst s0;
	s0 =	simm.s32 @!p2 $0x0  }
0x16: {  	s3 =	sld [smem:$0x3FDB];
	s0 =	simm.s32 @p2 $0x1  }
0x17: {  	s4 =	simm.s32 $0x1BF5;
	[smem:$0x3FB2] =	sst s0  }
0x18: {  	s0 =	sld [smem:$0x3F95];
	_ =	swait.ge [sflag:s4], $0x0  }
0x19: {  	s7 =	sld [smem:$0x3F96]  }
0x1a: {  	s8 =	sadd.s32 $0xFFFFE003, lr  }
0x1b: {  	s9 =	sadd.s32 $0xFFFFFEF7, lr;
	s5 =	simm.s32 $0xFFFFFFFF;
	p2 =	slt.u32 s8, $0xFFFFF086  }
0x1c: {  	p1 =	slt.u32 s9, $0xF7A;
	s5 =	simm.s32 @!p2 $0x0  }
0x1d: {  	s5 =	simm.s32 @p1 $0x1;
	p0 =	seq.s32 s7, s2  }
0x1e: {  	s7 =	smul.u32 @!p0 $0xF7A, s2;
	p2 =	seq.s32 @!p0 s5, $0x0  }
0x1f: {  	s9 =	smul.u32 $0xF7A, s1;
	s8 =	simm.s32 @!p0 $0x1BF5;
	p2 =	por !p2, p0  }
0x20: {  	[sflag:s8] =	ssyncset.s32 @!p0 $0xFFFFF086;
	s6 =	sadd.s32 @!p0 s3, s7;
	s7 =	simm.s32 @!p0 $0x108  }
0x21: {  	s3 =	sadd.s32 s3, s9;
	s6 =	sadd.s32 @!p0 $0x88, s6;
	s7 =	simm.s32 @p2 $0x1082  }
0x22: {  	[simem:s7], [sflag:s8] =	dma.local @!p0 [hbm:s6], $0xF7A  }
0x23: {  	s9 =	sor.u32 $0xD0000000, s2;
	s6 =	simm.s32 $0x108;
	_ =	swait.ge @!p0 [sflag:s8], $0x0  }
0x24: {  	s3 =	sadd.s32 $0x88, s3;
	s6 =	simm.s32 @!p1 $0x1082;
	[sflag:s4] =	ssyncset.s32 $0xFFFFF086  }
0x25: {  	[simem:s6], [sflag:s4] =	dma.local [hbm:s3], $0xF7A  }
0x26: {  	[smem:$0x3F96] =	sst s1;
	(tag) =	ssettag s2;
	_ =	strace s9  }
0x27: {  	s1 =	sld [smem:$0x3FA6]  }
0x28: {  	s2 =	sld [smem:$0x3FA7]  }
0x29: {  	s4 =	sld [smem:$0x3FA9]  }
0x2a: {  	p0 =	seq.s32 s5, $0x0;
	s5 =	sld [smem:$0x3FAA]  }
0x2b: {  	s6 =	sld [smem:$0x3FAB]  }
0x2c: {  	s7 =	sld [smem:$0x3FAC]  }
0x2d: {  	s3 =	simm.s32 $0x108;
	s8 =	sld [smem:$0x3FAD]  }
0x2e: {  	s3 =	simm.s32 @!p0 $0x1082;
	s9 =	sld [smem:$0x3FAE]  }
0x2f: {  	lr =	sadd.s32 s0, s3;
	s0 =	sld [smem:$0x3FA5]  }
0x30: {  	s3 =	sld [smem:$0x3FA8]  }
0x31: {  	[smem:$0x3FB1] =	sst s10  }
0x32: {  	s10 =	sld [smem:$0x3FAF];
	_ =	sdelay $0x3  }
0x33: {  	p0 =	seq.s32 s10, $0x1;
	s10 =	sld [smem:$0x3FB1];
	_ =	sdelay $0x3  }
0x34: {  	[smem:$0x3FB1] =	sst s10  }
0x35: {  	s10 =	sld [smem:$0x3FB0];
	_ =	sdelay $0x3  }
0x36: {  	p1 =	seq.s32 s10, $0x1;
	s10 =	sld [smem:$0x3FB1];
	_ =	sdelay $0x3  }
0x37: {  	[smem:$0x3FB1] =	sst s10  }
0x38: {  	s10 =	sld [smem:$0x3FB2]  }
0x39: {  	_ = 	snop;
	(pc) =	sbr.ind lr, $3  }
0x3a: {  	_ = 	snop  }
0x3b: {  	_ = 	snop  }
0x3c: {  	p2 =	seq.s32 s10, $0x1;
	s10 =	sld [smem:$0x3FB1]  }
0x3d: {  	_ =	shalt  }
0x3e: {  	_ =	shalt  }
0x3f: {  	_ =	shalt  }
0x40: {  	_ =	shalt  }
0x41: {  	_ =	shalt  }
0x42: {  	_ =	shalt  }
0x43: {  	_ =	shalt  }
0x44: {  	_ =	shalt  }
0x45: {  	_ =	shalt  }
0x46: {  	_ =	shalt  }
0x47: {  	_ =	shalt  }
0x48: {  	_ =	shalt  }
0x49: {  	_ =	shalt  }
0x4a: {  	_ =	shalt  }
0x4b: {  	_ =	shalt  }
0x4c: {  	_ =	shalt  }
0x4d: {  	_ =	shalt  }
0x4e: {  	_ =	shalt  }
0x4f: {  	_ =	shalt  }
0x50: {  	_ =	shalt  }
0x51: {  	_ =	shalt  }
0x52: {  	_ =	shalt  }
0x53: {  	_ =	shalt  }
0x54: {  	_ =	shalt  }
0x55: {  	_ =	shalt  }
0x56: {  	_ =	shalt  }
0x57: {  	_ =	shalt  }
0x58: {  	_ =	shalt  }
0x59: {  	_ =	shalt  }
0x5a: {  	_ =	shalt  }
0x5b: {  	_ =	shalt  }
0x5c: {  	_ =	shalt  }
0x5d: {  	_ =	shalt  }
0x5e: {  	_ =	shalt  }
0x5f: {  	_ =	shalt  }
0x60: {  	_ =	shalt  }
0x61: {  	_ =	shalt  }
0x62: {  	_ =	shalt  }
0x63: {  	_ =	shalt  }
0x64: {  	_ =	shalt  }
0x65: {  	_ =	shalt  }
0x66: {  	_ =	shalt  }
0x67: {  	_ =	shalt  }
0x68: {  	_ =	shalt  }
0x69: {  	_ =	shalt  }
0x6a: {  	_ =	shalt  }
0x6b: {  	_ =	shalt  }
0x6c: {  	_ =	shalt  }
0x6d: {  	_ =	shalt  }
0x6e: {  	_ =	shalt  }
0x6f: {  	_ =	shalt  }
0x70: {  	_ =	shalt  }
0x71: {  	_ =	shalt  }
0x72: {  	_ =	shalt  }
0x73: {  	_ =	shalt  }
0x74: {  	_ =	shalt  }
0x75: {  	_ =	shalt  }
0x76: {  	_ =	shalt  }
0x77: {  	_ =	shalt  }
0x78: {  	_ =	shalt  }
0x79: {  	_ =	shalt  }
0x7a: {  	_ =	shalt  }
0x7b: {  	_ =	shalt  }
0x7c: {  	_ =	shalt  }
0x7d: {  	_ =	shalt  }
0x7e: {  	_ =	shalt  }
0x7f: {  	_ =	shalt  }
0x80: {  	_ =	shalt  }
0x81: {  	_ =	shalt  }
0x82: {  	_ =	shalt  }
0x83: {  	_ =	shalt  }
0x84: {  	_ =	shalt  }
0x85: {  	_ =	shalt  }
0x86: {  	_ =	shalt  }
0x87: {  	_ =	shalt  }
.Lfunc_end0:
.L_simem_size_0:
called_computation_lowered:
.L_overlay_start_0:
0x88: {  	s2 =	sld [smem:$0x3FD9]  }
0x89: {  	s3 =	sld [smem:$0x3FFE];
	_ =	sdelay $0x1  }
0x8a: {  	s1 =	srdreg.scid  }
0x8b: {  	s0 =	sand.u32 $0x1, s1  }
0x8c: {  	s14 =	sshll.u32 s0, $0xA;
	s2 =	sadd.s32 s3, s2  }
0x8d: {  	s2 =	sadd.s32 s2, s14  }
0x8e: {  	[smem:$0x3FBD] =	sst s2  }
0x8f: {  	_ = 	snop  }
0x90: {  	s2 =	sld [smem:$0x3FD0];
	_ =	sdelay $0x2  }
0x91: {  	s15 =	simm.s32 $0xA;
	s4 =	simm.s32 $0x10  }
0x92: {  	[smem:s4], [sflag:s15] =	dma.local [hbm:s2], $0x1  }
0x93: {  	_ =	swait.eq [sflag:s15], $0x1  }
0x94: {  	[sflag:s15] =	ssyncset.done $0x0  }
0x95: {  	s16 =	sld [smem:$0x10];
	[sflag:s15] =	ssyncadd.s32 $0xFFFFFFFF  }
0x96: {  	s17 =	sld [smem:$0x12];
	(tm) =	ssettm $0x1  }
0x97: {  	s18 =	sld [smem:$0x3FFB];
	_ =	sdelay $0x3  }
0x98: {  	_ =	strace s18  }
0x99: {  	s4 =	sld [smem:$0x3FFC];
	_ =	sdelay $0x3  }
0x9a: {  	_ =	strace s4  }
0x9b: {  	s4 =	sld [smem:$0x3FFD];
	_ =	sdelay $0x3  }
0x9c: {  	_ =	strace s4  }
0x9d: {  	_ =	strace $0x8FFFFFFF  }
0x9e: {  	s19 =	sld [smem:$0x3FDB];
	_ =	sdelay $0x1  }
0x9f: {  	s5 =	simm.s32 $_scs_section_size  }
0xa0: {  	s6 =	simm.s32 $_size__tile_overlayer_lowered;
	s7 =	simm.s32 $_tile_overlayer_lowered  }
0xa1: {  	s22 =	simm.s32 $0x1BFF;
	s21 =	sshll.u32 s7, $0x1;
	s4 =	sadd.s32 s5, s19  }
0xa2: {  	s8 =	simm.s32 $0x0;
	s20 =	sshll.u32 s6, $0x1;
	s6 =	sadd.s32 s21, s4  }
0xa3: {  	[timem:s8], [sflag:s22] =	dma.local [hbm:s6], s20  }
0xa4: {  	_ =	swait.ge [sflag:s22], s20  }
0xa5: {  	s5 =	ssub.s32 $0x0, s20;
	[sflag:s22] =	ssyncset.done $0x0  }
0xa6: {  	[sflag:s22] =	ssyncadd.s32 s5;
	_ =	sdelay $0x1  }
0xa7: {  	s23 =	simm.s32 $0x1B8B  }
0xa8: {  	_ =	swait.ge [sflag:s23], $0x1  }
0xa9: {  	[sflag:s23] =	ssyncset.done $0x0  }
0xaa: {  	s25 =	simm.s32 $0x1B8E;
	s24 =	sld [smem:$0x3FFE];
	[sflag:s23] =	ssyncadd.s32 $0xFFFFFFFF  }
0xab: {  	s26 =	simm.s32 $execute0_lowered;
	[smem:$0x3FD2] =	sst s25  }
0xac: {  	s6 =	sshll.u32 s26, $0x1;
	_ =	strace $0x80000046;
	[dreg:$0x1] =	wrdreg $0xFFFFFFFF  }
0xad: {  	s28 =	simm.s32 $_size_execute0_lowered;
	s4 =	sadd.s32 s4, s6;
	[dreg:$0x0] =	wrdreg $0x0  }
0xae: {  	s6 =	sshll.u32 s28, $0x1;
	[dreg:$0x2] =	wrdreg s4  }
0xaf: {  	[dreg:$0x3] =	wrdreg s6  }
0xb0: {  	[dreg:$0x4] =	wrdreg $0xC0  }
0xb1: {  	_ =	task [dreg:s8], $0x5FFFF  }
0xb2: {  	[dreg:$0x1] =	wrdreg $0xFFFFFFFF  }
0xb3: {  	[dreg:$0x0] =	wrdreg $0x60  }
0xb4: {  	[dreg:$0x2] =	wrdreg s24  }
0xb5: {  	[dreg:$0x3] =	wrdreg s16  }
0xb6: {  	[dreg:$0x4] =	wrdreg s17  }
0xb7: {  	[dreg:$0x5] =	wrdreg $0x9  }
0xb8: {  	_ =	task.clear_ibuf [dreg:s8], $0x6FFFF;
	_ =	strace $0x90000046  }
0xb9: {  	s29 =	simm.s32 $0x9;
	_ =	strace $0x80000048  }
0xba: {  	_ =	swait.ge [sflag:s29], $0x1  }
0xbb: {  	[sflag:s29] =	ssyncadd.s32 $0xFFFFFFFF  }
0xbc: {  	_ =	strace $0x90000048  }
0xbd: {  	_ =	sfence  }
0xbe: {  	s30 =	sld [smem:$0x0];
	_ =	sdelay $0x2  }
0xbf: {  	s31 =	sshll.u32 s1, $0xD;
	s1 =	sshrl.u32 s1, $0x2  }
0xc0: {  	s3 =	sand.u32 $0x4000, s31;
	s1 =	sadd.s32 s1, s30  }
0xc1: {  	s0 =	sor.u32 s3, s0;
	s1 =	sshll.u32 s1, $0x11  }
0xc2: {  	s0 =	sor.u32 s1, s0  }
0xc3: {  	s0 =	sadd.s32 $0x8F2B, s0  }
0xc4: {  	[sflag:s0] =	ssyncadd.remote.s32 $0x1  }
0xc5: {  	_ =	sfence.sel $0xFFFF  }
0xc6: {  	[dreg:$0x0] =	wrdreg $0xFFFFFFFF;
	(pc) =	sbr.abs _section_cstart, $3  }
0xc7: {  	[dreg:$0x1] =	wrdreg $0xFFFFFFFF  }
0xc8: {  	_ =	task.clear_ibuf [dreg:s8], $0x2FFFF;
	_ =	strace $0x9FFFFFFF  }
0xc9: {  	(tm) =	ssettm $0x7FFFFFFF  }
tec
execute0_lowered:
.L_overlay_start_1:
0x0: {  	(tag) =	ssettag $0x1  }
0x1: {  	v0 =	vimm.f32 $1.600000000e+01;
	vm0 =	vcmask $0x300  }
0x2: {  	vm6 =	vcmask $0x704;
	vm1 =	vcmask $0x2724;
	vm7 =	vcmask $0x72C  }
0x3: {  	vm8 =	vcmask $0xB2C;
	vm9 =	vcmask $0xF2C;
	vm12 =	vcmask $0x132C  }
0x4: {  	vm13 =	vcmask $0x172C;
	v1 =	vimm.s32 $0x87654321;
	v2 =	vimm.s32 $0xFFEDCBA9  }
0x5: {  	vm14 =	vcmask $0x1B2C;
	vm3 =	vcmask $0x32C;
	v3 =	vimm.s32 $0x98765432  }
0x6: {  	v4 =	vimm.s32 $0xA9876543;
	vm15 =	vmmov $0x3ff;
	v5 =	vlaneseq.u32  }
0x7: {  	vm2 =	vcmask $0x2F20;
	v10 =	vimm.s32 $0xEDCBA987;
	v12 =	vimm.s32 $0xF0F0E0D  }
0x8: {  	v13 =	vimm.s32 $0xFEDCBA98;
	v14 =	vimm.s32 $0x4;
	v15 =	vimm.s32 $0x5  }
0x9: {  	v16 =	vimm.s32 $0x6;
	v17 =	vimm.s32 $0x7;
	v18 =	vimm.s32 $0x8  }
0xa: {  	v19 =	vimm.s32 $0x9;
	v20 =	vimm.s32 $0xA;
	vm5 =	vcmask $0x2B04  }
0xb: {  	v22 =	vimm.s32 $0x0;
	vm10 =	vcmask $0x1304;
	vm4 =	vcmask $0xF04  }
0xc: {  	v0 =	vsel vm0, $0x3F800000, v0;
	vm0 =	vcmask $0xB08;
	v1 =	vunpack.c.l.s4.s8 v1  }
0xd: {  	v2 =	vunpack.c.l.s4.s8 v2;
	v3 =	vunpack.c.l.s4.s8 v3;
	v4 =	vunpack.c.l.s4.s8 v4  }
0xe: {  	v10 =	vunpack.c.l.s4.s8 v10;
	v12 =	vunpack.c.0.s8.s32 v12;
	v0 =	vsel vm6, $0x40000000, v0  }
0xf: {  	v0 =	vsel vm0, $0x40400000, v0;
	vm0 =	vcmask $0xF0C;
	v1 =	vunpack.c.0.s8.s32 v1  }
0x10: {  	v11 =	vunpack.c.0.s8.s32 v2;
	v0 =	vsel vm0, $0x40800000, v0;
	vm0 =	vcmask $0x1310  }
0x11: {  	v2 =	vimm.s32 $0xFFFEDCBA;
	v0 =	vsel vm0, $0x40A00000, v0;
	vm0 =	vcmask $0x1714  }
0x12: {  	v8 =	vunpack.c.0.s8.s32 v3;
	v0 =	vsel vm0, $0x40C00000, v0;
	vm0 =	vcmask $0x1B18  }
0x13: {  	v4 =	vunpack.c.0.s8.s32 v4;
	v0 =	vsel vm0, $0x40E00000, v0;
	vm0 =	vcmask $0x1F1C  }
0x14: {  	v2 =	vunpack.c.l.s4.s8 v2;
	v0 =	vsel vm0, $0x41000000, v0;
	vm0 =	vcmask $0x2320  }
0x15: {  	v6 =	vcombine.low v1, v11;
	v1 =	vadd.s32 $0x1, v5;
	v0 =	vsel vm0, $0x41100000, v0  }
0x16: {  	v4 =	vand.u32 $0xF, v4;
	v0 =	vsel vm1, $0x41200000, v0;
	vm1 =	vcmask $0x2B28  }
0x17: {  	v7 =	vunpack.c.0.s8.s32 v2;
	v0 =	vsel vm1, $0x41300000, v0;
	vm1 =	vcmask $0x2F2C  }
0x18: {  	v3 =	vand.u32 $0xF, v6;
	v0 =	vsel vm1, $0x41400000, v0;
	vm1 =	vcmask $0x3330  }
0x19: {  	v6 =	vimm.s32 $0xBA987654;
	v0 =	vsel vm1, $0x41500000, v0;
	vm1 =	vcmask $0x3734  }
0x1a: {  	v5 =	vcombine.low v8, v7;
	v0 =	vsel vm1, $0x41600000, v0;
	vm1 =	vcmask $0x3B38  }
0x1b: {  	v7 =	vimm.s32 $0xE0D0C0B;
	v0 =	vsel vm1, $0x41700000, v0;
	vm1 =	vcmask $0x1F00  }
0x1c: {  	s3 =	rddreg [dreg:$0x0];
	v6 =	vunpack.c.l.s4.s8 v6;
	v8 =	vnsel vm1, $0xF, v4;
	v4 =	vimm.s32 $0xCBA98765  }
0x1d: {  	s0 =	rddreg [dreg:$0x1];
	s2 =	simm.s32 $0x0;
	v13 =	vunpack.c.l.s4.s8 v13;
	v7 =	vunpack.c.0.s8.s32 v7;
	v9 =	vunpack.c.l.s4.s8 v4  }
0x1e: {  	[smem:$0x7FF] =	sst s2;
	v11 =	vand.u32 $0xF, v11;
	v6 =	vunpack.c.0.s8.s32 v6;
	v4 =	vand.u32 $0xF, v5  }
0x1f: {  	s1 =	rddreg [dreg:$0x2];
	_ =	strace $0x80000047;
	v5 =	vsel vm2, v7, v8;
	v8 =	vunpack.c.0.s8.s32 v9;
	v9 =	vimm.s32 $0xDCBA9876  }
0x20: {  	s4 =	srdreg.scid;
	s5 =	stileid.u32;
	(erf) = vrcp.f32 v0;
	v7 =	vimm.s32 $0xF0E0D0C;
	v9 =	vunpack.c.l.s4.s8 v9  }
0x21: {  	s12 =	simm.s32 $0x2;
	s14 =	simm.s32 $0x14C80;
	s15 =	simm.s32 $0x80;
	v2 =	vimm.s32 $0x1;
	v6 =	vand.u32 $0xF, v6;
	v7 =	vunpack.c.0.s8.s32 v7  }
0x22: {  	s16 =	simm.s32 $0x4C00;
	s17 =	simm.s32 $0x4800;
	s18 =	simm.s32 $0x1;
	v6 =	vnsel vm1, $0xF, v6;
	v8 =	vand.u32 $0xF, v8;
	v9 =	vunpack.c.0.s8.s32 v9  }
0x23: {  	s19 =	simm.s32 $0x14C00;
	s20 =	simm.s32 $0x8C00;
	s21 =	simm.s32 $0x10C00;
	v6 =	vsel vm2, v7, v6;
	v7 =	vnsel vm1, $0xF, v8;
	v8 =	vunpack.c.0.s8.s32 v10  }
0x24: {  	s22 =	simm.s32 $0x0;
	s6 =	sand.u32 $0x1, s4;
	s5 =	sshll.u32 s5, $0x1;
	v11 =	vnsel vm1, $0xF, v11;
	v10 =	vunpack.c.0.s8.s32 v13;
	v9 =	vand.u32 $0xF, v9  }
0x25: {  	s4 =	sadd.s32 $0x12600, s3;
	s8 =	sor.u32 s6, s5;
	s5 =	sadd.s32 $0x22600, s3;
	v7 =	vsel vm2, v12, v7;
	v12 =	vand.u32 $0xF, v8;
	v9 =	vnsel vm1, $0xF, v9  }
0x26: {  	s9 =	ssub.s32 $0x2, s6;
	s6 =	sadd.s32 $0x22800, s3;
	s7 =	sshll.u32 s8, $0xB;
	v10 =	vand.u32 $0xF, v10;
	v8 =	vsel vm0, $0xE, v9;
	vm0 =	vcmask $0x3F08  }
0x27: {  	s30 =	sshrl.u32 s9, $0x1;
	s31 =	sshll.u32 s8, $0x8;
	s3 =	sadd.s32 s7, s3;
	v10 =	vnsel vm1, $0xF, v10;
	v9 =	vnsel vm1, $0xF, v12;
	vm1 =	vmneg vm0  }
0x28: {  	s11 =	ssub.s32 s9, s30;
	s7 =	sshll.u32 s8, $0x7;
	s9 =	sadd.s32 s0, s31;
	v0 =	vimm.f32 $0.0e+00;
	v13 =	vimm.s32 $0x2;
	v22 =	vsel vm1, $0xFFFFFFFF, v22  }
0x29: {  	s8 =	sadd.s32 $0x2600, s3;
	s10 =	sadd.s32 $0x22A00, s3;
	s11 =	smax.u32 s11, $0x1;
	v21 =	vpop (erf);
	v12 =	vimm.s32 $0x3;
	vm0 =	vmmov vm3;
	vm3 =	vcmask $0xB04;
	[tilespmem:$0x1FFF0] =	vst v22  }
.LBB2_1:
0x2a: {  	[tilespmem:s2], [sflag:$0x2] =	stream.linear.gather [hbm4b:s8+s2], $0x4000, $0x38;
	[tilespmem:$0x14D00] =	vst v63  }
0x2b: {  	_ =	swait.ge [sflag:s12], $0x4000  }
0x2c: {  	[sflag:s12] =	ssyncset.done $0x0  }
0x2d: {  	s0 =	simm.s32 $0x4000;
	[sflag:s12] =	ssyncadd.s32 $0xFFFFC000  }
0x2e: {  	[tilespmem:s0], [sflag:$0x2] =	stream.linear.gather [hbm4b:s9+s2], $0x800, $0x38;
	[tilespmem:$0x14D00] =	vst v63  }
0x2f: {  	_ =	swait.ge [sflag:s12], $0x800  }
0x30: {  	[sflag:s12] =	ssyncset.done $0x0  }
0x31: {  	[sflag:s12] =	ssyncadd.s32 $0xFFFFF800  }
0x32: {  	[tilespmem:s14], [sflag:$0x2] =	stream.linear.gather [hbm4b:s5+s2], $0x80, $0x38;
	[tilespmem:$0x14D00] =	vst v63  }
0x33: {  	_ =	swait.ge [sflag:s12], $0x80  }
0x34: {  	[sflag:s12] =	ssyncset.done $0x0  }
0x35: {  	s31 =	simm.s32 $0x0;
	[sflag:s12] =	ssyncadd.s32 $0xFFFFFF80  }
0x36: {  	v22 =	vld [tilespmem:$0x14C80];
	[tilespmem:s14], [sflag:$0x2] =	stream.linear.gather [hbm4b:s6+s2], $0x80, $0x38  }
0x37: {  	s3 =	sand.u32 $0x7C00, s2;
	s0 =	sand.u32 $0x380, s31;
	_ =	swait.ge [sflag:s12], $0x80  }
0x38: {  	s23 =	sand.u32 $0x70, s2;
	s0 =	sor.u32 s0, s3;
	[sflag:s12] =	ssyncset.done $0x0  }
0x39: {  	s3 =	sor.u32 s23, s0;
	[sflag:s12] =	ssyncadd.s32 $0xFFFFFF80  }
0x3a: {  	s0 =	simm.s32 $0x1;
	s23 =	simm.s32 $0x0;
	v23 =	vld [tilespmem:$0x14C80];
	[tilespmem:s3+$0x8C00] =	vst v0;
	s3 =	simm.s32 $0x80  }
.LBB2_2:
0x3b: {  	s24 =	sshrl.u32 s0, $0x1  }
0x3c: {  	p0 =	seq.s32 s0, $0x7FF;
	s0 =	sadd.s32 $0x1, s0;
	s25 =	sand.u32 $0x7C00, s3  }
.Ltmp0:
0x3d: {  	s23 =	sadd.s32 $0x10, s23;
	s24 =	sand.u32 $0x380, s24;
	(pc) =	sbr.rel @!p0 .LBB2_2-.Ltmp0, $4  }
0x3e: {  	s26 =	sand.u32 $0x70, s23;
	s24 =	sor.u32 s24, s25  }
0x3f: {  	s24 =	sor.u32 s26, s24  }
0x40: {  	[tilespmem:s24+$0x8C00] =	vst v0  }
0x41: {  	s3 =	sadd.s32 $0x80, s3  }
0x42: {  	v23 =	vadd.f32 v23, v23;
	_ =	sdelay $0x1  }
0x43: {  	(erf) = vrcp.f32 v23;
	_ =	sdelay $0x7  }
0x44: {  	s23 =	simm.s32 $0x0  }
0x45: {  	s24 =	simm.s32 $0x10C20;
	s0 =	simm.s32 $0x0;
	s26 =	simm.s32 $0x0;
	v23 =	vpop (erf)  }
.LBB2_4:
0x46: {  	s3 =	sshll.u32 s26, $0x7;
	s25 =	sshll.u32 s26, $0x3  }
0x47: {  	s3 =	sand.u32 $0x3FFFFF80, s3;
	s28 =	sadd.s32 s7, s25  }
0x48: {  	s3 =	sadd.s32 $0x4000, s3;
	s25 =	sshll.u32 s28, $0x4  }
0x49: {  	[tilespmem:s16], [sflag:$0x1] =	stream.indirect.gather [hbm4b:s4+s15], $0x80, s3, s15, $0xb8;
	[tilespmem:$0x14D00] =	vst v63  }
0x4a: {  	s3 =	sadd.s32 s4, s25  }
0x4b: {  	[tilespmem:s17], [sflag:$0x2] =	stream.linear.gather [hbm4b:s3+s23], $0x400, $0x38;
	[tilespmem:$0x14D00] =	vst v63  }
0x4c: {  	_ =	swait.ge [sflag:s12], $0x400  }
0x4d: {  	[sflag:s12] =	ssyncset.done $0x0  }
0x4e: {  	[sflag:s12] =	ssyncadd.s32 $0xFFFFFC00  }
0x4f: {  	s29 =	simm.s32 $0x4820;
	_ =	swait.ge [sflag:s18], $0x4000  }
0x50: {  	s30 =	simm.s32 $0x4EC0;
	s31 =	smov.u32 s24;
	[sflag:s18] =	ssyncset.done $0x0  }
0x51: {  	s25 =	smov.u32 s0;
	s3 =	simm.s32 $0x0;
	[sflag:s18] =	ssyncadd.s32 $0xFFFFC000  }
.LBB2_5:
0x52: {  	v28 =	vld [tilespmem:s30+$0xFFFFFDC0]  }
0x53: {  	v26 =	vld [tilespmem:s29+$0xFFFFFFE0]  }
0x54: {  	v29 =	vld [tilespmem:s30+$0xFFFFFDD0]  }
0x55: {  	v27 =	vld [tilespmem:s29+$0xFFFFFFF0]  }
0x56: {  	v30 =	vld [tilespmem:s30+$0xFFFFFDE0]  }
0x57: {  	v25 =	vld [tilespmem:s29+$0x0]  }
0x58: {  	v31 =	vld [tilespmem:s30+$0xFFFFFE40]  }
0x59: {  	v32 =	vld [tilespmem:s30+$0xFFFFFE50]  }
0x5a: {  	v33 =	vld [tilespmem:s30+$0xFFFFFDF0]  }
0x5b: {  	v34 =	vld [tilespmem:s30+$0xFFFFFE60]  }
0x5c: {  	v24 =	vld [tilespmem:s29+$0x10]  }
0x5d: {  	v35 =	vld [tilespmem:s30+$0xFFFFFE70]  }
0x5e: {  	v36 =	vld [tilespmem:s30+$0xFFFFFEC0]  }
0x5f: {  	v37 =	vld [tilespmem:s30+$0xFFFFFED0]  }
0x60: {  	v38 =	vld [tilespmem:s30+$0xFFFFFF40]  }
0x61: {  	v53 =	vld [tilespmem:s30+$0xFFFFFF60]  }
0x62: {  	v55 =	vld [tilespmem:s30+$0xFFFFFEF0];
	v28 =	vsub.f32 v28, v26  }
0x63: {  	v39 =	vld [tilespmem:s30+$0xFFFFFF70];
	v29 =	vsub.f32 v29, v27;
	v31 =	vsub.f32 v31, v26  }
0x64: {  	v40 =	vld [tilespmem:s30+$0xFFFFFFC0];
	v32 =	vsub.f32 v32, v27;
	v30 =	vsub.f32 v30, v25  }
0x65: {  	v61 =	vld [tilespmem:s30+$0x60];
	v34 =	vsub.f32 v34, v25;
	v52 =	vsub.f32 v33, v24  }
0x66: {  	v43 =	vld [tilespmem:s30+$0xD0];
	v54 =	vsub.f32 v35, v24;
	v36 =	vsub.f32 v36, v26  }
0x67: {  	v49 =	vld [tilespmem:s30+$0xFFFFFF50];
	v37 =	vsub.f32 v37, v27;
	v38 =	vsub.f32 v38, v26  }
0x68: {  	v51 =	vld [tilespmem:s30+$0xFFFFFEE0];
	v33 =	vsub.f32 v53, v25;
	v60 =	vsub.f32 v55, v24  }
0x69: {  	v59 =	vld [tilespmem:s30+$0xFFFFFFE0];
	v62 =	vsub.f32 v39, v24;
	v47 =	vsub.f32 v40, v26  }
0x6a: {  	v35 =	vsub.f32 v61, v25;
	v28 =	vmul.f32 v28, v28;
	v29 =	vmul.f32 v29, v29  }
0x6b: {  	v61 =	vsub.f32 v43, v27;
	v31 =	vmul.f32 v31, v31;
	v32 =	vmul.f32 v32, v32  }
0x6c: {  	v57 =	vld [tilespmem:s30+$0x50];
	v48 =	vmul.f32 v30, v30;
	v50 =	vmul.f32 v34, v34;
	v30 =	vsub.f32 v49, v27  }
0x6d: {  	v41 =	vld [tilespmem:s30+$0xFFFFFFD0];
	v36 =	vmul.f32 v36, v36;
	v37 =	vmul.f32 v37, v37;
	v34 =	vsub.f32 v51, v25  }
0x6e: {  	v42 =	vld [tilespmem:s30+$0x40];
	v38 =	vmul.f32 v38, v38;
	v58 =	vmul.f32 v33, v33;
	v33 =	vsub.f32 v59, v25  }
0x6f: {  	v63 =	vld [tilespmem:s30+$0xFFFFFFF0];
	v35 =	vmul.f32 v35, v35;
	v28 =	vadd.f32 v29, v28;
	v31 =	vadd.f32 v32, v31  }
0x70: {  	v44 =	vld [tilespmem:s30+$0x140];
	v29 =	vmul.f32 v52, v52;
	v30 =	vmul.f32 v30, v30;
	v56 =	vadd.f32 v37, v36  }
0x71: {  	v49 =	vld [tilespmem:s30+$0x70];
	v32 =	vmul.f32 v54, v54;
	v36 =	vsub.f32 v57, v27;
	v28 =	vadd.f32 v48, v28  }
0x72: {  	v51 =	vld [tilespmem:s30+$0xC0];
	v34 =	vmul.f32 v34, v34;
	v31 =	vadd.f32 v50, v31;
	v30 =	vadd.f32 v30, v38  }
0x73: {  	v57 =	vld [tilespmem:s30+$0x160];
	v48 =	vsub.f32 v41, v27;
	v50 =	vsub.f32 v42, v26;
	v38 =	vmul.f32 v47, v47  }
0x74: {  	v45 =	vld [tilespmem:s30+$0x1D0];
	v36 =	vmul.f32 v36, v36;
	v28 =	vadd.f32 v29, v28;
	v31 =	vadd.f32 v32, v31  }
0x75: {  	v53 =	vld [tilespmem:s30+$0x150];
	v29 =	vadd.f32 v34, v56;
	v30 =	vadd.f32 v58, v30;
	v34 =	vmul.f32 v60, v60  }
0x76: {  	v55 =	vld [tilespmem:s30+$0xE0];
	v32 =	vmul.f32 v62, v62;
	v56 =	vsub.f32 v63, v24;
	v58 =	vsub.f32 v49, v24  }
0x77: {  	v59 =	vld [tilespmem:s30+$0xF0];
	v39 =	vmul.f32 v48, v48;
	v60 =	vsub.f32 v51, v26;
	v63 =	vsub.f32 v44, v26  }
0x78: {  	v46 =	vld [tilespmem:s30+$0x240];
	v41 =	vmul.f32 v50, v50;
	v37 =	vsub.f32 v57, v25;
	v29 =	vadd.f32 v34, v29  }
0x79: {  	v33 =	vmul.f32 v33, v33;
	v62 =	vld [tilespmem:s30+$0x170];
	v52 =	vadd.f32 v39, v38;
	v30 =	vadd.f32 v32, v30  }
0x7a: {  	v48 =	vld [tilespmem:s30+$0x1C0];
	v54 =	vadd.f32 v36, v41;
	v34 =	vmul.f32 v56, v56;
	v38 =	vsub.f32 v53, v27  }
0x7b: {  	v50 =	vld [tilespmem:s30+$0x250];
	v40 =	vmul.f32 v60, v60;
	v41 =	vmul.f32 v61, v61;
	v36 =	vsub.f32 v55, v25  }
0x7c: {  	v43 =	vmul.f32 v63, v63;
	v53 =	vsub.f32 v59, v24;
	v56 =	vld [tilespmem:s30+$0x1F0];
	v33 =	vadd.f32 v33, v52  }
0x7d: {  	v59 =	vld [tilespmem:s30+$0x270];
	v37 =	vmul.f32 v37, v37;
	v32 =	vadd.f32 v35, v54;
	v49 =	vadd.f32 v41, v40  }
0x7e: {  	v35 =	vmul.f32 v58, v58;
	v52 =	vld [tilespmem:s30+$0x1E0];
	v58 =	vsub.f32 v45, v27;
	v55 =	vsub.f32 v62, v24  }
0x7f: {  	v36 =	vmul.f32 v36, v36;
	v54 =	vld [tilespmem:s30+$0x260];
	v57 =	vsub.f32 v48, v26;
	v26 =	vsub.f32 v46, v26  }
0x80: {  	v38 =	vmul.f32 v38, v38;
	v27 =	vsub.f32 v50, v27;
	v33 =	vadd.f32 v34, v33  }
0x81: {  	v32 =	vadd.f32 v35, v32;
	v34 =	vadd.f32 v36, v49;
	v36 =	vmul.f32 v53, v53  }
0x82: {  	v51 =	vadd.f32 v38, v43;
	v61 =	vmul.f32 v58, v58;
	v60 =	vmul.f32 v57, v57  }
0x83: {  	(xrf2) =	vadd.scan.msk.f32 $0xffff, v28;
	v26 =	vmul.f32 v26, v26;
	v63 =	vsub.f32 v56, v24;
	v38 =	vsub.f32 v52, v25  }
0x84: {  	(xrf2) =	vadd.scan.msk.f32 $0xffff, v31;
	v27 =	vmul.f32 v27, v27;
	v24 =	vsub.f32 v59, v24;
	v25 =	vsub.f32 v54, v25  }
0x85: {  	(xrf2) =	vadd.scan.msk.f32 $0xffff, v29;
	v35 =	vadd.f32 v37, v51;
	v28 =	vadd.f32 v61, v60;
	v62 =	vmul.f32 v38, v38  }
0x86: {  	(xrf2) =	vadd.scan.msk.f32 $0xffff, v30;
	v37 =	vmul.f32 v55, v55;
	v26 =	vadd.f32 v27, v26;
	v25 =	vmul.f32 v25, v25  }
0x87: {  	(xrf2) =	vadd.scan.msk.f32 $0xffff, v33;
	v34 =	vadd.f32 v36, v34;
	v36 =	vmul.f32 v63, v63;
	v28 =	vadd.f32 v62, v28  }
0x88: {  	(xrf2) =	vadd.scan.msk.f32 $0xffff, v32;
	v24 =	vmul.f32 v24, v24;
	v37 =	vadd.f32 v37, v35;
	v25 =	vadd.f32 v25, v26  }
0x89: {  	(xrf2) =	vadd.scan.msk.f32 $0xffff, v34;
	v38 =	vadd.f32 v36, v28  }
0x8a: {  	(xrf2) =	vadd.scan.msk.f32 $0xffff, v37;
	v24 =	vadd.f32 v24, v25  }
0x8b: {  	(xrf2) =	vadd.scan.msk.f32 $0xffff, v38  }
0x8c: {  	(xrf2) =	vadd.scan.msk.f32 $0xffff, v24  }
0x8d: {  	v39, _, _ =	vpop (xrf2)  }
0x8e: {  	v40, _, _ =	vpop (xrf2);
	v24 =	vbroadcast v39, $0xF  }
0x8f: {  	v41, _, _ =	vpop (xrf2);
	v25 =	vbroadcast v40, $0xF  }
0x90: {  	v42, _, _ =	vpop (xrf2);
	v26 =	vbroadcast v41, $0xF;
	v24 =	vnsel vm6, $0x0, v24  }
0x91: {  	v44 =	vbroadcast v42, $0xF;
	v43, _, _ =	vpop (xrf2);
	v24 =	vsel vm7, v24, v25  }
0x92: {  	v45, _, _ =	vpop (xrf2);
	v46 =	vbroadcast v43, $0xF;
	v24 =	vsel vm8, v24, v26  }
0x93: {  	v47, _, _ =	vpop (xrf2);
	v48 =	vbroadcast v45, $0xF;
	v24 =	vsel vm9, v24, v44  }
0x94: {  	v50 =	vbroadcast v47, $0xF;
	v49, _, _ =	vpop (xrf2);
	v24 =	vsel vm12, v24, v46  }
0x95: {  	v52 =	vbroadcast v49, $0xF;
	v24 =	vsel vm13, v24, v48;
	v51, _, _ =	vpop (xrf2)  }
0x96: {  	vm1 =	vcmask $0x1F2C;
	v24 =	vsel vm14, v24, v50;
	v53 =	vbroadcast v51, $0xF;
	v54, _, _ =	vpop (xrf2)  }
0x97: {  	v24 =	vsel vm1, v24, v52;
	vm1 =	vcmask $0x232C;
	v55 =	vbroadcast v54, $0xF  }
0x98: {  	v24 =	vsel vm1, v24, v53;
	vm1 =	vcmask $0x272C  }
0x99: {  	v24 =	vsel vm1, v24, v55  }
0x9a: {  	v25 =	vmul.f32 $4.096000000e+03, v24  }
0x9b: {  	v24 =	vadd.f32 $9.999999930e-09, v24  }
0x9c: {  	v25 =	vadd.f32 $9.999999960e-13, v25  }
0x9d: {  	v56 =	vshra.s32 v24, $0x1;
	v57 =	vmul.f32 $5.000000000e-01, v24  }
0x9e: {  	v26 =	vsub.s32 $0x5F3759DF, v56;
	v58 =	vshra.s32 v25, $0x1;
	v59 =	vmul.f32 $5.000000000e-01, v25  }
0x9f: {  	v60 =	vmul.f32 v26, v57;
	v28 =	vsub.s32 $0x5F3759DF, v58  }
0xa0: {  	v61 =	vmul.f32 v28, v59  }
0xa1: {  	v30 =	vmul.f32 v26, v60  }
0xa2: {  	v31 =	vmul.f32 v28, v61  }
0xa3: {  	v30 =	vsub.f32 $1.500000000e+00, v30  }
0xa4: {  	v31 =	vsub.f32 $1.500000000e+00, v31  }
0xa5: {  	v26 =	vmul.f32 v26, v30  }
0xa6: {  	v28 =	vmul.f32 v28, v31  }
0xa7: {  	v30 =	vmul.f32 v26, v57  }
0xa8: {  	v31 =	vmul.f32 v28, v59  }
0xa9: {  	v30 =	vmul.f32 v30, v26  }
0xaa: {  	v31 =	vmul.f32 v31, v28  }
0xab: {  	v30 =	vsub.f32 $1.500000000e+00, v30  }
0xac: {  	v31 =	vsub.f32 $1.500000000e+00, v31  }
0xad: {  	v26 =	vmul.f32 v30, v26  }
0xae: {  	v28 =	vmul.f32 v31, v28  }
0xaf: {  	v27 =	vmul.f32 v26, v57  }
0xb0: {  	v29 =	vmul.f32 v28, v59  }
0xb1: {  	v27 =	vmul.f32 v27, v26  }
0xb2: {  	v29 =	vmul.f32 v29, v28  }
0xb3: {  	v27 =	vsub.f32 $1.500000000e+00, v27  }
0xb4: {  	v29 =	vsub.f32 $1.500000000e+00, v29  }
0xb5: {  	v26 =	vmul.f32 v27, v26  }
0xb6: {  	v62 =	vmul.f32 v29, v28  }
0xb7: {  	v26 =	vmul.f32 v26, v24  }
0xb8: {  	v27 =	vmul.f32 v62, v25  }
0xb9: {  	(erf) = vrcp.f32 v26  }
0xba: {  	(erf) = vrcp.f32 v27;
	_ =	sdelay $0x7  }
0xbb: {  	v63 =	vpop (erf)  }
0xbc: {  	v32 =	vpop (erf)  }
0xbd: {  	v25 =	vmul.f32 v32, v25;
	_ =	sdelay $0x1  }
0xbe: {  	v24 =	vmul.f32 v63, v24;
	v25 =	vadd.f32 v25, v27;
	_ =	sdelay $0x1  }
0xbf: {  	v24 =	vadd.f32 v24, v26;
	v25 =	vmul.f32 $5.000000000e-01, v25;
	_ =	sdelay $0x1  }
0xc0: {  	v24 =	vmul.f32 $5.000000000e-01, v24;
	v25 =	vmul.f32 v25, v22;
	_ =	sdelay $0x1  }
0xc1: {  	v24 =	vadd.f32 v25, v24;
	_ =	sdelay $0x1  }
0xc2: {  	v24 =	vsub.f32 $0.0e+00, v24;
	_ =	sdelay $0x1  }
0xc3: {  	v24 =	vmul.f32 v24, v23;
	_ =	sdelay $0x1  }
0xc4: {  	v33 =	vsel vm0, $0xFF61B1E6, v24  }
0xc5: {  	(xrf1) =	vsort.dscd.msk.f32 $0xffff, v33, v33;
	_ =	sdelay $0xd  }
0xc6: {  	v25, _, _ =	vpop (xrf1)  }
0xc7: {  	(xrf2) =	vadd.scan.msk.f32 $0xffff, v25;
	_ =	sdelay $0x9  }
0xc8: {  	v34, _, _ =	vpop (xrf2)  }
0xc9: {  	v35 =	vsub.f32 $1.000000000e+00, v34;
	_ =	sdelay $0x1  }
0xca: {  	v27 =	vmul.f32 v35, v21;
	_ =	sdelay $0x1  }
0xcb: {  	v25 =	vadd.f32 v27, v25  }
0xcc: {  	vm2 =	vmmov vm14  }
0xcd: {  	vm14 =	vmmov vm9;
	vm9 =	vmmov vm6;
	vm6 =	vgt.f32 v25, $0.0e+00  }
0xce: {  	vm6 =	vmand vm6, vm15  }
0xcf: {  	v36 =	vmpcnt.ones.xlane vm6;
	_ =	sdelay $0x1  }
0xd0: {  	vm6 =	veq.s32 v36, v1  }
0xd1: {  	v26 =	vnsel vm6, $0x0, v34  }
0xd2: {  	(xrf2) =	vadd.scan.msk.f32 $0xffff, v26;
	_ =	sdelay $0x3  }
0xd3: {  	v37 =	vld [tilespmem:s25+$0x0];
	_ =	sdelay $0x4  }
0xd4: {  	[tilespmem:$0x14C00] =	vst v37  }
0xd5: {  	v38 =	vld.idx.msk [tilespmem:v3+s19+$0x0], $0xffff;
	v26, _, _ =	vpop (xrf2)  }
0xd6: {  	v39 =	vld.idx.msk [tilespmem:v4+s19+$0x0], $0xffff;
	(v2sf) =	vpush v26, $0xF;
	_ =	sdelay $0x2  }
0xd7: {  	vm11 =	vmmov vm0;
	v40 =	vld.idx.msk [tilespmem:v5+s19+$0x0], $0xffff  }
0xd8: {  	vm1 =	vcmask $0x2704;
	vm0 =	vmmov vm12;
	v25 =	vcvt.s32.f32 v36  }
0xd9: {  	v41 =	vld.idx.msk [tilespmem:v6+s19+$0x0], $0xffff;
	vm12 =	vmmov vm7;
	vm7 =	veq.s32 v37, v39;
	vm6 =	veq.s32 v37, v38  }
0xda: {  	(erf) = vrcp.f32 v25;
	vm6 =	vmand vm6, vm1;
	vm1 =	vcmask $0x2304  }
0xdb: {  	v42 =	vld.idx.msk [tilespmem:v7+s19+$0x0], $0xffff;
	vm7 =	vmand vm7, vm1;
	vm1 =	vmmov vm13;
	vm13 =	vmmov vm8  }
0xdc: {  	vm8 =	veq.s32 v37, v40;
	vm6 =	vmor vm6, vm7;
	vm7 =	vcmask $0x1F04  }
0xdd: {  	v44 =	vld.idx.msk [tilespmem:v8+s19+$0x0], $0xffff;
	vm7 =	vmand vm8, vm7  }
0xde: {  	v45 =	vld.idx.msk [tilespmem:v9+s19+$0x0], $0xffff;
	vm8 =	veq.s32 v37, v41;
	vm6 =	vmor vm6, vm7;
	vm7 =	vcmask $0x1B04  }
0xdf: {  	v47 =	vmov s3;
	v50 =	vand.u32 $0x7F, v37;
	vm7 =	vmand vm8, vm7  }
0xe0: {  	v46 =	vld.idx.msk [tilespmem:v10+s19+$0x0], $0xffff;
	vm8 =	veq.s32 v37, v42;
	vm6 =	vmor vm6, vm7;
	vm7 =	vcmask $0x1704  }
0xe1: {  	v48 =	vld.idx.msk [tilespmem:v11+s19+$0x0], $0xffff;
	v51 =	vshll.u32 v37, $0x3;
	v29 =	vshll.u32 v47, $0x7;
	vm7 =	vmand vm8, vm7  }
0xe2: {  	v54 =	vld [tilespmem:$0x1FFF0];
	v49 =	vand.u32 $0x380, v29;
	vm6 =	vmor vm6, vm7;
	vm7 =	veq.s32 v37, v44  }
0xe3: {  	v27 =	vbroadcast v49, $0x0;
	vm8 =	veq.s32 v37, v45;
	vm7 =	vmand vm7, vm10;
	s13 =	spop (v2sf)  }
0xe4: {  	v52 =	vand.u32 $0xFFFFFC00, v51;
	vm6 =	vmor vm6, vm7;
	vm7 =	vmand vm8, vm4;
	s13 =	sadd.f32 $-1.000000000e+00, s13  }
0xe5: {  	v27 =	vor.u32 v27, v50;
	v43 =	vpop (erf);
	vm6 =	vmor vm6, vm7;
	vm7 =	veq.s32 v37, v46  }
0xe6: {  	v53 =	vor.u32 v52, v27;
	vm7 =	vmand vm7, vm3;
	v31 =	vmul.f32 s13, v43  }
0xe7: {  	vm8 =	veq.s32 v37, v48;
	vm6 =	vmor vm6, vm7;
	vm7 =	vnez.u8 v54  }
0xe8: {  	vm7 =	vmand vm8, vm7;
	v24 =	vsub.f32 v24, v31  }
0xe9: {  	vm6 =	vmor vm6, vm7  }
0xea: {  	vm6 =	vmneg vm6;
	v24 =	vmax.f32 v24, $0.0e+00  }
0xeb: {  	vm6 =	vmand vm6, vm5;
	v24 =	vsel vm11, $0x0, v24  }
0xec: {  	v55 =	vnsel vm6, $0x0, v24;
	[tilespmem:v53+s20+$0x0] =	vst.idx.msk vm5, v24  }
0xed: {  	[tilespmem:$0x14C00] =	vst v55  }
0xee: {  	v24 =	vld.idx.msk [tilespmem:v2+s19+$0x0], $0xffff  }
0xef: {  	v25 =	vld [tilespmem:s30+$0xFFFFFE00]  }
0xf0: {  	v26 =	vld [tilespmem:s30+$0xFFFFFE10]  }
0xf1: {  	v27 =	vld [tilespmem:s30+$0xFFFFFE20]  }
0xf2: {  	v28 =	vld [tilespmem:s30+$0xFFFFFE30]  }
0xf3: {  	v29 =	vld.idx.msk [tilespmem:v13+s19+$0x0], $0xffff  }
0xf4: {  	v30 =	vld [tilespmem:s30+$0xFFFFFE80]  }
0xf5: {  	v56 =	vld [tilespmem:s30+$0xFFFFFE90]  }
0xf6: {  	v32 =	vld [tilespmem:s30+$0xFFFFFEA0]  }
0xf7: {  	v33 =	vld [tilespmem:s30+$0xFFFFFEB0]  }
0xf8: {  	v34 =	vld.idx.msk [tilespmem:v12+s19+$0x0], $0xffff  }
0xf9: {  	v61 =	vld [tilespmem:s30+$0xFFFFFF00]  }
0xfa: {  	v62 =	vld [tilespmem:s30+$0xFFFFFF10]  }
0xfb: {  	v63 =	vld [tilespmem:s30+$0xFFFFFF20]  }
0xfc: {  	v38 =	vld [tilespmem:s30+$0xFFFFFF30]  }
0xfd: {  	v39 =	vld.idx.msk [tilespmem:v14+s19+$0x0], $0xffff  }
0xfe: {  	v40 =	vld [tilespmem:s30+$0xFFFFFF80]  }
0xff: {  	v41 =	vld [tilespmem:s30+$0xFFFFFF90]  }
0x100: {  	v42 =	vld [tilespmem:s30+$0xFFFFFFA0]  }
0x101: {  	v57 =	vld [tilespmem:s30+$0xFFFFFFB0]  }
0x102: {  	v58 =	vld.idx.msk [tilespmem:v15+s19+$0x0], $0xffff  }
0x103: {  	v59 =	vld [tilespmem:s30+$0x0]  }
0x104: {  	v60 =	vld [tilespmem:s30+$0x10]  }
0x105: {  	v47 =	vld [tilespmem:s30+$0x20]  }
0x106: {  	v48 =	vld [tilespmem:s30+$0x30]  }
0x107: {  	v49 =	vld.idx.msk [tilespmem:v16+s19+$0x0], $0xffff  }
0x108: {  	v50 =	vld [tilespmem:s30+$0x80];
	v25 =	vmul.f32 v24, v25;
	v26 =	vmul.f32 v24, v26  }
0x109: {  	v51 =	vld [tilespmem:s30+$0x90];
	v27 =	vmul.f32 v24, v27;
	v24 =	vmul.f32 v24, v28  }
0x10a: {  	v52 =	vld [tilespmem:s30+$0xA0];
	v30 =	vmul.f32 v29, v30;
	v31 =	vmul.f32 v29, v56  }
0x10b: {  	v53 =	vld [tilespmem:s30+$0xB0];
	v32 =	vmul.f32 v29, v32;
	v29 =	vmul.f32 v29, v33  }
0x10c: {  	v54 =	vld [tilespmem:s30+$0x100];
	v61 =	vmul.f32 v34, v61;
	v62 =	vmul.f32 v34, v62  }
0x10d: {  	v35 =	vld.idx.msk [tilespmem:v18+s19+$0x0], $0xffff;
	v63 =	vmul.f32 v34, v63;
	v34 =	vmul.f32 v34, v38  }
0x10e: {  	v37 =	vld [tilespmem:s30+$0x180];
	v45 =	vmul.f32 v58, v59;
	v46 =	vmul.f32 v58, v60  }
0x10f: {  	v28 =	vld.idx.msk [tilespmem:v17+s19+$0x0], $0xffff;
	v47 =	vmul.f32 v58, v47;
	v55 =	vmul.f32 v58, v48  }
0x110: {  	v33 =	vld [tilespmem:s30+$0x110];
	v56 =	vmul.f32 v49, v50;
	v58 =	vmul.f32 v49, v51  }
0x111: {  	v59 =	vmul.f32 v49, v52;
	v60 =	vmul.f32 v49, v53;
	v49 =	vld.idx.msk [tilespmem:v20+s19+$0x0], $0xffff;
	v25 =	vadd.f32 $0.0e+00, v25  }
0x112: {  	v40 =	vmul.f32 v39, v40;
	v41 =	vmul.f32 v39, v41;
	v50 =	vld [tilespmem:s30+$0x280];
	v26 =	vadd.f32 $0.0e+00, v26  }
0x113: {  	v36 =	vld [tilespmem:s30+$0x1A0];
	v42 =	vmul.f32 v39, v42;
	v27 =	vadd.f32 $0.0e+00, v27;
	v25 =	vadd.f32 v30, v25  }
0x114: {  	v43 =	vmul.f32 v39, v57;
	v39 =	vld [tilespmem:s30+$0x1B0];
	v24 =	vadd.f32 $0.0e+00, v24;
	v26 =	vadd.f32 v31, v26  }
0x115: {  	v51 =	vmul.f32 v35, v37;
	v31 =	vld [tilespmem:s30+$0x120];
	v27 =	vadd.f32 v32, v27;
	v25 =	vadd.f32 v61, v25  }
0x116: {  	v24 =	vadd.f32 v29, v24;
	v32 =	vld [tilespmem:s30+$0x130];
	v33 =	vmul.f32 v28, v33;
	v26 =	vadd.f32 v62, v26  }
0x117: {  	v57 =	vld [tilespmem:s30+$0x200];
	v29 =	vmul.f32 v49, v50;
	v27 =	vadd.f32 v63, v27;
	v25 =	vadd.f32 v40, v25  }
0x118: {  	v24 =	vadd.f32 v34, v24;
	v34 =	vld [tilespmem:s30+$0x190];
	v62 =	vmul.f32 v28, v54;
	v26 =	vadd.f32 v41, v26  }
0x119: {  	v54 =	vmul.f32 v35, v36;
	v27 =	vadd.f32 v42, v27;
	v41 =	vld.idx.msk [tilespmem:v19+s19+$0x0], $0xffff;
	v25 =	vadd.f32 v45, v25  }
0x11a: {  	v24 =	vadd.f32 v43, v24;
	v40 =	vld [tilespmem:s30+$0x210];
	v48 =	vmul.f32 v28, v31;
	v26 =	vadd.f32 v46, v26  }
0x11b: {  	v61 =	vld [tilespmem:s30+$0x220];
	v28 =	vmul.f32 v28, v32;
	v27 =	vadd.f32 v47, v27;
	v25 =	vadd.f32 v56, v25  }
0x11c: {  	v63 =	vld [tilespmem:s30+$0x230];
	v24 =	vadd.f32 v55, v24;
	v55 =	vmul.f32 v35, v39;
	v26 =	vadd.f32 v58, v26  }
0x11d: {  	v53 =	vld [tilespmem:s30+$0x290];
	v52 =	vmul.f32 v35, v34;
	v27 =	vadd.f32 v59, v27;
	v25 =	vadd.f32 v62, v25  }
0x11e: {  	v24 =	vadd.f32 v60, v24;
	v56 =	vld [tilespmem:s30+$0x2A0];
	v57 =	vmul.f32 v41, v57;
	v26 =	vadd.f32 v33, v26  }
0x11f: {  	v58 =	vld [tilespmem:s30+$0x2B0];
	v59 =	vmul.f32 v41, v40;
	v27 =	vadd.f32 v48, v27;
	v25 =	vadd.f32 v51, v25  }
0x120: {  	v60 =	vmul.f32 v41, v61;
	v24 =	vadd.f32 v28, v24;
	v26 =	vadd.f32 v52, v26  }
0x121: {  	v61 =	vmul.f32 v41, v63;
	v27 =	vadd.f32 v54, v27;
	v25 =	vadd.f32 v57, v25  }
0x122: {  	v33 =	vmul.f32 v49, v53;
	v24 =	vadd.f32 v55, v24;
	v26 =	vadd.f32 v59, v26  }
0x123: {  	p0 =	sne.s32 s3, $0x7;
	v62 =	vmul.f32 v49, v56;
	v27 =	vadd.f32 v60, v27;
	v25 =	vadd.f32 v29, v25  }
.Ltmp1:
0x124: {  	v63 =	vmul.f32 v49, v58;
	v24 =	vadd.f32 v61, v24;
	v26 =	vadd.f32 v33, v26;
	(pc) =	sbr.rel @p0 .LBB2_5-.Ltmp1, $4  }
0x125: {  	v27 =	vadd.f32 v62, v27;
	[tilespmem:s31+$0xFFFFFFE0] =	vst v25  }
0x126: {  	vm8 =	vmmov vm13;
	vm13 =	vmmov vm1;
	v24 =	vadd.f32 v63, v24;
	[tilespmem:s31+$0xFFFFFFF0] =	vst v26  }
0x127: {  	s29 =	sadd.s32 $0x80, s29;
	s25 =	sadd.s32 $0x80, s25;
	vm7 =	vmmov vm12;
	vm12 =	vmmov vm0;
	vm0 =	vmmov vm11;
	[tilespmem:s31+$0x0] =	vst v27  }
0x128: {  	s3 =	sadd.s32 $0x1, s3;
	vm6 =	vmmov vm9;
	vm9 =	vmmov vm14;
	vm14 =	vmmov vm2;
	s30 =	sadd.s32 $0x800, s30;
	[tilespmem:s31+$0x10] =	vst v24;
	s31 =	sadd.s32 $0x80, s31  }
0x129: {  	s3 =	sshll.u32 s28, $0x9  }
0x12a: {  	s13 =	sadd.s32 s1, s3;
	s3 =	simm.s32 $0x0  }
0x12b: {  	[hbm4b:s13+s3] =	stream.linear.scatter [tilespmem:s20], [sflag:$0x2], $0x8000, $0x38;
	[tilespmem:$0x14D00] =	vst v63  }
0x12c: {  	_ =	swait.ge [sflag:s12], $0x8000  }
0x12d: {  	[sflag:s12] =	ssyncset.done $0x0  }
0x12e: {  	[sflag:s12] =	ssyncadd.s32 $0xFFFF8000  }
0x12f: {  	s25 =	simm.s32 $0x1;
	s28 =	smov.u32 s0;
	v24 =	vld [tilespmem:s0+$0x0]  }
.LBB2_7:
0x130: {  	p0 =	sne.s32 s25, $0x7;
	v25 =	vmov s3;
	s3 =	smov.u32 s25  }
0x131: {  	v25 =	vshll.u32 v25, $0x7  }
0x132: {  	v25 =	vand.u32 $0x380, v25  }
0x133: {  	v25 =	vbroadcast v25, $0x0  }
0x134: {  	v26 =	vand.u32 $0x7F, v24;
	v24 =	vshll.u32 v24, $0x3  }
0x135: {  	v24 =	vand.u32 $0xFFFFFC00, v24;
	v25 =	vor.u32 v25, v26  }
0x136: {  	v24 =	vor.u32 v24, v25;
	_ =	sdelay $0x1  }
.Ltmp2:
0x137: {  	(pc) =	sbr.rel @p0 .LBB2_7-.Ltmp2, $3  }
0x138: {  	_ =	sdelay $0x1  }
0x139: {  	s28 =	sadd.s32 $0x80, s28;
	[tilespmem:v24+s20+$0x0] =	vst.idx.msk vm5, v0  }
0x13a: {  	s25 =	sadd.s32 $0x1, s25;
	v24 =	vld [tilespmem:s28+$0x0]  }
0x13b: {  	v25 =	vmov s3  }
0x13c: {  	v25 =	vshll.u32 v25, $0x7  }
0x13d: {  	v25 =	vand.u32 $0x380, v25  }
0x13e: {  	v25 =	vbroadcast v25, $0x0  }
0x13f: {  	v26 =	vand.u32 $0x7F, v24;
	v63 =	vshll.u32 v24, $0x3  }
0x140: {  	s26 =	sadd.s32 $0x1, s26;
	v24 =	vand.u32 $0xFFFFFC00, v63;
	v25 =	vor.u32 v25, v26  }
0x141: {  	p0 =	sne.s32 s26, $0x10;
	v24 =	vor.u32 v24, v25  }
.Ltmp3:
0x142: {  	_ = 	snop;
	(pc) =	sbr.rel @p0 .LBB2_4-.Ltmp3, $2  }
0x143: {  	_ =	sdelay $0x2  }
0x144: {  	s0 =	sadd.s32 $0x400, s0;
	s24 =	sadd.s32 $0x400, s24;
	[tilespmem:v24+s20+$0x0] =	vst.idx.msk vm5, v0  }
0x145: {  	s22 =	sadd.s32 $0x1, s22  }
0x146: {  	p0 =	sne.s32 s22, s11  }
.Ltmp4:
0x147: {  	_ = 	snop;
	(pc) =	sbr.rel @p0 .LBB2_1-.Ltmp4, $4  }
0x148: {  	[hbm4b:s10+s2] =	stream.linear.scatter [tilespmem:s21], [sflag:$0x2], $0x4000, $0x38;
	[tilespmem:$0x14D00] =	vst v63  }
0x149: {  	_ =	swait.ge [sflag:s12], $0x4000  }
0x14a: {  	[sflag:s12] =	ssyncset.done $0x0  }
0x14b: {  	[sflag:s12] =	ssyncadd.s32 $0xFFFFC000  }
0x14c: {  	_ =	sfence.sel $0x180000  }
0x14d: {  	[bflag:$0x0] =	sbarrier.arrive $0xFFFF  }
0x14e: {  	_ =	strace $0x90000047  }
0x14f: {  	s0 =	stileid.u32;
	[bflag:$0x2] =	sbarrier.arrive $0xFFFF  }
0x150: {  	p0 =	sne.s32 s0, $0x0;
	s0 =	rddreg [dreg:$0x3]  }
0x151: {  	s0 =	sadd.s32 @!p0 $0x100000, s0  }
0x152: {  	[sflag:s0] =	ssyncadd.tile.s32 @!p0 $0x1;
	_ =	shalt  }
.Lfunc_end2:
_tile_overlayer_lowered:
.L_overlay_start_2:
0x153: {  	(tag) =	ssettag $0x2  }
0x154: {  	s0 =	rddreg [dreg:$0x0];
	s2 =	stileid.u32  }
0x155: {  	s1 =	rddreg [dreg:$0x1];
	p0 =	sne.s32 s2, $0x0  }
0x156: {  	s3 =	rddreg [dreg:$0x2];
	[bflag:$0x3] =	sbarrier.arrive $0xFFFF;
	s2 =	simm.s32 @!p0 $0x1C02  }
0x157: {  	[timem:s3], [sflag:s2] =	dma.local @!p0 [hbm:s0], s1  }
0x158: {  	s0 =	simm.s32 @!p0 $0x2  }
0x159: {  	_ =	swait.ge @!p0 [sflag:s0], s1  }
0x15a: {  	s1 =	ssub.s32 @!p0 $0x0, s1;
	[sflag:s0] =	ssyncset.done @!p0 $0x0  }
0x15b: {  	[sflag:s0] =	ssyncadd.s32 @!p0 s1  }
0x15c: {  	[bflag:$0x3] =	sbarrier.arrive $0xFFFF  }
0x15d: {  	_ =	shalt  }

</sc_bundles>
